<compile_context>
chip_gen: v7x
topology: tpu7x:2x2x1
jax: 0.10.2.dev20260603
libtpu: 0.0.44.dev20260713+nightly
codegen_flags: <defaults>
</compile_context>

<pallas_src>
import functools

import jax
import jax.numpy as jnp
from jax import lax
from jax.experimental import pallas as pl
from jax.experimental.pallas import tpu as pltpu
from jax.experimental.pallas import tpu_sc as plsc

B, S, D = 4, 2048, 1024
NC, NS, L = 2, 16, 16
NW = NC * NS
S_PER_W = S // NW
R_SUB = 8
NG = S_PER_W // R_SUB
VPR = D // L
NRING = 3


def _sc_body(x_hbm, t_hbm, o_hbm, *refs):
    xbufs = [[refs[r * B + b] for b in range(B)] for r in range(NRING)]
    tbufs = list(refs[NRING * B:NRING * B + NRING])
    sems = refs[NRING * B + NRING:]
    sin = [[sems[r * B + b] for b in range(B)] for r in range(NRING)]
    sout = [[sems[NRING * B + r * B + b] for b in range(B)]
            for r in range(NRING)]
    stab = list(sems[2 * NRING * B:2 * NRING * B + NRING])

    wid = lax.axis_index("s") * NC + lax.axis_index("c")
    row0 = wid * S_PER_W

    in_d = [[None] * B for _ in range(NG)]
    out_d = [[None] * B for _ in range(NG)]
    t_d = [None] * NG

    def issue_group(g):
        r = row0 + g * R_SUB
        slot = g % NRING
        t_d[g] = pltpu.async_copy(
            t_hbm.at[pl.ds(r, R_SUB)], tbufs[slot], stab[slot])
        for b in range(B):
            in_d[g][b] = pltpu.async_copy(
                x_hbm.at[b, pl.ds(r, R_SUB)], xbufs[slot][b], sin[slot][b])

    issue_group(0)
    issue_group(1)

    for g in range(NG):
        slot = g % NRING
        t_d[g].wait()
        for b in range(B):
            in_d[g][b].wait()
        tb = tbufs[slot]
        xa, xbb, xc, xd = xbufs[slot]

        @plsc.parallel_loop(0, R_SUB * VPR, step=1, unroll=4)
        def add_loop(i):
            row = i >> 6
            col = (i & (VPR - 1)) * L
            v = tb[row, pl.ds(col, L)]
            plsc.addupdate(xa.at[row, pl.ds(col, L)], v)
            plsc.addupdate(xbb.at[row, pl.ds(col, L)], v)
            plsc.addupdate(xc.at[row, pl.ds(col, L)], v)
            plsc.addupdate(xd.at[row, pl.ds(col, L)], v)

        gn = g + 2
        if gn < NG:
            if gn - NRING >= 0:
                for b in range(B):
                    out_d[gn - NRING][b].wait()
            issue_group(gn)

        r = row0 + g * R_SUB
        for b in range(B):
            out_d[g][b] = pltpu.async_copy(
                xbufs[slot][b], o_hbm.at[b, pl.ds(r, R_SUB)], sout[slot][b])

    for g in range(max(0, NG - NRING), NG):
        for b in range(B):
            if out_d[g][b] is not None:
                out_d[g][b].wait()


_sc_call = functools.partial(
    pl.kernel,
    mesh=plsc.VectorSubcoreMesh(core_axis_name="c", subcore_axis_name="s"),
    out_type=jax.ShapeDtypeStruct((B, S, D), jnp.float32),
    scratch_types=(
        [pltpu.VMEM((R_SUB, D), jnp.float32)] * (NRING * B + NRING)
        + [pltpu.SemaphoreType.DMA] * (2 * NRING * B + NRING)
    ),
)


def kernel(x, pos_table):
    batch, seq_len, d_model = x.shape
    return _sc_call(_sc_body)(x, pos_table[:seq_len])

# --- scband reference (transcript-rebuilt; emitter-appended) ---
"""Pipeline reference for scband-learned-positional-encoding-14903536517885 (READ-ONLY COPY).

The authoritative reference and input builder live on the scoring server;
editing this copy changes nothing except your own understanding.
"""

import jax, jax.numpy as jnp
import numpy as np

D_MODEL = 1024
MAX_LEN = 2048
BATCH = 4
SEQ_LEN = 2048

def setup_inputs(seed: int = 0) -> dict:
    key = jax.random.key(seed)
    k1, k2 = jax.random.split(key)
    x = jax.random.normal(k1, (BATCH, SEQ_LEN, D_MODEL), dtype=jnp.float32)
    # nn.Embedding default init: N(0, 1)
    pos_table = jax.random.normal(k2, (MAX_LEN, D_MODEL), dtype=jnp.float32)
    return {"x": x, "pos_table": pos_table}

def reference(x, pos_table):
    seq_len = x.shape[1]
    positions = jnp.arange(seq_len)
    pos_emb = jnp.take(pos_table, positions, axis=0)  # [S, d_model]
    out = x + pos_emb[None, :, :]
    # Dropout in eval mode: identity
    return out

if __name__ == "__main__":
    import jax
    _d = setup_inputs()
    print(jax.jit(kernel)(*tuple(_d.values())))

</pallas_src>

<mosaic_0001>
#map = affine_map<(d0, d1) -> (0, 0, 0)>
#map1 = affine_map<(d0, d1) -> (0, 0)>
module attributes {stable_mosaic.version = 14 : i64} {
  func.func @_sc_body(%arg0: i32, %arg1: i32, %arg2: memref<4x2048x1024xf32, #tpu.memory_space<hbm>>, %arg3: memref<2048x1024xf32, #tpu.memory_space<hbm>>, %arg4: memref<4x2048x1024xf32, #tpu.memory_space<hbm>>, %arg5: memref<8x1024xf32, #tpu.memory_space<vmem>>, %arg6: memref<8x1024xf32, #tpu.memory_space<vmem>>, %arg7: memref<8x1024xf32, #tpu.memory_space<vmem>>, %arg8: memref<8x1024xf32, #tpu.memory_space<vmem>>, %arg9: memref<8x1024xf32, #tpu.memory_space<vmem>>, %arg10: memref<8x1024xf32, #tpu.memory_space<vmem>>, %arg11: memref<8x1024xf32, #tpu.memory_space<vmem>>, %arg12: memref<8x1024xf32, #tpu.memory_space<vmem>>, %arg13: memref<8x1024xf32, #tpu.memory_space<vmem>>, %arg14: memref<8x1024xf32, #tpu.memory_space<vmem>>, %arg15: memref<8x1024xf32, #tpu.memory_space<vmem>>, %arg16: memref<8x1024xf32, #tpu.memory_space<vmem>>, %arg17: memref<8x1024xf32, #tpu.memory_space<vmem>>, %arg18: memref<8x1024xf32, #tpu.memory_space<vmem>>, %arg19: memref<8x1024xf32, #tpu.memory_space<vmem>>, %arg20: memref<!tpu.dma_semaphore, #tpu.memory_space<semaphore_mem>>, %arg21: memref<!tpu.dma_semaphore, #tpu.memory_space<semaphore_mem>>, %arg22: memref<!tpu.dma_semaphore, #tpu.memory_space<semaphore_mem>>, %arg23: memref<!tpu.dma_semaphore, #tpu.memory_space<semaphore_mem>>, %arg24: memref<!tpu.dma_semaphore, #tpu.memory_space<semaphore_mem>>, %arg25: memref<!tpu.dma_semaphore, #tpu.memory_space<semaphore_mem>>, %arg26: memref<!tpu.dma_semaphore, #tpu.memory_space<semaphore_mem>>, %arg27: memref<!tpu.dma_semaphore, #tpu.memory_space<semaphore_mem>>, %arg28: memref<!tpu.dma_semaphore, #tpu.memory_space<semaphore_mem>>, %arg29: memref<!tpu.dma_semaphore, #tpu.memory_space<semaphore_mem>>, %arg30: memref<!tpu.dma_semaphore, #tpu.memory_space<semaphore_mem>>, %arg31: memref<!tpu.dma_semaphore, #tpu.memory_space<semaphore_mem>>, %arg32: memref<!tpu.dma_semaphore, #tpu.memory_space<semaphore_mem>>, %arg33: memref<!tpu.dma_semaphore, #tpu.memory_space<semaphore_mem>>, %arg34: memref<!tpu.dma_semaphore, #tpu.memory_space<semaphore_mem>>, %arg35: memref<!tpu.dma_semaphore, #tpu.memory_space<semaphore_mem>>, %arg36: memref<!tpu.dma_semaphore, #tpu.memory_space<semaphore_mem>>, %arg37: memref<!tpu.dma_semaphore, #tpu.memory_space<semaphore_mem>>, %arg38: memref<!tpu.dma_semaphore, #tpu.memory_space<semaphore_mem>>, %arg39: memref<!tpu.dma_semaphore, #tpu.memory_space<semaphore_mem>>, %arg40: memref<!tpu.dma_semaphore, #tpu.memory_space<semaphore_mem>>, %arg41: memref<!tpu.dma_semaphore, #tpu.memory_space<semaphore_mem>>, %arg42: memref<!tpu.dma_semaphore, #tpu.memory_space<semaphore_mem>>, %arg43: memref<!tpu.dma_semaphore, #tpu.memory_space<semaphore_mem>>, %arg44: memref<!tpu.dma_semaphore, #tpu.memory_space<semaphore_mem>>, %arg45: memref<!tpu.dma_semaphore, #tpu.memory_space<semaphore_mem>>, %arg46: memref<!tpu.dma_semaphore, #tpu.memory_space<semaphore_mem>>) attributes {dimension_semantics = [#tpu.dimension_semantics<core_parallel>, #tpu.dimension_semantics<subcore_parallel>], iteration_bounds = array<i64: 2, 16>, scalar_prefetch = 0 : i64, scratch_operands = 42 : i64, tpu.core_type = #tpu.core_type<sc_vector_subcore>, window_params = [{transform_indices = #map}, {transform_indices = #map1}, {transform_indices = #map}]} {
    %mul3A = arith.constant 2 : i32
    %mul3A_0 = arith.muli %arg1, %mul3A : i32
    %add3A = arith.addi %mul3A_0, %arg0 : i32
    %mul3A_1 = arith.constant 64 : i32
    %mul3A_2 = arith.muli %add3A, %mul3A_1 : i32
    %add3A_3 = arith.constant 0 : i32
    %add3A_4 = arith.addi %mul3A_2, %add3A_3 : i32
    %dma_start3A = arith.constant 0 : i32
    %dma_start3A_5 = tpu.memref_slice %arg3[%add3A_4, %dma_start3A] : memref<2048x1024xf32, #tpu.memory_space<hbm>> -> memref<8x1024xf32, #tpu.memory_space<hbm>>
    %dma_start3A_6 = arith.constant 0 : i32
    %dma_start3A_7 = tpu.memref_slice %arg3[%add3A_4, %dma_start3A_6] : memref<2048x1024xf32, #tpu.memory_space<hbm>> -> memref<8x1024xf32, #tpu.memory_space<hbm>>
    tpu.enqueue_dma source(%dma_start3A_7 : memref<8x1024xf32, #tpu.memory_space<hbm>>) target(%arg17 : memref<8x1024xf32, #tpu.memory_space<vmem>>) target_semaphore(%arg44 : memref<!tpu.dma_semaphore, #tpu.memory_space<semaphore_mem>>)
    %dma_start3A_8 = arith.constant 0 : i32
    %dma_start3A_9 = arith.constant 0 : i32
    %dma_start3A_10 = tpu.memref_slice %arg2[%dma_start3A_8, %add3A_4, %dma_start3A_9] : memref<4x2048x1024xf32, #tpu.memory_space<hbm>> -> memref<1x8x1024xf32, #tpu.memory_space<hbm>>
    %dma_start3A_11 = tpu.memref_squeeze %dma_start3A_10 : memref<1x8x1024xf32, #tpu.memory_space<hbm>> -> memref<8x1024xf32, #tpu.memory_space<hbm>>
    %dma_start3A_12 = arith.constant 0 : i32
    %dma_start3A_13 = tpu.memref_slice %arg2[%dma_start3A_8, %add3A_4, %dma_start3A_12] : memref<4x2048x1024xf32, #tpu.memory_space<hbm>> -> memref<1x8x1024xf32, #tpu.memory_space<hbm>>
    %dma_start3A_14 = tpu.memref_squeeze %dma_start3A_13 : memref<1x8x1024xf32, #tpu.memory_space<hbm>> -> memref<8x1024xf32, #tpu.memory_space<hbm>>
    tpu.enqueue_dma source(%dma_start3A_14 : memref<8x1024xf32, #tpu.memory_space<hbm>>) target(%arg5 : memref<8x1024xf32, #tpu.memory_space<vmem>>) target_semaphore(%arg20 : memref<!tpu.dma_semaphore, #tpu.memory_space<semaphore_mem>>)
    %dma_start3A_15 = arith.constant 1 : i32
    %dma_start3A_16 = arith.constant 0 : i32
    %dma_start3A_17 = tpu.memref_slice %arg2[%dma_start3A_15, %add3A_4, %dma_start3A_16] : memref<4x2048x1024xf32, #tpu.memory_space<hbm>> -> memref<1x8x1024xf32, #tpu.memory_space<hbm>>
    %dma_start3A_18 = tpu.memref_squeeze %dma_start3A_17 : memref<1x8x1024xf32, #tpu.memory_space<hbm>> -> memref<8x1024xf32, #tpu.memory_space<hbm>>
    %dma_start3A_19 = arith.constant 0 : i32
    %dma_start3A_20 = tpu.memref_slice %arg2[%dma_start3A_15, %add3A_4, %dma_start3A_19] : memref<4x2048x1024xf32, #tpu.memory_space<hbm>> -> memref<1x8x1024xf32, #tpu.memory_space<hbm>>
    %dma_start3A_21 = tpu.memref_squeeze %dma_start3A_20 : memref<1x8x1024xf32, #tpu.memory_space<hbm>> -> memref<8x1024xf32, #tpu.memory_space<hbm>>
    tpu.enqueue_dma source(%dma_start3A_21 : memref<8x1024xf32, #tpu.memory_space<hbm>>) target(%arg6 : memref<8x1024xf32, #tpu.memory_space<vmem>>) target_semaphore(%arg21 : memref<!tpu.dma_semaphore, #tpu.memory_space<semaphore_mem>>)
    %dma_start3A_22 = arith.constant 2 : i32
    %dma_start3A_23 = arith.constant 0 : i32
    %dma_start3A_24 = tpu.memref_slice %arg2[%dma_start3A_22, %add3A_4, %dma_start3A_23] : memref<4x2048x1024xf32, #tpu.memory_space<hbm>> -> memref<1x8x1024xf32, #tpu.memory_space<hbm>>
    %dma_start3A_25 = tpu.memref_squeeze %dma_start3A_24 : memref<1x8x1024xf32, #tpu.memory_space<hbm>> -> memref<8x1024xf32, #tpu.memory_space<hbm>>
    %dma_start3A_26 = arith.constant 0 : i32
    %dma_start3A_27 = tpu.memref_slice %arg2[%dma_start3A_22, %add3A_4, %dma_start3A_26] : memref<4x2048x1024xf32, #tpu.memory_space<hbm>> -> memref<1x8x1024xf32, #tpu.memory_space<hbm>>
    %dma_start3A_28 = tpu.memref_squeeze %dma_start3A_27 : memref<1x8x1024xf32, #tpu.memory_space<hbm>> -> memref<8x1024xf32, #tpu.memory_space<hbm>>
    tpu.enqueue_dma source(%dma_start3A_28 : memref<8x1024xf32, #tpu.memory_space<hbm>>) target(%arg7 : memref<8x1024xf32, #tpu.memory_space<vmem>>) target_semaphore(%arg22 : memref<!tpu.dma_semaphore, #tpu.memory_space<semaphore_mem>>)
    %dma_start3A_29 = arith.constant 3 : i32
    %dma_start3A_30 = arith.constant 0 : i32
    %dma_start3A_31 = tpu.memref_slice %arg2[%dma_start3A_29, %add3A_4, %dma_start3A_30] : memref<4x2048x1024xf32, #tpu.memory_space<hbm>> -> memref<1x8x1024xf32, #tpu.memory_space<hbm>>
    %dma_start3A_32 = tpu.memref_squeeze %dma_start3A_31 : memref<1x8x1024xf32, #tpu.memory_space<hbm>> -> memref<8x1024xf32, #tpu.memory_space<hbm>>
    %dma_start3A_33 = arith.constant 0 : i32
    %dma_start3A_34 = tpu.memref_slice %arg2[%dma_start3A_29, %add3A_4, %dma_start3A_33] : memref<4x2048x1024xf32, #tpu.memory_space<hbm>> -> memref<1x8x1024xf32, #tpu.memory_space<hbm>>
    %dma_start3A_35 = tpu.memref_squeeze %dma_start3A_34 : memref<1x8x1024xf32, #tpu.memory_space<hbm>> -> memref<8x1024xf32, #tpu.memory_space<hbm>>
    tpu.enqueue_dma source(%dma_start3A_35 : memref<8x1024xf32, #tpu.memory_space<hbm>>) target(%arg8 : memref<8x1024xf32, #tpu.memory_space<vmem>>) target_semaphore(%arg23 : memref<!tpu.dma_semaphore, #tpu.memory_space<semaphore_mem>>)
    %add3A_36 = arith.constant 8 : i32
    %add3A_37 = arith.addi %mul3A_2, %add3A_36 : i32
    %dma_start3A_38 = arith.constant 0 : i32
    %dma_start3A_39 = tpu.memref_slice %arg3[%add3A_37, %dma_start3A_38] : memref<2048x1024xf32, #tpu.memory_space<hbm>> -> memref<8x1024xf32, #tpu.memory_space<hbm>>
    %dma_start3A_40 = arith.constant 0 : i32
    %dma_start3A_41 = tpu.memref_slice %arg3[%add3A_37, %dma_start3A_40] : memref<2048x1024xf32, #tpu.memory_space<hbm>> -> memref<8x1024xf32, #tpu.memory_space<hbm>>
    tpu.enqueue_dma source(%dma_start3A_41 : memref<8x1024xf32, #tpu.memory_space<hbm>>) target(%arg18 : memref<8x1024xf32, #tpu.memory_space<vmem>>) target_semaphore(%arg45 : memref<!tpu.dma_semaphore, #tpu.memory_space<semaphore_mem>>)
    %dma_start3A_42 = arith.constant 0 : i32
    %dma_start3A_43 = arith.constant 0 : i32
    %dma_start3A_44 = tpu.memref_slice %arg2[%dma_start3A_42, %add3A_37, %dma_start3A_43] : memref<4x2048x1024xf32, #tpu.memory_space<hbm>> -> memref<1x8x1024xf32, #tpu.memory_space<hbm>>
    %dma_start3A_45 = tpu.memref_squeeze %dma_start3A_44 : memref<1x8x1024xf32, #tpu.memory_space<hbm>> -> memref<8x1024xf32, #tpu.memory_space<hbm>>
    %dma_start3A_46 = arith.constant 0 : i32
    %dma_start3A_47 = tpu.memref_slice %arg2[%dma_start3A_42, %add3A_37, %dma_start3A_46] : memref<4x2048x1024xf32, #tpu.memory_space<hbm>> -> memref<1x8x1024xf32, #tpu.memory_space<hbm>>
    %dma_start3A_48 = tpu.memref_squeeze %dma_start3A_47 : memref<1x8x1024xf32, #tpu.memory_space<hbm>> -> memref<8x1024xf32, #tpu.memory_space<hbm>>
    tpu.enqueue_dma source(%dma_start3A_48 : memref<8x1024xf32, #tpu.memory_space<hbm>>) target(%arg9 : memref<8x1024xf32, #tpu.memory_space<vmem>>) target_semaphore(%arg24 : memref<!tpu.dma_semaphore, #tpu.memory_space<semaphore_mem>>)
    %dma_start3A_49 = arith.constant 1 : i32
    %dma_start3A_50 = arith.constant 0 : i32
    %dma_start3A_51 = tpu.memref_slice %arg2[%dma_start3A_49, %add3A_37, %dma_start3A_50] : memref<4x2048x1024xf32, #tpu.memory_space<hbm>> -> memref<1x8x1024xf32, #tpu.memory_space<hbm>>
    %dma_start3A_52 = tpu.memref_squeeze %dma_start3A_51 : memref<1x8x1024xf32, #tpu.memory_space<hbm>> -> memref<8x1024xf32, #tpu.memory_space<hbm>>
    %dma_start3A_53 = arith.constant 0 : i32
    %dma_start3A_54 = tpu.memref_slice %arg2[%dma_start3A_49, %add3A_37, %dma_start3A_53] : memref<4x2048x1024xf32, #tpu.memory_space<hbm>> -> memref<1x8x1024xf32, #tpu.memory_space<hbm>>
    %dma_start3A_55 = tpu.memref_squeeze %dma_start3A_54 : memref<1x8x1024xf32, #tpu.memory_space<hbm>> -> memref<8x1024xf32, #tpu.memory_space<hbm>>
    tpu.enqueue_dma source(%dma_start3A_55 : memref<8x1024xf32, #tpu.memory_space<hbm>>) target(%arg10 : memref<8x1024xf32, #tpu.memory_space<vmem>>) target_semaphore(%arg25 : memref<!tpu.dma_semaphore, #tpu.memory_space<semaphore_mem>>)
    %dma_start3A_56 = arith.constant 2 : i32
    %dma_start3A_57 = arith.constant 0 : i32
    %dma_start3A_58 = tpu.memref_slice %arg2[%dma_start3A_56, %add3A_37, %dma_start3A_57] : memref<4x2048x1024xf32, #tpu.memory_space<hbm>> -> memref<1x8x1024xf32, #tpu.memory_space<hbm>>
    %dma_start3A_59 = tpu.memref_squeeze %dma_start3A_58 : memref<1x8x1024xf32, #tpu.memory_space<hbm>> -> memref<8x1024xf32, #tpu.memory_space<hbm>>
    %dma_start3A_60 = arith.constant 0 : i32
    %dma_start3A_61 = tpu.memref_slice %arg2[%dma_start3A_56, %add3A_37, %dma_start3A_60] : memref<4x2048x1024xf32, #tpu.memory_space<hbm>> -> memref<1x8x1024xf32, #tpu.memory_space<hbm>>
    %dma_start3A_62 = tpu.memref_squeeze %dma_start3A_61 : memref<1x8x1024xf32, #tpu.memory_space<hbm>> -> memref<8x1024xf32, #tpu.memory_space<hbm>>
    tpu.enqueue_dma source(%dma_start3A_62 : memref<8x1024xf32, #tpu.memory_space<hbm>>) target(%arg11 : memref<8x1024xf32, #tpu.memory_space<vmem>>) target_semaphore(%arg26 : memref<!tpu.dma_semaphore, #tpu.memory_space<semaphore_mem>>)
    %dma_start3A_63 = arith.constant 3 : i32
    %dma_start3A_64 = arith.constant 0 : i32
    %dma_start3A_65 = tpu.memref_slice %arg2[%dma_start3A_63, %add3A_37, %dma_start3A_64] : memref<4x2048x1024xf32, #tpu.memory_space<hbm>> -> memref<1x8x1024xf32, #tpu.memory_space<hbm>>
    %dma_start3A_66 = tpu.memref_squeeze %dma_start3A_65 : memref<1x8x1024xf32, #tpu.memory_space<hbm>> -> memref<8x1024xf32, #tpu.memory_space<hbm>>
    %dma_start3A_67 = arith.constant 0 : i32
    %dma_start3A_68 = tpu.memref_slice %arg2[%dma_start3A_63, %add3A_37, %dma_start3A_67] : memref<4x2048x1024xf32, #tpu.memory_space<hbm>> -> memref<1x8x1024xf32, #tpu.memory_space<hbm>>
    %dma_start3A_69 = tpu.memref_squeeze %dma_start3A_68 : memref<1x8x1024xf32, #tpu.memory_space<hbm>> -> memref<8x1024xf32, #tpu.memory_space<hbm>>
    tpu.enqueue_dma source(%dma_start3A_69 : memref<8x1024xf32, #tpu.memory_space<hbm>>) target(%arg12 : memref<8x1024xf32, #tpu.memory_space<vmem>>) target_semaphore(%arg27 : memref<!tpu.dma_semaphore, #tpu.memory_space<semaphore_mem>>)
    %dma_wait3A = arith.constant 0 : i32
    %dma_wait3A_70 = tpu.memref_slice %arg3[%add3A_4, %dma_wait3A] : memref<2048x1024xf32, #tpu.memory_space<hbm>> -> memref<8x1024xf32, #tpu.memory_space<hbm>>
    %dma_wait3A_71 = arith.constant 0 : i32
    %dma_wait3A_72 = tpu.memref_slice %arg3[%add3A_4, %dma_wait3A_71] : memref<2048x1024xf32, #tpu.memory_space<hbm>> -> memref<8x1024xf32, #tpu.memory_space<hbm>>
    tpu.wait_dma2 semaphore(%arg44 : memref<!tpu.dma_semaphore, #tpu.memory_space<semaphore_mem>>) src(%dma_wait3A_72 : memref<8x1024xf32, #tpu.memory_space<hbm>>) dst(%arg17 : memref<8x1024xf32, #tpu.memory_space<vmem>>)
    %dma_wait3A_73 = arith.constant 0 : i32
    %dma_wait3A_74 = arith.constant 0 : i32
    %dma_wait3A_75 = tpu.memref_slice %arg2[%dma_wait3A_73, %add3A_4, %dma_wait3A_74] : memref<4x2048x1024xf32, #tpu.memory_space<hbm>> -> memref<1x8x1024xf32, #tpu.memory_space<hbm>>
    %dma_wait3A_76 = tpu.memref_squeeze %dma_wait3A_75 : memref<1x8x1024xf32, #tpu.memory_space<hbm>> -> memref<8x1024xf32, #tpu.memory_space<hbm>>
    %dma_wait3A_77 = arith.constant 0 : i32
    %dma_wait3A_78 = tpu.memref_slice %arg2[%dma_wait3A_73, %add3A_4, %dma_wait3A_77] : memref<4x2048x1024xf32, #tpu.memory_space<hbm>> -> memref<1x8x1024xf32, #tpu.memory_space<hbm>>
    %dma_wait3A_79 = tpu.memref_squeeze %dma_wait3A_78 : memref<1x8x1024xf32, #tpu.memory_space<hbm>> -> memref<8x1024xf32, #tpu.memory_space<hbm>>
    tpu.wait_dma2 semaphore(%arg20 : memref<!tpu.dma_semaphore, #tpu.memory_space<semaphore_mem>>) src(%dma_wait3A_79 : memref<8x1024xf32, #tpu.memory_space<hbm>>) dst(%arg5 : memref<8x1024xf32, #tpu.memory_space<vmem>>)
    %dma_wait3A_80 = arith.constant 1 : i32
    %dma_wait3A_81 = arith.constant 0 : i32
    %dma_wait3A_82 = tpu.memref_slice %arg2[%dma_wait3A_80, %add3A_4, %dma_wait3A_81] : memref<4x2048x1024xf32, #tpu.memory_space<hbm>> -> memref<1x8x1024xf32, #tpu.memory_space<hbm>>
    %dma_wait3A_83 = tpu.memref_squeeze %dma_wait3A_82 : memref<1x8x1024xf32, #tpu.memory_space<hbm>> -> memref<8x1024xf32, #tpu.memory_space<hbm>>
    %dma_wait3A_84 = arith.constant 0 : i32
    %dma_wait3A_85 = tpu.memref_slice %arg2[%dma_wait3A_80, %add3A_4, %dma_wait3A_84] : memref<4x2048x1024xf32, #tpu.memory_space<hbm>> -> memref<1x8x1024xf32, #tpu.memory_space<hbm>>
    %dma_wait3A_86 = tpu.memref_squeeze %dma_wait3A_85 : memref<1x8x1024xf32, #tpu.memory_space<hbm>> -> memref<8x1024xf32, #tpu.memory_space<hbm>>
    tpu.wait_dma2 semaphore(%arg21 : memref<!tpu.dma_semaphore, #tpu.memory_space<semaphore_mem>>) src(%dma_wait3A_86 : memref<8x1024xf32, #tpu.memory_space<hbm>>) dst(%arg6 : memref<8x1024xf32, #tpu.memory_space<vmem>>)
    %dma_wait3A_87 = arith.constant 2 : i32
    %dma_wait3A_88 = arith.constant 0 : i32
    %dma_wait3A_89 = tpu.memref_slice %arg2[%dma_wait3A_87, %add3A_4, %dma_wait3A_88] : memref<4x2048x1024xf32, #tpu.memory_space<hbm>> -> memref<1x8x1024xf32, #tpu.memory_space<hbm>>
    %dma_wait3A_90 = tpu.memref_squeeze %dma_wait3A_89 : memref<1x8x1024xf32, #tpu.memory_space<hbm>> -> memref<8x1024xf32, #tpu.memory_space<hbm>>
    %dma_wait3A_91 = arith.constant 0 : i32
    %dma_wait3A_92 = tpu.memref_slice %arg2[%dma_wait3A_87, %add3A_4, %dma_wait3A_91] : memref<4x2048x1024xf32, #tpu.memory_space<hbm>> -> memref<1x8x1024xf32, #tpu.memory_space<hbm>>
    %dma_wait3A_93 = tpu.memref_squeeze %dma_wait3A_92 : memref<1x8x1024xf32, #tpu.memory_space<hbm>> -> memref<8x1024xf32, #tpu.memory_space<hbm>>
    tpu.wait_dma2 semaphore(%arg22 : memref<!tpu.dma_semaphore, #tpu.memory_space<semaphore_mem>>) src(%dma_wait3A_93 : memref<8x1024xf32, #tpu.memory_space<hbm>>) dst(%arg7 : memref<8x1024xf32, #tpu.memory_space<vmem>>)
    %dma_wait3A_94 = arith.constant 3 : i32
    %dma_wait3A_95 = arith.constant 0 : i32
    %dma_wait3A_96 = tpu.memref_slice %arg2[%dma_wait3A_94, %add3A_4, %dma_wait3A_95] : memref<4x2048x1024xf32, #tpu.memory_space<hbm>> -> memref<1x8x1024xf32, #tpu.memory_space<hbm>>
    %dma_wait3A_97 = tpu.memref_squeeze %dma_wait3A_96 : memref<1x8x1024xf32, #tpu.memory_space<hbm>> -> memref<8x1024xf32, #tpu.memory_space<hbm>>
    %dma_wait3A_98 = arith.constant 0 : i32
    %dma_wait3A_99 = tpu.memref_slice %arg2[%dma_wait3A_94, %add3A_4, %dma_wait3A_98] : memref<4x2048x1024xf32, #tpu.memory_space<hbm>> -> memref<1x8x1024xf32, #tpu.memory_space<hbm>>
    %dma_wait3A_100 = tpu.memref_squeeze %dma_wait3A_99 : memref<1x8x1024xf32, #tpu.memory_space<hbm>> -> memref<8x1024xf32, #tpu.memory_space<hbm>>
    tpu.wait_dma2 semaphore(%arg23 : memref<!tpu.dma_semaphore, #tpu.memory_space<semaphore_mem>>) src(%dma_wait3A_100 : memref<8x1024xf32, #tpu.memory_space<hbm>>) dst(%arg8 : memref<8x1024xf32, #tpu.memory_space<vmem>>)
    %parallel_loop3A = arith.constant 0 : i32
    %parallel_loop3A_101 = arith.constant 512 : i32
    %parallel_loop3A_102 = arith.constant 1 : i32
    scf.for %parallel_loop3A_1016 = %parallel_loop3A to %parallel_loop3A_101 step %parallel_loop3A_102  : i32 {
      %parallel_loop3A_1017 = arith.constant 6 : i32
      %parallel_loop3A_1018 = arith.shrsi %parallel_loop3A_1016, %parallel_loop3A_1017 : i32
      %parallel_loop3A_1019 = arith.constant 63 : i32
      %parallel_loop3A_1020 = arith.andi %parallel_loop3A_1016, %parallel_loop3A_1019 : i32
      %parallel_loop3A_1021 = arith.constant 16 : i32
      %parallel_loop3A_1022 = arith.muli %parallel_loop3A_1020, %parallel_loop3A_1021 : i32
      %parallel_loop3A_1023 = arith.index_cast %parallel_loop3A_1018 : i32 to index
      %parallel_loop3A_1024 = arith.index_cast %parallel_loop3A_1022 : i32 to index
      %parallel_loop3A_1025 = tpu.vector_load %arg17[%parallel_loop3A_1023, %parallel_loop3A_1024] {strides = array<i32>} : memref<8x1024xf32, #tpu.memory_space<vmem>>, vector<1x16xf32>,
      %parallel_loop3A_1026 = vector.shape_cast %parallel_loop3A_1025 : vector<1x16xf32> to vector<16xf32>
      %parallel_loop3A_1027 = arith.index_cast %parallel_loop3A_1018 : i32 to index
      %parallel_loop3A_1028 = arith.index_cast %parallel_loop3A_1022 : i32 to index
      %parallel_loop3A_1029 = tpu.vector_load %arg5[%parallel_loop3A_1027, %parallel_loop3A_1028] {strides = array<i32>} : memref<8x1024xf32, #tpu.memory_space<vmem>>, vector<1x16xf32>,
      %parallel_loop3A_1030 = vector.shape_cast %parallel_loop3A_1029 : vector<1x16xf32> to vector<16xf32>
      %parallel_loop3A_1031 = vector.shape_cast %parallel_loop3A_1026 : vector<16xf32> to vector<1x16xf32>
      tpu.vector_store %arg5[%parallel_loop3A_1027, %parallel_loop3A_1028], %parallel_loop3A_1031 {add = true, strides = array<i32>} : memref<8x1024xf32, #tpu.memory_space<vmem>>, vector<1x16xf32>,
      %parallel_loop3A_1032 = arith.index_cast %parallel_loop3A_1018 : i32 to index
      %parallel_loop3A_1033 = arith.index_cast %parallel_loop3A_1022 : i32 to index
      %parallel_loop3A_1034 = tpu.vector_load %arg6[%parallel_loop3A_1032, %parallel_loop3A_1033] {strides = array<i32>} : memref<8x1024xf32, #tpu.memory_space<vmem>>, vector<1x16xf32>,
      %parallel_loop3A_1035 = vector.shape_cast %parallel_loop3A_1034 : vector<1x16xf32> to vector<16xf32>
      %parallel_loop3A_1036 = vector.shape_cast %parallel_loop3A_1026 : vector<16xf32> to vector<1x16xf32>
      tpu.vector_store %arg6[%parallel_loop3A_1032, %parallel_loop3A_1033], %parallel_loop3A_1036 {add = true, strides = array<i32>} : memref<8x1024xf32, #tpu.memory_space<vmem>>, vector<1x16xf32>,
      %parallel_loop3A_1037 = arith.index_cast %parallel_loop3A_1018 : i32 to index
      %parallel_loop3A_1038 = arith.index_cast %parallel_loop3A_1022 : i32 to index
      %parallel_loop3A_1039 = tpu.vector_load %arg7[%parallel_loop3A_1037, %parallel_loop3A_1038] {strides = array<i32>} : memref<8x1024xf32, #tpu.memory_space<vmem>>, vector<1x16xf32>,
      %parallel_loop3A_1040 = vector.shape_cast %parallel_loop3A_1039 : vector<1x16xf32> to vector<16xf32>
      %parallel_loop3A_1041 = vector.shape_cast %parallel_loop3A_1026 : vector<16xf32> to vector<1x16xf32>
      tpu.vector_store %arg7[%parallel_loop3A_1037, %parallel_loop3A_1038], %parallel_loop3A_1041 {add = true, strides = array<i32>} : memref<8x1024xf32, #tpu.memory_space<vmem>>, vector<1x16xf32>,
      %parallel_loop3A_1042 = arith.index_cast %parallel_loop3A_1018 : i32 to index
      %parallel_loop3A_1043 = arith.index_cast %parallel_loop3A_1022 : i32 to index
      %parallel_loop3A_1044 = tpu.vector_load %arg8[%parallel_loop3A_1042, %parallel_loop3A_1043] {strides = array<i32>} : memref<8x1024xf32, #tpu.memory_space<vmem>>, vector<1x16xf32>,
      %parallel_loop3A_1045 = vector.shape_cast %parallel_loop3A_1044 : vector<1x16xf32> to vector<16xf32>
      %parallel_loop3A_1046 = vector.shape_cast %parallel_loop3A_1026 : vector<16xf32> to vector<1x16xf32>
      tpu.vector_store %arg8[%parallel_loop3A_1042, %parallel_loop3A_1043], %parallel_loop3A_1046 {add = true, strides = array<i32>} : memref<8x1024xf32, #tpu.memory_space<vmem>>, vector<1x16xf32>,
    } {sc.loop_unroll_factor = 4 : i64, sc.parallel_access}
    %add3A_103 = arith.constant 16 : i32
    %add3A_104 = arith.addi %mul3A_2, %add3A_103 : i32
    %dma_start3A_105 = arith.constant 0 : i32
    %dma_start3A_106 = tpu.memref_slice %arg3[%add3A_104, %dma_start3A_105] : memref<2048x1024xf32, #tpu.memory_space<hbm>> -> memref<8x1024xf32, #tpu.memory_space<hbm>>
    %dma_start3A_107 = arith.constant 0 : i32
    %dma_start3A_108 = tpu.memref_slice %arg3[%add3A_104, %dma_start3A_107] : memref<2048x1024xf32, #tpu.memory_space<hbm>> -> memref<8x1024xf32, #tpu.memory_space<hbm>>
    tpu.enqueue_dma source(%dma_start3A_108 : memref<8x1024xf32, #tpu.memory_space<hbm>>) target(%arg19 : memref<8x1024xf32, #tpu.memory_space<vmem>>) target_semaphore(%arg46 : memref<!tpu.dma_semaphore, #tpu.memory_space<semaphore_mem>>)
    %dma_start3A_109 = arith.constant 0 : i32
    %dma_start3A_110 = arith.constant 0 : i32
    %dma_start3A_111 = tpu.memref_slice %arg2[%dma_start3A_109, %add3A_104, %dma_start3A_110] : memref<4x2048x1024xf32, #tpu.memory_space<hbm>> -> memref<1x8x1024xf32, #tpu.memory_space<hbm>>
    %dma_start3A_112 = tpu.memref_squeeze %dma_start3A_111 : memref<1x8x1024xf32, #tpu.memory_space<hbm>> -> memref<8x1024xf32, #tpu.memory_space<hbm>>
    %dma_start3A_113 = arith.constant 0 : i32
    %dma_start3A_114 = tpu.memref_slice %arg2[%dma_start3A_109, %add3A_104, %dma_start3A_113] : memref<4x2048x1024xf32, #tpu.memory_space<hbm>> -> memref<1x8x1024xf32, #tpu.memory_space<hbm>>
    %dma_start3A_115 = tpu.memref_squeeze %dma_start3A_114 : memref<1x8x1024xf32, #tpu.memory_space<hbm>> -> memref<8x1024xf32, #tpu.memory_space<hbm>>
    tpu.enqueue_dma source(%dma_start3A_115 : memref<8x1024xf32, #tpu.memory_space<hbm>>) target(%arg13 : memref<8x1024xf32, #tpu.memory_space<vmem>>) target_semaphore(%arg28 : memref<!tpu.dma_semaphore, #tpu.memory_space<semaphore_mem>>)
    %dma_start3A_116 = arith.constant 1 : i32
    %dma_start3A_117 = arith.constant 0 : i32
    %dma_start3A_118 = tpu.memref_slice %arg2[%dma_start3A_116, %add3A_104, %dma_start3A_117] : memref<4x2048x1024xf32, #tpu.memory_space<hbm>> -> memref<1x8x1024xf32, #tpu.memory_space<hbm>>
    %dma_start3A_119 = tpu.memref_squeeze %dma_start3A_118 : memref<1x8x1024xf32, #tpu.memory_space<hbm>> -> memref<8x1024xf32, #tpu.memory_space<hbm>>
    %dma_start3A_120 = arith.constant 0 : i32
    %dma_start3A_121 = tpu.memref_slice %arg2[%dma_start3A_116, %add3A_104, %dma_start3A_120] : memref<4x2048x1024xf32, #tpu.memory_space<hbm>> -> memref<1x8x1024xf32, #tpu.memory_space<hbm>>
    %dma_start3A_122 = tpu.memref_squeeze %dma_start3A_121 : memref<1x8x1024xf32, #tpu.memory_space<hbm>> -> memref<8x1024xf32, #tpu.memory_space<hbm>>
    tpu.enqueue_dma source(%dma_start3A_122 : memref<8x1024xf32, #tpu.memory_space<hbm>>) target(%arg14 : memref<8x1024xf32, #tpu.memory_space<vmem>>) target_semaphore(%arg29 : memref<!tpu.dma_semaphore, #tpu.memory_space<semaphore_mem>>)
    %dma_start3A_123 = arith.constant 2 : i32
    %dma_start3A_124 = arith.constant 0 : i32
    %dma_start3A_125 = tpu.memref_slice %arg2[%dma_start3A_123, %add3A_104, %dma_start3A_124] : memref<4x2048x1024xf32, #tpu.memory_space<hbm>> -> memref<1x8x1024xf32, #tpu.memory_space<hbm>>
    %dma_start3A_126 = tpu.memref_squeeze %dma_start3A_125 : memref<1x8x1024xf32, #tpu.memory_space<hbm>> -> memref<8x1024xf32, #tpu.memory_space<hbm>>
    %dma_start3A_127 = arith.constant 0 : i32
    %dma_start3A_128 = tpu.memref_slice %arg2[%dma_start3A_123, %add3A_104, %dma_start3A_127] : memref<4x2048x1024xf32, #tpu.memory_space<hbm>> -> memref<1x8x1024xf32, #tpu.memory_space<hbm>>
    %dma_start3A_129 = tpu.memref_squeeze %dma_start3A_128 : memref<1x8x1024xf32, #tpu.memory_space<hbm>> -> memref<8x1024xf32, #tpu.memory_space<hbm>>
    tpu.enqueue_dma source(%dma_start3A_129 : memref<8x1024xf32, #tpu.memory_space<hbm>>) target(%arg15 : memref<8x1024xf32, #tpu.memory_space<vmem>>) target_semaphore(%arg30 : memref<!tpu.dma_semaphore, #tpu.memory_space<semaphore_mem>>)
    %dma_start3A_130 = arith.constant 3 : i32
    %dma_start3A_131 = arith.constant 0 : i32
    %dma_start3A_132 = tpu.memref_slice %arg2[%dma_start3A_130, %add3A_104, %dma_start3A_131] : memref<4x2048x1024xf32, #tpu.memory_space<hbm>> -> memref<1x8x1024xf32, #tpu.memory_space<hbm>>
    %dma_start3A_133 = tpu.memref_squeeze %dma_start3A_132 : memref<1x8x1024xf32, #tpu.memory_space<hbm>> -> memref<8x1024xf32, #tpu.memory_space<hbm>>
    %dma_start3A_134 = arith.constant 0 : i32
    %dma_start3A_135 = tpu.memref_slice %arg2[%dma_start3A_130, %add3A_104, %dma_start3A_134] : memref<4x2048x1024xf32, #tpu.memory_space<hbm>> -> memref<1x8x1024xf32, #tpu.memory_space<hbm>>
    %dma_start3A_136 = tpu.memref_squeeze %dma_start3A_135 : memref<1x8x1024xf32, #tpu.memory_space<hbm>> -> memref<8x1024xf32, #tpu.memory_space<hbm>>
    tpu.enqueue_dma source(%dma_start3A_136 : memref<8x1024xf32, #tpu.memory_space<hbm>>) target(%arg16 : memref<8x1024xf32, #tpu.memory_space<vmem>>) target_semaphore(%arg31 : memref<!tpu.dma_semaphore, #tpu.memory_space<semaphore_mem>>)
    %add3A_137 = arith.constant 0 : i32
    %add3A_138 = arith.addi %mul3A_2, %add3A_137 : i32
    %dma_start3A_139 = arith.constant 0 : i32
    %dma_start3A_140 = arith.constant 0 : i32
    %dma_start3A_141 = tpu.memref_slice %arg4[%dma_start3A_139, %add3A_138, %dma_start3A_140] : memref<4x2048x1024xf32, #tpu.memory_space<hbm>> -> memref<1x8x1024xf32, #tpu.memory_space<hbm>>
    %dma_start3A_142 = tpu.memref_squeeze %dma_start3A_141 : memref<1x8x1024xf32, #tpu.memory_space<hbm>> -> memref<8x1024xf32, #tpu.memory_space<hbm>>
    %dma_start3A_143 = arith.constant 0 : i32
    %dma_start3A_144 = tpu.memref_slice %arg4[%dma_start3A_139, %add3A_138, %dma_start3A_143] : memref<4x2048x1024xf32, #tpu.memory_space<hbm>> -> memref<1x8x1024xf32, #tpu.memory_space<hbm>>
    %dma_start3A_145 = tpu.memref_squeeze %dma_start3A_144 : memref<1x8x1024xf32, #tpu.memory_space<hbm>> -> memref<8x1024xf32, #tpu.memory_space<hbm>>
    tpu.enqueue_dma source(%arg5 : memref<8x1024xf32, #tpu.memory_space<vmem>>) target(%dma_start3A_145 : memref<8x1024xf32, #tpu.memory_space<hbm>>) target_semaphore(%arg32 : memref<!tpu.dma_semaphore, #tpu.memory_space<semaphore_mem>>)
    %dma_start3A_146 = arith.constant 1 : i32
    %dma_start3A_147 = arith.constant 0 : i32
    %dma_start3A_148 = tpu.memref_slice %arg4[%dma_start3A_146, %add3A_138, %dma_start3A_147] : memref<4x2048x1024xf32, #tpu.memory_space<hbm>> -> memref<1x8x1024xf32, #tpu.memory_space<hbm>>
    %dma_start3A_149 = tpu.memref_squeeze %dma_start3A_148 : memref<1x8x1024xf32, #tpu.memory_space<hbm>> -> memref<8x1024xf32, #tpu.memory_space<hbm>>
    %dma_start3A_150 = arith.constant 0 : i32
    %dma_start3A_151 = tpu.memref_slice %arg4[%dma_start3A_146, %add3A_138, %dma_start3A_150] : memref<4x2048x1024xf32, #tpu.memory_space<hbm>> -> memref<1x8x1024xf32, #tpu.memory_space<hbm>>
    %dma_start3A_152 = tpu.memref_squeeze %dma_start3A_151 : memref<1x8x1024xf32, #tpu.memory_space<hbm>> -> memref<8x1024xf32, #tpu.memory_space<hbm>>
    tpu.enqueue_dma source(%arg6 : memref<8x1024xf32, #tpu.memory_space<vmem>>) target(%dma_start3A_152 : memref<8x1024xf32, #tpu.memory_space<hbm>>) target_semaphore(%arg33 : memref<!tpu.dma_semaphore, #tpu.memory_space<semaphore_mem>>)
    %dma_start3A_153 = arith.constant 2 : i32
    %dma_start3A_154 = arith.constant 0 : i32
    %dma_start3A_155 = tpu.memref_slice %arg4[%dma_start3A_153, %add3A_138, %dma_start3A_154] : memref<4x2048x1024xf32, #tpu.memory_space<hbm>> -> memref<1x8x1024xf32, #tpu.memory_space<hbm>>
    %dma_start3A_156 = tpu.memref_squeeze %dma_start3A_155 : memref<1x8x1024xf32, #tpu.memory_space<hbm>> -> memref<8x1024xf32, #tpu.memory_space<hbm>>
    %dma_start3A_157 = arith.constant 0 : i32
    %dma_start3A_158 = tpu.memref_slice %arg4[%dma_start3A_153, %add3A_138, %dma_start3A_157] : memref<4x2048x1024xf32, #tpu.memory_space<hbm>> -> memref<1x8x1024xf32, #tpu.memory_space<hbm>>
    %dma_start3A_159 = tpu.memref_squeeze %dma_start3A_158 : memref<1x8x1024xf32, #tpu.memory_space<hbm>> -> memref<8x1024xf32, #tpu.memory_space<hbm>>
    tpu.enqueue_dma source(%arg7 : memref<8x1024xf32, #tpu.memory_space<vmem>>) target(%dma_start3A_159 : memref<8x1024xf32, #tpu.memory_space<hbm>>) target_semaphore(%arg34 : memref<!tpu.dma_semaphore, #tpu.memory_space<semaphore_mem>>)
    %dma_start3A_160 = arith.constant 3 : i32
    %dma_start3A_161 = arith.constant 0 : i32
    %dma_start3A_162 = tpu.memref_slice %arg4[%dma_start3A_160, %add3A_138, %dma_start3A_161] : memref<4x2048x1024xf32, #tpu.memory_space<hbm>> -> memref<1x8x1024xf32, #tpu.memory_space<hbm>>
    %dma_start3A_163 = tpu.memref_squeeze %dma_start3A_162 : memref<1x8x1024xf32, #tpu.memory_space<hbm>> -> memref<8x1024xf32, #tpu.memory_space<hbm>>
    %dma_start3A_164 = arith.constant 0 : i32
    %dma_start3A_165 = tpu.memref_slice %arg4[%dma_start3A_160, %add3A_138, %dma_start3A_164] : memref<4x2048x1024xf32, #tpu.memory_space<hbm>> -> memref<1x8x1024xf32, #tpu.memory_space<hbm>>
    %dma_start3A_166 = tpu.memref_squeeze %dma_start3A_165 : memref<1x8x1024xf32, #tpu.memory_space<hbm>> -> memref<8x1024xf32, #tpu.memory_space<hbm>>
    tpu.enqueue_dma source(%arg8 : memref<8x1024xf32, #tpu.memory_space<vmem>>) target(%dma_start3A_166 : memref<8x1024xf32, #tpu.memory_space<hbm>>) target_semaphore(%arg35 : memref<!tpu.dma_semaphore, #tpu.memory_space<semaphore_mem>>)
    %dma_wait3A_167 = arith.constant 0 : i32
    %dma_wait3A_168 = tpu.memref_slice %arg3[%add3A_37, %dma_wait3A_167] : memref<2048x1024xf32, #tpu.memory_space<hbm>> -> memref<8x1024xf32, #tpu.memory_space<hbm>>
    %dma_wait3A_169 = arith.constant 0 : i32
    %dma_wait3A_170 = tpu.memref_slice %arg3[%add3A_37, %dma_wait3A_169] : memref<2048x1024xf32, #tpu.memory_space<hbm>> -> memref<8x1024xf32, #tpu.memory_space<hbm>>
    tpu.wait_dma2 semaphore(%arg45 : memref<!tpu.dma_semaphore, #tpu.memory_space<semaphore_mem>>) src(%dma_wait3A_170 : memref<8x1024xf32, #tpu.memory_space<hbm>>) dst(%arg18 : memref<8x1024xf32, #tpu.memory_space<vmem>>)
    %dma_wait3A_171 = arith.constant 0 : i32
    %dma_wait3A_172 = arith.constant 0 : i32
    %dma_wait3A_173 = tpu.memref_slice %arg2[%dma_wait3A_171, %add3A_37, %dma_wait3A_172] : memref<4x2048x1024xf32, #tpu.memory_space<hbm>> -> memref<1x8x1024xf32, #tpu.memory_space<hbm>>
    %dma_wait3A_174 = tpu.memref_squeeze %dma_wait3A_173 : memref<1x8x1024xf32, #tpu.memory_space<hbm>> -> memref<8x1024xf32, #tpu.memory_space<hbm>>
    %dma_wait3A_175 = arith.constant 0 : i32
    %dma_wait3A_176 = tpu.memref_slice %arg2[%dma_wait3A_171, %add3A_37, %dma_wait3A_175] : memref<4x2048x1024xf32, #tpu.memory_space<hbm>> -> memref<1x8x1024xf32, #tpu.memory_space<hbm>>
    %dma_wait3A_177 = tpu.memref_squeeze %dma_wait3A_176 : memref<1x8x1024xf32, #tpu.memory_space<hbm>> -> memref<8x1024xf32, #tpu.memory_space<hbm>>
    tpu.wait_dma2 semaphore(%arg24 : memref<!tpu.dma_semaphore, #tpu.memory_space<semaphore_mem>>) src(%dma_wait3A_177 : memref<8x1024xf32, #tpu.memory_space<hbm>>) dst(%arg9 : memref<8x1024xf32, #tpu.memory_space<vmem>>)
    %dma_wait3A_178 = arith.constant 1 : i32
    %dma_wait3A_179 = arith.constant 0 : i32
    %dma_wait3A_180 = tpu.memref_slice %arg2[%dma_wait3A_178, %add3A_37, %dma_wait3A_179] : memref<4x2048x1024xf32, #tpu.memory_space<hbm>> -> memref<1x8x1024xf32, #tpu.memory_space<hbm>>
    %dma_wait3A_181 = tpu.memref_squeeze %dma_wait3A_180 : memref<1x8x1024xf32, #tpu.memory_space<hbm>> -> memref<8x1024xf32, #tpu.memory_space<hbm>>
    %dma_wait3A_182 = arith.constant 0 : i32
    %dma_wait3A_183 = tpu.memref_slice %arg2[%dma_wait3A_178, %add3A_37, %dma_wait3A_182] : memref<4x2048x1024xf32, #tpu.memory_space<hbm>> -> memref<1x8x1024xf32, #tpu.memory_space<hbm>>
    %dma_wait3A_184 = tpu.memref_squeeze %dma_wait3A_183 : memref<1x8x1024xf32, #tpu.memory_space<hbm>> -> memref<8x1024xf32, #tpu.memory_space<hbm>>
    tpu.wait_dma2 semaphore(%arg25 : memref<!tpu.dma_semaphore, #tpu.memory_space<semaphore_mem>>) src(%dma_wait3A_184 : memref<8x1024xf32, #tpu.memory_space<hbm>>) dst(%arg10 : memref<8x1024xf32, #tpu.memory_space<vmem>>)
    %dma_wait3A_185 = arith.constant 2 : i32
    %dma_wait3A_186 = arith.constant 0 : i32
    %dma_wait3A_187 = tpu.memref_slice %arg2[%dma_wait3A_185, %add3A_37, %dma_wait3A_186] : memref<4x2048x1024xf32, #tpu.memory_space<hbm>> -> memref<1x8x1024xf32, #tpu.memory_space<hbm>>
    %dma_wait3A_188 = tpu.memref_squeeze %dma_wait3A_187 : memref<1x8x1024xf32, #tpu.memory_space<hbm>> -> memref<8x1024xf32, #tpu.memory_space<hbm>>
    %dma_wait3A_189 = arith.constant 0 : i32
    %dma_wait3A_190 = tpu.memref_slice %arg2[%dma_wait3A_185, %add3A_37, %dma_wait3A_189] : memref<4x2048x1024xf32, #tpu.memory_space<hbm>> -> memref<1x8x1024xf32, #tpu.memory_space<hbm>>
    %dma_wait3A_191 = tpu.memref_squeeze %dma_wait3A_190 : memref<1x8x1024xf32, #tpu.memory_space<hbm>> -> memref<8x1024xf32, #tpu.memory_space<hbm>>
    tpu.wait_dma2 semaphore(%arg26 : memref<!tpu.dma_semaphore, #tpu.memory_space<semaphore_mem>>) src(%dma_wait3A_191 : memref<8x1024xf32, #tpu.memory_space<hbm>>) dst(%arg11 : memref<8x1024xf32, #tpu.memory_space<vmem>>)
    %dma_wait3A_192 = arith.constant 3 : i32
    %dma_wait3A_193 = arith.constant 0 : i32
    %dma_wait3A_194 = tpu.memref_slice %arg2[%dma_wait3A_192, %add3A_37, %dma_wait3A_193] : memref<4x2048x1024xf32, #tpu.memory_space<hbm>> -> memref<1x8x1024xf32, #tpu.memory_space<hbm>>
    %dma_wait3A_195 = tpu.memref_squeeze %dma_wait3A_194 : memref<1x8x1024xf32, #tpu.memory_space<hbm>> -> memref<8x1024xf32, #tpu.memory_space<hbm>>
    %dma_wait3A_196 = arith.constant 0 : i32
    %dma_wait3A_197 = tpu.memref_slice %arg2[%dma_wait3A_192, %add3A_37, %dma_wait3A_196] : memref<4x2048x1024xf32, #tpu.memory_space<hbm>> -> memref<1x8x1024xf32, #tpu.memory_space<hbm>>
    %dma_wait3A_198 = tpu.memref_squeeze %dma_wait3A_197 : memref<1x8x1024xf32, #tpu.memory_space<hbm>> -> memref<8x1024xf32, #tpu.memory_space<hbm>>
    tpu.wait_dma2 semaphore(%arg27 : memref<!tpu.dma_semaphore, #tpu.memory_space<semaphore_mem>>) src(%dma_wait3A_198 : memref<8x1024xf32, #tpu.memory_space<hbm>>) dst(%arg12 : memref<8x1024xf32, #tpu.memory_space<vmem>>)
    %parallel_loop3A_199 = arith.constant 0 : i32
    %parallel_loop3A_200 = arith.constant 512 : i32
    %parallel_loop3A_201 = arith.constant 1 : i32
    scf.for %parallel_loop3A_1016 = %parallel_loop3A_199 to %parallel_loop3A_200 step %parallel_loop3A_201  : i32 {
      %parallel_loop3A_1017 = arith.constant 6 : i32
      %parallel_loop3A_1018 = arith.shrsi %parallel_loop3A_1016, %parallel_loop3A_1017 : i32
      %parallel_loop3A_1019 = arith.constant 63 : i32
      %parallel_loop3A_1020 = arith.andi %parallel_loop3A_1016, %parallel_loop3A_1019 : i32
      %parallel_loop3A_1021 = arith.constant 16 : i32
      %parallel_loop3A_1022 = arith.muli %parallel_loop3A_1020, %parallel_loop3A_1021 : i32
      %parallel_loop3A_1023 = arith.index_cast %parallel_loop3A_1018 : i32 to index
      %parallel_loop3A_1024 = arith.index_cast %parallel_loop3A_1022 : i32 to index
      %parallel_loop3A_1025 = tpu.vector_load %arg18[%parallel_loop3A_1023, %parallel_loop3A_1024] {strides = array<i32>} : memref<8x1024xf32, #tpu.memory_space<vmem>>, vector<1x16xf32>,
      %parallel_loop3A_1026 = vector.shape_cast %parallel_loop3A_1025 : vector<1x16xf32> to vector<16xf32>
      %parallel_loop3A_1027 = arith.index_cast %parallel_loop3A_1018 : i32 to index
      %parallel_loop3A_1028 = arith.index_cast %parallel_loop3A_1022 : i32 to index
      %parallel_loop3A_1029 = tpu.vector_load %arg9[%parallel_loop3A_1027, %parallel_loop3A_1028] {strides = array<i32>} : memref<8x1024xf32, #tpu.memory_space<vmem>>, vector<1x16xf32>,
      %parallel_loop3A_1030 = vector.shape_cast %parallel_loop3A_1029 : vector<1x16xf32> to vector<16xf32>
      %parallel_loop3A_1031 = vector.shape_cast %parallel_loop3A_1026 : vector<16xf32> to vector<1x16xf32>
      tpu.vector_store %arg9[%parallel_loop3A_1027, %parallel_loop3A_1028], %parallel_loop3A_1031 {add = true, strides = array<i32>} : memref<8x1024xf32, #tpu.memory_space<vmem>>, vector<1x16xf32>,
      %parallel_loop3A_1032 = arith.index_cast %parallel_loop3A_1018 : i32 to index
      %parallel_loop3A_1033 = arith.index_cast %parallel_loop3A_1022 : i32 to index
      %parallel_loop3A_1034 = tpu.vector_load %arg10[%parallel_loop3A_1032, %parallel_loop3A_1033] {strides = array<i32>} : memref<8x1024xf32, #tpu.memory_space<vmem>>, vector<1x16xf32>,
      %parallel_loop3A_1035 = vector.shape_cast %parallel_loop3A_1034 : vector<1x16xf32> to vector<16xf32>
      %parallel_loop3A_1036 = vector.shape_cast %parallel_loop3A_1026 : vector<16xf32> to vector<1x16xf32>
      tpu.vector_store %arg10[%parallel_loop3A_1032, %parallel_loop3A_1033], %parallel_loop3A_1036 {add = true, strides = array<i32>} : memref<8x1024xf32, #tpu.memory_space<vmem>>, vector<1x16xf32>,
      %parallel_loop3A_1037 = arith.index_cast %parallel_loop3A_1018 : i32 to index
      %parallel_loop3A_1038 = arith.index_cast %parallel_loop3A_1022 : i32 to index
      %parallel_loop3A_1039 = tpu.vector_load %arg11[%parallel_loop3A_1037, %parallel_loop3A_1038] {strides = array<i32>} : memref<8x1024xf32, #tpu.memory_space<vmem>>, vector<1x16xf32>,
      %parallel_loop3A_1040 = vector.shape_cast %parallel_loop3A_1039 : vector<1x16xf32> to vector<16xf32>
      %parallel_loop3A_1041 = vector.shape_cast %parallel_loop3A_1026 : vector<16xf32> to vector<1x16xf32>
      tpu.vector_store %arg11[%parallel_loop3A_1037, %parallel_loop3A_1038], %parallel_loop3A_1041 {add = true, strides = array<i32>} : memref<8x1024xf32, #tpu.memory_space<vmem>>, vector<1x16xf32>,
      %parallel_loop3A_1042 = arith.index_cast %parallel_loop3A_1018 : i32 to index
      %parallel_loop3A_1043 = arith.index_cast %parallel_loop3A_1022 : i32 to index
      %parallel_loop3A_1044 = tpu.vector_load %arg12[%parallel_loop3A_1042, %parallel_loop3A_1043] {strides = array<i32>} : memref<8x1024xf32, #tpu.memory_space<vmem>>, vector<1x16xf32>,
      %parallel_loop3A_1045 = vector.shape_cast %parallel_loop3A_1044 : vector<1x16xf32> to vector<16xf32>
      %parallel_loop3A_1046 = vector.shape_cast %parallel_loop3A_1026 : vector<16xf32> to vector<1x16xf32>
      tpu.vector_store %arg12[%parallel_loop3A_1042, %parallel_loop3A_1043], %parallel_loop3A_1046 {add = true, strides = array<i32>} : memref<8x1024xf32, #tpu.memory_space<vmem>>, vector<1x16xf32>,
    } {sc.loop_unroll_factor = 4 : i64, sc.parallel_access}
    %dma_wait3A_202 = arith.constant 0 : i32
    %dma_wait3A_203 = arith.constant 0 : i32
    %dma_wait3A_204 = tpu.memref_slice %arg4[%dma_wait3A_202, %add3A_138, %dma_wait3A_203] : memref<4x2048x1024xf32, #tpu.memory_space<hbm>> -> memref<1x8x1024xf32, #tpu.memory_space<hbm>>
    %dma_wait3A_205 = tpu.memref_squeeze %dma_wait3A_204 : memref<1x8x1024xf32, #tpu.memory_space<hbm>> -> memref<8x1024xf32, #tpu.memory_space<hbm>>
    %dma_wait3A_206 = arith.constant 0 : i32
    %dma_wait3A_207 = tpu.memref_slice %arg4[%dma_wait3A_202, %add3A_138, %dma_wait3A_206] : memref<4x2048x1024xf32, #tpu.memory_space<hbm>> -> memref<1x8x1024xf32, #tpu.memory_space<hbm>>
    %dma_wait3A_208 = tpu.memref_squeeze %dma_wait3A_207 : memref<1x8x1024xf32, #tpu.memory_space<hbm>> -> memref<8x1024xf32, #tpu.memory_space<hbm>>
    tpu.wait_dma2 semaphore(%arg32 : memref<!tpu.dma_semaphore, #tpu.memory_space<semaphore_mem>>) src(%arg5 : memref<8x1024xf32, #tpu.memory_space<vmem>>) dst(%dma_wait3A_208 : memref<8x1024xf32, #tpu.memory_space<hbm>>)
    %dma_wait3A_209 = arith.constant 1 : i32
    %dma_wait3A_210 = arith.constant 0 : i32
    %dma_wait3A_211 = tpu.memref_slice %arg4[%dma_wait3A_209, %add3A_138, %dma_wait3A_210] : memref<4x2048x1024xf32, #tpu.memory_space<hbm>> -> memref<1x8x1024xf32, #tpu.memory_space<hbm>>
    %dma_wait3A_212 = tpu.memref_squeeze %dma_wait3A_211 : memref<1x8x1024xf32, #tpu.memory_space<hbm>> -> memref<8x1024xf32, #tpu.memory_space<hbm>>
    %dma_wait3A_213 = arith.constant 0 : i32
    %dma_wait3A_214 = tpu.memref_slice %arg4[%dma_wait3A_209, %add3A_138, %dma_wait3A_213] : memref<4x2048x1024xf32, #tpu.memory_space<hbm>> -> memref<1x8x1024xf32, #tpu.memory_space<hbm>>
    %dma_wait3A_215 = tpu.memref_squeeze %dma_wait3A_214 : memref<1x8x1024xf32, #tpu.memory_space<hbm>> -> memref<8x1024xf32, #tpu.memory_space<hbm>>
    tpu.wait_dma2 semaphore(%arg33 : memref<!tpu.dma_semaphore, #tpu.memory_space<semaphore_mem>>) src(%arg6 : memref<8x1024xf32, #tpu.memory_space<vmem>>) dst(%dma_wait3A_215 : memref<8x1024xf32, #tpu.memory_space<hbm>>)
    %dma_wait3A_216 = arith.constant 2 : i32
    %dma_wait3A_217 = arith.constant 0 : i32
    %dma_wait3A_218 = tpu.memref_slice %arg4[%dma_wait3A_216, %add3A_138, %dma_wait3A_217] : memref<4x2048x1024xf32, #tpu.memory_space<hbm>> -> memref<1x8x1024xf32, #tpu.memory_space<hbm>>
    %dma_wait3A_219 = tpu.memref_squeeze %dma_wait3A_218 : memref<1x8x1024xf32, #tpu.memory_space<hbm>> -> memref<8x1024xf32, #tpu.memory_space<hbm>>
    %dma_wait3A_220 = arith.constant 0 : i32
    %dma_wait3A_221 = tpu.memref_slice %arg4[%dma_wait3A_216, %add3A_138, %dma_wait3A_220] : memref<4x2048x1024xf32, #tpu.memory_space<hbm>> -> memref<1x8x1024xf32, #tpu.memory_space<hbm>>
    %dma_wait3A_222 = tpu.memref_squeeze %dma_wait3A_221 : memref<1x8x1024xf32, #tpu.memory_space<hbm>> -> memref<8x1024xf32, #tpu.memory_space<hbm>>
    tpu.wait_dma2 semaphore(%arg34 : memref<!tpu.dma_semaphore, #tpu.memory_space<semaphore_mem>>) src(%arg7 : memref<8x1024xf32, #tpu.memory_space<vmem>>) dst(%dma_wait3A_222 : memref<8x1024xf32, #tpu.memory_space<hbm>>)
    %dma_wait3A_223 = arith.constant 3 : i32
    %dma_wait3A_224 = arith.constant 0 : i32
    %dma_wait3A_225 = tpu.memref_slice %arg4[%dma_wait3A_223, %add3A_138, %dma_wait3A_224] : memref<4x2048x1024xf32, #tpu.memory_space<hbm>> -> memref<1x8x1024xf32, #tpu.memory_space<hbm>>
    %dma_wait3A_226 = tpu.memref_squeeze %dma_wait3A_225 : memref<1x8x1024xf32, #tpu.memory_space<hbm>> -> memref<8x1024xf32, #tpu.memory_space<hbm>>
    %dma_wait3A_227 = arith.constant 0 : i32
    %dma_wait3A_228 = tpu.memref_slice %arg4[%dma_wait3A_223, %add3A_138, %dma_wait3A_227] : memref<4x2048x1024xf32, #tpu.memory_space<hbm>> -> memref<1x8x1024xf32, #tpu.memory_space<hbm>>
    %dma_wait3A_229 = tpu.memref_squeeze %dma_wait3A_228 : memref<1x8x1024xf32, #tpu.memory_space<hbm>> -> memref<8x1024xf32, #tpu.memory_space<hbm>>
    tpu.wait_dma2 semaphore(%arg35 : memref<!tpu.dma_semaphore, #tpu.memory_space<semaphore_mem>>) src(%arg8 : memref<8x1024xf32, #tpu.memory_space<vmem>>) dst(%dma_wait3A_229 : memref<8x1024xf32, #tpu.memory_space<hbm>>)
    %add3A_230 = arith.constant 24 : i32
    %add3A_231 = arith.addi %mul3A_2, %add3A_230 : i32
    %dma_start3A_232 = arith.constant 0 : i32
    %dma_start3A_233 = tpu.memref_slice %arg3[%add3A_231, %dma_start3A_232] : memref<2048x1024xf32, #tpu.memory_space<hbm>> -> memref<8x1024xf32, #tpu.memory_space<hbm>>
    %dma_start3A_234 = arith.constant 0 : i32
    %dma_start3A_235 = tpu.memref_slice %arg3[%add3A_231, %dma_start3A_234] : memref<2048x1024xf32, #tpu.memory_space<hbm>> -> memref<8x1024xf32, #tpu.memory_space<hbm>>
    tpu.enqueue_dma source(%dma_start3A_235 : memref<8x1024xf32, #tpu.memory_space<hbm>>) target(%arg17 : memref<8x1024xf32, #tpu.memory_space<vmem>>) target_semaphore(%arg44 : memref<!tpu.dma_semaphore, #tpu.memory_space<semaphore_mem>>)
    %dma_start3A_236 = arith.constant 0 : i32
    %dma_start3A_237 = arith.constant 0 : i32
    %dma_start3A_238 = tpu.memref_slice %arg2[%dma_start3A_236, %add3A_231, %dma_start3A_237] : memref<4x2048x1024xf32, #tpu.memory_space<hbm>> -> memref<1x8x1024xf32, #tpu.memory_space<hbm>>
    %dma_start3A_239 = tpu.memref_squeeze %dma_start3A_238 : memref<1x8x1024xf32, #tpu.memory_space<hbm>> -> memref<8x1024xf32, #tpu.memory_space<hbm>>
    %dma_start3A_240 = arith.constant 0 : i32
    %dma_start3A_241 = tpu.memref_slice %arg2[%dma_start3A_236, %add3A_231, %dma_start3A_240] : memref<4x2048x1024xf32, #tpu.memory_space<hbm>> -> memref<1x8x1024xf32, #tpu.memory_space<hbm>>
    %dma_start3A_242 = tpu.memref_squeeze %dma_start3A_241 : memref<1x8x1024xf32, #tpu.memory_space<hbm>> -> memref<8x1024xf32, #tpu.memory_space<hbm>>
    tpu.enqueue_dma source(%dma_start3A_242 : memref<8x1024xf32, #tpu.memory_space<hbm>>) target(%arg5 : memref<8x1024xf32, #tpu.memory_space<vmem>>) target_semaphore(%arg20 : memref<!tpu.dma_semaphore, #tpu.memory_space<semaphore_mem>>)
    %dma_start3A_243 = arith.constant 1 : i32
    %dma_start3A_244 = arith.constant 0 : i32
    %dma_start3A_245 = tpu.memref_slice %arg2[%dma_start3A_243, %add3A_231, %dma_start3A_244] : memref<4x2048x1024xf32, #tpu.memory_space<hbm>> -> memref<1x8x1024xf32, #tpu.memory_space<hbm>>
    %dma_start3A_246 = tpu.memref_squeeze %dma_start3A_245 : memref<1x8x1024xf32, #tpu.memory_space<hbm>> -> memref<8x1024xf32, #tpu.memory_space<hbm>>
    %dma_start3A_247 = arith.constant 0 : i32
    %dma_start3A_248 = tpu.memref_slice %arg2[%dma_start3A_243, %add3A_231, %dma_start3A_247] : memref<4x2048x1024xf32, #tpu.memory_space<hbm>> -> memref<1x8x1024xf32, #tpu.memory_space<hbm>>
    %dma_start3A_249 = tpu.memref_squeeze %dma_start3A_248 : memref<1x8x1024xf32, #tpu.memory_space<hbm>> -> memref<8x1024xf32, #tpu.memory_space<hbm>>
    tpu.enqueue_dma source(%dma_start3A_249 : memref<8x1024xf32, #tpu.memory_space<hbm>>) target(%arg6 : memref<8x1024xf32, #tpu.memory_space<vmem>>) target_semaphore(%arg21 : memref<!tpu.dma_semaphore, #tpu.memory_space<semaphore_mem>>)
    %dma_start3A_250 = arith.constant 2 : i32
    %dma_start3A_251 = arith.constant 0 : i32
    %dma_start3A_252 = tpu.memref_slice %arg2[%dma_start3A_250, %add3A_231, %dma_start3A_251] : memref<4x2048x1024xf32, #tpu.memory_space<hbm>> -> memref<1x8x1024xf32, #tpu.memory_space<hbm>>
    %dma_start3A_253 = tpu.memref_squeeze %dma_start3A_252 : memref<1x8x1024xf32, #tpu.memory_space<hbm>> -> memref<8x1024xf32, #tpu.memory_space<hbm>>
    %dma_start3A_254 = arith.constant 0 : i32
    %dma_start3A_255 = tpu.memref_slice %arg2[%dma_start3A_250, %add3A_231, %dma_start3A_254] : memref<4x2048x1024xf32, #tpu.memory_space<hbm>> -> memref<1x8x1024xf32, #tpu.memory_space<hbm>>
    %dma_start3A_256 = tpu.memref_squeeze %dma_start3A_255 : memref<1x8x1024xf32, #tpu.memory_space<hbm>> -> memref<8x1024xf32, #tpu.memory_space<hbm>>
    tpu.enqueue_dma source(%dma_start3A_256 : memref<8x1024xf32, #tpu.memory_space<hbm>>) target(%arg7 : memref<8x1024xf32, #tpu.memory_space<vmem>>) target_semaphore(%arg22 : memref<!tpu.dma_semaphore, #tpu.memory_space<semaphore_mem>>)
    %dma_start3A_257 = arith.constant 3 : i32
    %dma_start3A_258 = arith.constant 0 : i32
    %dma_start3A_259 = tpu.memref_slice %arg2[%dma_start3A_257, %add3A_231, %dma_start3A_258] : memref<4x2048x1024xf32, #tpu.memory_space<hbm>> -> memref<1x8x1024xf32, #tpu.memory_space<hbm>>
    %dma_start3A_260 = tpu.memref_squeeze %dma_start3A_259 : memref<1x8x1024xf32, #tpu.memory_space<hbm>> -> memref<8x1024xf32, #tpu.memory_space<hbm>>
    %dma_start3A_261 = arith.constant 0 : i32
    %dma_start3A_262 = tpu.memref_slice %arg2[%dma_start3A_257, %add3A_231, %dma_start3A_261] : memref<4x2048x1024xf32, #tpu.memory_space<hbm>> -> memref<1x8x1024xf32, #tpu.memory_space<hbm>>
    %dma_start3A_263 = tpu.memref_squeeze %dma_start3A_262 : memref<1x8x1024xf32, #tpu.memory_space<hbm>> -> memref<8x1024xf32, #tpu.memory_space<hbm>>
    tpu.enqueue_dma source(%dma_start3A_263 : memref<8x1024xf32, #tpu.memory_space<hbm>>) target(%arg8 : memref<8x1024xf32, #tpu.memory_space<vmem>>) target_semaphore(%arg23 : memref<!tpu.dma_semaphore, #tpu.memory_space<semaphore_mem>>)
    %add3A_264 = arith.constant 8 : i32
    %add3A_265 = arith.addi %mul3A_2, %add3A_264 : i32
    %dma_start3A_266 = arith.constant 0 : i32
    %dma_start3A_267 = arith.constant 0 : i32
    %dma_start3A_268 = tpu.memref_slice %arg4[%dma_start3A_266, %add3A_265, %dma_start3A_267] : memref<4x2048x1024xf32, #tpu.memory_space<hbm>> -> memref<1x8x1024xf32, #tpu.memory_space<hbm>>
    %dma_start3A_269 = tpu.memref_squeeze %dma_start3A_268 : memref<1x8x1024xf32, #tpu.memory_space<hbm>> -> memref<8x1024xf32, #tpu.memory_space<hbm>>
    %dma_start3A_270 = arith.constant 0 : i32
    %dma_start3A_271 = tpu.memref_slice %arg4[%dma_start3A_266, %add3A_265, %dma_start3A_270] : memref<4x2048x1024xf32, #tpu.memory_space<hbm>> -> memref<1x8x1024xf32, #tpu.memory_space<hbm>>
    %dma_start3A_272 = tpu.memref_squeeze %dma_start3A_271 : memref<1x8x1024xf32, #tpu.memory_space<hbm>> -> memref<8x1024xf32, #tpu.memory_space<hbm>>
    tpu.enqueue_dma source(%arg9 : memref<8x1024xf32, #tpu.memory_space<vmem>>) target(%dma_start3A_272 : memref<8x1024xf32, #tpu.memory_space<hbm>>) target_semaphore(%arg36 : memref<!tpu.dma_semaphore, #tpu.memory_space<semaphore_mem>>)
    %dma_start3A_273 = arith.constant 1 : i32
    %dma_start3A_274 = arith.constant 0 : i32
    %dma_start3A_275 = tpu.memref_slice %arg4[%dma_start3A_273, %add3A_265, %dma_start3A_274] : memref<4x2048x1024xf32, #tpu.memory_space<hbm>> -> memref<1x8x1024xf32, #tpu.memory_space<hbm>>
    %dma_start3A_276 = tpu.memref_squeeze %dma_start3A_275 : memref<1x8x1024xf32, #tpu.memory_space<hbm>> -> memref<8x1024xf32, #tpu.memory_space<hbm>>
    %dma_start3A_277 = arith.constant 0 : i32
    %dma_start3A_278 = tpu.memref_slice %arg4[%dma_start3A_273, %add3A_265, %dma_start3A_277] : memref<4x2048x1024xf32, #tpu.memory_space<hbm>> -> memref<1x8x1024xf32, #tpu.memory_space<hbm>>
    %dma_start3A_279 = tpu.memref_squeeze %dma_start3A_278 : memref<1x8x1024xf32, #tpu.memory_space<hbm>> -> memref<8x1024xf32, #tpu.memory_space<hbm>>
    tpu.enqueue_dma source(%arg10 : memref<8x1024xf32, #tpu.memory_space<vmem>>) target(%dma_start3A_279 : memref<8x1024xf32, #tpu.memory_space<hbm>>) target_semaphore(%arg37 : memref<!tpu.dma_semaphore, #tpu.memory_space<semaphore_mem>>)
    %dma_start3A_280 = arith.constant 2 : i32
    %dma_start3A_281 = arith.constant 0 : i32
    %dma_start3A_282 = tpu.memref_slice %arg4[%dma_start3A_280, %add3A_265, %dma_start3A_281] : memref<4x2048x1024xf32, #tpu.memory_space<hbm>> -> memref<1x8x1024xf32, #tpu.memory_space<hbm>>
    %dma_start3A_283 = tpu.memref_squeeze %dma_start3A_282 : memref<1x8x1024xf32, #tpu.memory_space<hbm>> -> memref<8x1024xf32, #tpu.memory_space<hbm>>
    %dma_start3A_284 = arith.constant 0 : i32
    %dma_start3A_285 = tpu.memref_slice %arg4[%dma_start3A_280, %add3A_265, %dma_start3A_284] : memref<4x2048x1024xf32, #tpu.memory_space<hbm>> -> memref<1x8x1024xf32, #tpu.memory_space<hbm>>
    %dma_start3A_286 = tpu.memref_squeeze %dma_start3A_285 : memref<1x8x1024xf32, #tpu.memory_space<hbm>> -> memref<8x1024xf32, #tpu.memory_space<hbm>>
    tpu.enqueue_dma source(%arg11 : memref<8x1024xf32, #tpu.memory_space<vmem>>) target(%dma_start3A_286 : memref<8x1024xf32, #tpu.memory_space<hbm>>) target_semaphore(%arg38 : memref<!tpu.dma_semaphore, #tpu.memory_space<semaphore_mem>>)
    %dma_start3A_287 = arith.constant 3 : i32
    %dma_start3A_288 = arith.constant 0 : i32
    %dma_start3A_289 = tpu.memref_slice %arg4[%dma_start3A_287, %add3A_265, %dma_start3A_288] : memref<4x2048x1024xf32, #tpu.memory_space<hbm>> -> memref<1x8x1024xf32, #tpu.memory_space<hbm>>
    %dma_start3A_290 = tpu.memref_squeeze %dma_start3A_289 : memref<1x8x1024xf32, #tpu.memory_space<hbm>> -> memref<8x1024xf32, #tpu.memory_space<hbm>>
    %dma_start3A_291 = arith.constant 0 : i32
    %dma_start3A_292 = tpu.memref_slice %arg4[%dma_start3A_287, %add3A_265, %dma_start3A_291] : memref<4x2048x1024xf32, #tpu.memory_space<hbm>> -> memref<1x8x1024xf32, #tpu.memory_space<hbm>>
    %dma_start3A_293 = tpu.memref_squeeze %dma_start3A_292 : memref<1x8x1024xf32, #tpu.memory_space<hbm>> -> memref<8x1024xf32, #tpu.memory_space<hbm>>
    tpu.enqueue_dma source(%arg12 : memref<8x1024xf32, #tpu.memory_space<vmem>>) target(%dma_start3A_293 : memref<8x1024xf32, #tpu.memory_space<hbm>>) target_semaphore(%arg39 : memref<!tpu.dma_semaphore, #tpu.memory_space<semaphore_mem>>)
    %dma_wait3A_294 = arith.constant 0 : i32
    %dma_wait3A_295 = tpu.memref_slice %arg3[%add3A_104, %dma_wait3A_294] : memref<2048x1024xf32, #tpu.memory_space<hbm>> -> memref<8x1024xf32, #tpu.memory_space<hbm>>
    %dma_wait3A_296 = arith.constant 0 : i32
    %dma_wait3A_297 = tpu.memref_slice %arg3[%add3A_104, %dma_wait3A_296] : memref<2048x1024xf32, #tpu.memory_space<hbm>> -> memref<8x1024xf32, #tpu.memory_space<hbm>>
    tpu.wait_dma2 semaphore(%arg46 : memref<!tpu.dma_semaphore, #tpu.memory_space<semaphore_mem>>) src(%dma_wait3A_297 : memref<8x1024xf32, #tpu.memory_space<hbm>>) dst(%arg19 : memref<8x1024xf32, #tpu.memory_space<vmem>>)
    %dma_wait3A_298 = arith.constant 0 : i32
    %dma_wait3A_299 = arith.constant 0 : i32
    %dma_wait3A_300 = tpu.memref_slice %arg2[%dma_wait3A_298, %add3A_104, %dma_wait3A_299] : memref<4x2048x1024xf32, #tpu.memory_space<hbm>> -> memref<1x8x1024xf32, #tpu.memory_space<hbm>>
    %dma_wait3A_301 = tpu.memref_squeeze %dma_wait3A_300 : memref<1x8x1024xf32, #tpu.memory_space<hbm>> -> memref<8x1024xf32, #tpu.memory_space<hbm>>
    %dma_wait3A_302 = arith.constant 0 : i32
    %dma_wait3A_303 = tpu.memref_slice %arg2[%dma_wait3A_298, %add3A_104, %dma_wait3A_302] : memref<4x2048x1024xf32, #tpu.memory_space<hbm>> -> memref<1x8x1024xf32, #tpu.memory_space<hbm>>
    %dma_wait3A_304 = tpu.memref_squeeze %dma_wait3A_303 : memref<1x8x1024xf32, #tpu.memory_space<hbm>> -> memref<8x1024xf32, #tpu.memory_space<hbm>>
    tpu.wait_dma2 semaphore(%arg28 : memref<!tpu.dma_semaphore, #tpu.memory_space<semaphore_mem>>) src(%dma_wait3A_304 : memref<8x1024xf32, #tpu.memory_space<hbm>>) dst(%arg13 : memref<8x1024xf32, #tpu.memory_space<vmem>>)
    %dma_wait3A_305 = arith.constant 1 : i32
    %dma_wait3A_306 = arith.constant 0 : i32
    %dma_wait3A_307 = tpu.memref_slice %arg2[%dma_wait3A_305, %add3A_104, %dma_wait3A_306] : memref<4x2048x1024xf32, #tpu.memory_space<hbm>> -> memref<1x8x1024xf32, #tpu.memory_space<hbm>>
    %dma_wait3A_308 = tpu.memref_squeeze %dma_wait3A_307 : memref<1x8x1024xf32, #tpu.memory_space<hbm>> -> memref<8x1024xf32, #tpu.memory_space<hbm>>
    %dma_wait3A_309 = arith.constant 0 : i32
    %dma_wait3A_310 = tpu.memref_slice %arg2[%dma_wait3A_305, %add3A_104, %dma_wait3A_309] : memref<4x2048x1024xf32, #tpu.memory_space<hbm>> -> memref<1x8x1024xf32, #tpu.memory_space<hbm>>
    %dma_wait3A_311 = tpu.memref_squeeze %dma_wait3A_310 : memref<1x8x1024xf32, #tpu.memory_space<hbm>> -> memref<8x1024xf32, #tpu.memory_space<hbm>>
    tpu.wait_dma2 semaphore(%arg29 : memref<!tpu.dma_semaphore, #tpu.memory_space<semaphore_mem>>) src(%dma_wait3A_311 : memref<8x1024xf32, #tpu.memory_space<hbm>>) dst(%arg14 : memref<8x1024xf32, #tpu.memory_space<vmem>>)
    %dma_wait3A_312 = arith.constant 2 : i32
    %dma_wait3A_313 = arith.constant 0 : i32
    %dma_wait3A_314 = tpu.memref_slice %arg2[%dma_wait3A_312, %add3A_104, %dma_wait3A_313] : memref<4x2048x1024xf32, #tpu.memory_space<hbm>> -> memref<1x8x1024xf32, #tpu.memory_space<hbm>>
    %dma_wait3A_315 = tpu.memref_squeeze %dma_wait3A_314 : memref<1x8x1024xf32, #tpu.memory_space<hbm>> -> memref<8x1024xf32, #tpu.memory_space<hbm>>
    %dma_wait3A_316 = arith.constant 0 : i32
    %dma_wait3A_317 = tpu.memref_slice %arg2[%dma_wait3A_312, %add3A_104, %dma_wait3A_316] : memref<4x2048x1024xf32, #tpu.memory_space<hbm>> -> memref<1x8x1024xf32, #tpu.memory_space<hbm>>
    %dma_wait3A_318 = tpu.memref_squeeze %dma_wait3A_317 : memref<1x8x1024xf32, #tpu.memory_space<hbm>> -> memref<8x1024xf32, #tpu.memory_space<hbm>>
    tpu.wait_dma2 semaphore(%arg30 : memref<!tpu.dma_semaphore, #tpu.memory_space<semaphore_mem>>) src(%dma_wait3A_318 : memref<8x1024xf32, #tpu.memory_space<hbm>>) dst(%arg15 : memref<8x1024xf32, #tpu.memory_space<vmem>>)
    %dma_wait3A_319 = arith.constant 3 : i32
    %dma_wait3A_320 = arith.constant 0 : i32
    %dma_wait3A_321 = tpu.memref_slice %arg2[%dma_wait3A_319, %add3A_104, %dma_wait3A_320] : memref<4x2048x1024xf32, #tpu.memory_space<hbm>> -> memref<1x8x1024xf32, #tpu.memory_space<hbm>>
    %dma_wait3A_322 = tpu.memref_squeeze %dma_wait3A_321 : memref<1x8x1024xf32, #tpu.memory_space<hbm>> -> memref<8x1024xf32, #tpu.memory_space<hbm>>
    %dma_wait3A_323 = arith.constant 0 : i32
    %dma_wait3A_324 = tpu.memref_slice %arg2[%dma_wait3A_319, %add3A_104, %dma_wait3A_323] : memref<4x2048x1024xf32, #tpu.memory_space<hbm>> -> memref<1x8x1024xf32, #tpu.memory_space<hbm>>
    %dma_wait3A_325 = tpu.memref_squeeze %dma_wait3A_324 : memref<1x8x1024xf32, #tpu.memory_space<hbm>> -> memref<8x1024xf32, #tpu.memory_space<hbm>>
    tpu.wait_dma2 semaphore(%arg31 : memref<!tpu.dma_semaphore, #tpu.memory_space<semaphore_mem>>) src(%dma_wait3A_325 : memref<8x1024xf32, #tpu.memory_space<hbm>>) dst(%arg16 : memref<8x1024xf32, #tpu.memory_space<vmem>>)
    %parallel_loop3A_326 = arith.constant 0 : i32
    %parallel_loop3A_327 = arith.constant 512 : i32
    %parallel_loop3A_328 = arith.constant 1 : i32
    scf.for %parallel_loop3A_1016 = %parallel_loop3A_326 to %parallel_loop3A_327 step %parallel_loop3A_328  : i32 {
      %parallel_loop3A_1017 = arith.constant 6 : i32
      %parallel_loop3A_1018 = arith.shrsi %parallel_loop3A_1016, %parallel_loop3A_1017 : i32
      %parallel_loop3A_1019 = arith.constant 63 : i32
      %parallel_loop3A_1020 = arith.andi %parallel_loop3A_1016, %parallel_loop3A_1019 : i32
      %parallel_loop3A_1021 = arith.constant 16 : i32
      %parallel_loop3A_1022 = arith.muli %parallel_loop3A_1020, %parallel_loop3A_1021 : i32
      %parallel_loop3A_1023 = arith.index_cast %parallel_loop3A_1018 : i32 to index
      %parallel_loop3A_1024 = arith.index_cast %parallel_loop3A_1022 : i32 to index
      %parallel_loop3A_1025 = tpu.vector_load %arg19[%parallel_loop3A_1023, %parallel_loop3A_1024] {strides = array<i32>} : memref<8x1024xf32, #tpu.memory_space<vmem>>, vector<1x16xf32>,
      %parallel_loop3A_1026 = vector.shape_cast %parallel_loop3A_1025 : vector<1x16xf32> to vector<16xf32>
      %parallel_loop3A_1027 = arith.index_cast %parallel_loop3A_1018 : i32 to index
      %parallel_loop3A_1028 = arith.index_cast %parallel_loop3A_1022 : i32 to index
      %parallel_loop3A_1029 = tpu.vector_load %arg13[%parallel_loop3A_1027, %parallel_loop3A_1028] {strides = array<i32>} : memref<8x1024xf32, #tpu.memory_space<vmem>>, vector<1x16xf32>,
      %parallel_loop3A_1030 = vector.shape_cast %parallel_loop3A_1029 : vector<1x16xf32> to vector<16xf32>
      %parallel_loop3A_1031 = vector.shape_cast %parallel_loop3A_1026 : vector<16xf32> to vector<1x16xf32>
      tpu.vector_store %arg13[%parallel_loop3A_1027, %parallel_loop3A_1028], %parallel_loop3A_1031 {add = true, strides = array<i32>} : memref<8x1024xf32, #tpu.memory_space<vmem>>, vector<1x16xf32>,
      %parallel_loop3A_1032 = arith.index_cast %parallel_loop3A_1018 : i32 to index
      %parallel_loop3A_1033 = arith.index_cast %parallel_loop3A_1022 : i32 to index
      %parallel_loop3A_1034 = tpu.vector_load %arg14[%parallel_loop3A_1032, %parallel_loop3A_1033] {strides = array<i32>} : memref<8x1024xf32, #tpu.memory_space<vmem>>, vector<1x16xf32>,
      %parallel_loop3A_1035 = vector.shape_cast %parallel_loop3A_1034 : vector<1x16xf32> to vector<16xf32>
      %parallel_loop3A_1036 = vector.shape_cast %parallel_loop3A_1026 : vector<16xf32> to vector<1x16xf32>
      tpu.vector_store %arg14[%parallel_loop3A_1032, %parallel_loop3A_1033], %parallel_loop3A_1036 {add = true, strides = array<i32>} : memref<8x1024xf32, #tpu.memory_space<vmem>>, vector<1x16xf32>,
      %parallel_loop3A_1037 = arith.index_cast %parallel_loop3A_1018 : i32 to index
      %parallel_loop3A_1038 = arith.index_cast %parallel_loop3A_1022 : i32 to index
      %parallel_loop3A_1039 = tpu.vector_load %arg15[%parallel_loop3A_1037, %parallel_loop3A_1038] {strides = array<i32>} : memref<8x1024xf32, #tpu.memory_space<vmem>>, vector<1x16xf32>,
      %parallel_loop3A_1040 = vector.shape_cast %parallel_loop3A_1039 : vector<1x16xf32> to vector<16xf32>
      %parallel_loop3A_1041 = vector.shape_cast %parallel_loop3A_1026 : vector<16xf32> to vector<1x16xf32>
      tpu.vector_store %arg15[%parallel_loop3A_1037, %parallel_loop3A_1038], %parallel_loop3A_1041 {add = true, strides = array<i32>} : memref<8x1024xf32, #tpu.memory_space<vmem>>, vector<1x16xf32>,
      %parallel_loop3A_1042 = arith.index_cast %parallel_loop3A_1018 : i32 to index
      %parallel_loop3A_1043 = arith.index_cast %parallel_loop3A_1022 : i32 to index
      %parallel_loop3A_1044 = tpu.vector_load %arg16[%parallel_loop3A_1042, %parallel_loop3A_1043] {strides = array<i32>} : memref<8x1024xf32, #tpu.memory_space<vmem>>, vector<1x16xf32>,
      %parallel_loop3A_1045 = vector.shape_cast %parallel_loop3A_1044 : vector<1x16xf32> to vector<16xf32>
      %parallel_loop3A_1046 = vector.shape_cast %parallel_loop3A_1026 : vector<16xf32> to vector<1x16xf32>
      tpu.vector_store %arg16[%parallel_loop3A_1042, %parallel_loop3A_1043], %parallel_loop3A_1046 {add = true, strides = array<i32>} : memref<8x1024xf32, #tpu.memory_space<vmem>>, vector<1x16xf32>,
    } {sc.loop_unroll_factor = 4 : i64, sc.parallel_access}
    %dma_wait3A_329 = arith.constant 0 : i32
    %dma_wait3A_330 = arith.constant 0 : i32
    %dma_wait3A_331 = tpu.memref_slice %arg4[%dma_wait3A_329, %add3A_265, %dma_wait3A_330] : memref<4x2048x1024xf32, #tpu.memory_space<hbm>> -> memref<1x8x1024xf32, #tpu.memory_space<hbm>>
    %dma_wait3A_332 = tpu.memref_squeeze %dma_wait3A_331 : memref<1x8x1024xf32, #tpu.memory_space<hbm>> -> memref<8x1024xf32, #tpu.memory_space<hbm>>
    %dma_wait3A_333 = arith.constant 0 : i32
    %dma_wait3A_334 = tpu.memref_slice %arg4[%dma_wait3A_329, %add3A_265, %dma_wait3A_333] : memref<4x2048x1024xf32, #tpu.memory_space<hbm>> -> memref<1x8x1024xf32, #tpu.memory_space<hbm>>
    %dma_wait3A_335 = tpu.memref_squeeze %dma_wait3A_334 : memref<1x8x1024xf32, #tpu.memory_space<hbm>> -> memref<8x1024xf32, #tpu.memory_space<hbm>>
    tpu.wait_dma2 semaphore(%arg36 : memref<!tpu.dma_semaphore, #tpu.memory_space<semaphore_mem>>) src(%arg9 : memref<8x1024xf32, #tpu.memory_space<vmem>>) dst(%dma_wait3A_335 : memref<8x1024xf32, #tpu.memory_space<hbm>>)
    %dma_wait3A_336 = arith.constant 1 : i32
    %dma_wait3A_337 = arith.constant 0 : i32
    %dma_wait3A_338 = tpu.memref_slice %arg4[%dma_wait3A_336, %add3A_265, %dma_wait3A_337] : memref<4x2048x1024xf32, #tpu.memory_space<hbm>> -> memref<1x8x1024xf32, #tpu.memory_space<hbm>>
    %dma_wait3A_339 = tpu.memref_squeeze %dma_wait3A_338 : memref<1x8x1024xf32, #tpu.memory_space<hbm>> -> memref<8x1024xf32, #tpu.memory_space<hbm>>
    %dma_wait3A_340 = arith.constant 0 : i32
    %dma_wait3A_341 = tpu.memref_slice %arg4[%dma_wait3A_336, %add3A_265, %dma_wait3A_340] : memref<4x2048x1024xf32, #tpu.memory_space<hbm>> -> memref<1x8x1024xf32, #tpu.memory_space<hbm>>
    %dma_wait3A_342 = tpu.memref_squeeze %dma_wait3A_341 : memref<1x8x1024xf32, #tpu.memory_space<hbm>> -> memref<8x1024xf32, #tpu.memory_space<hbm>>
    tpu.wait_dma2 semaphore(%arg37 : memref<!tpu.dma_semaphore, #tpu.memory_space<semaphore_mem>>) src(%arg10 : memref<8x1024xf32, #tpu.memory_space<vmem>>) dst(%dma_wait3A_342 : memref<8x1024xf32, #tpu.memory_space<hbm>>)
    %dma_wait3A_343 = arith.constant 2 : i32
    %dma_wait3A_344 = arith.constant 0 : i32
    %dma_wait3A_345 = tpu.memref_slice %arg4[%dma_wait3A_343, %add3A_265, %dma_wait3A_344] : memref<4x2048x1024xf32, #tpu.memory_space<hbm>> -> memref<1x8x1024xf32, #tpu.memory_space<hbm>>
    %dma_wait3A_346 = tpu.memref_squeeze %dma_wait3A_345 : memref<1x8x1024xf32, #tpu.memory_space<hbm>> -> memref<8x1024xf32, #tpu.memory_space<hbm>>
    %dma_wait3A_347 = arith.constant 0 : i32
    %dma_wait3A_348 = tpu.memref_slice %arg4[%dma_wait3A_343, %add3A_265, %dma_wait3A_347] : memref<4x2048x1024xf32, #tpu.memory_space<hbm>> -> memref<1x8x1024xf32, #tpu.memory_space<hbm>>
    %dma_wait3A_349 = tpu.memref_squeeze %dma_wait3A_348 : memref<1x8x1024xf32, #tpu.memory_space<hbm>> -> memref<8x1024xf32, #tpu.memory_space<hbm>>
    tpu.wait_dma2 semaphore(%arg38 : memref<!tpu.dma_semaphore, #tpu.memory_space<semaphore_mem>>) src(%arg11 : memref<8x1024xf32, #tpu.memory_space<vmem>>) dst(%dma_wait3A_349 : memref<8x1024xf32, #tpu.memory_space<hbm>>)
    %dma_wait3A_350 = arith.constant 3 : i32
    %dma_wait3A_351 = arith.constant 0 : i32
    %dma_wait3A_352 = tpu.memref_slice %arg4[%dma_wait3A_350, %add3A_265, %dma_wait3A_351] : memref<4x2048x1024xf32, #tpu.memory_space<hbm>> -> memref<1x8x1024xf32, #tpu.memory_space<hbm>>
    %dma_wait3A_353 = tpu.memref_squeeze %dma_wait3A_352 : memref<1x8x1024xf32, #tpu.memory_space<hbm>> -> memref<8x1024xf32, #tpu.memory_space<hbm>>
    %dma_wait3A_354 = arith.constant 0 : i32
    %dma_wait3A_355 = tpu.memref_slice %arg4[%dma_wait3A_350, %add3A_265, %dma_wait3A_354] : memref<4x2048x1024xf32, #tpu.memory_space<hbm>> -> memref<1x8x1024xf32, #tpu.memory_space<hbm>>
    %dma_wait3A_356 = tpu.memref_squeeze %dma_wait3A_355 : memref<1x8x1024xf32, #tpu.memory_space<hbm>> -> memref<8x1024xf32, #tpu.memory_space<hbm>>
    tpu.wait_dma2 semaphore(%arg39 : memref<!tpu.dma_semaphore, #tpu.memory_space<semaphore_mem>>) src(%arg12 : memref<8x1024xf32, #tpu.memory_space<vmem>>) dst(%dma_wait3A_356 : memref<8x1024xf32, #tpu.memory_space<hbm>>)
    %add3A_357 = arith.constant 32 : i32
    %add3A_358 = arith.addi %mul3A_2, %add3A_357 : i32
    %dma_start3A_359 = arith.constant 0 : i32
    %dma_start3A_360 = tpu.memref_slice %arg3[%add3A_358, %dma_start3A_359] : memref<2048x1024xf32, #tpu.memory_space<hbm>> -> memref<8x1024xf32, #tpu.memory_space<hbm>>
    %dma_start3A_361 = arith.constant 0 : i32
    %dma_start3A_362 = tpu.memref_slice %arg3[%add3A_358, %dma_start3A_361] : memref<2048x1024xf32, #tpu.memory_space<hbm>> -> memref<8x1024xf32, #tpu.memory_space<hbm>>
    tpu.enqueue_dma source(%dma_start3A_362 : memref<8x1024xf32, #tpu.memory_space<hbm>>) target(%arg18 : memref<8x1024xf32, #tpu.memory_space<vmem>>) target_semaphore(%arg45 : memref<!tpu.dma_semaphore, #tpu.memory_space<semaphore_mem>>)
    %dma_start3A_363 = arith.constant 0 : i32
    %dma_start3A_364 = arith.constant 0 : i32
    %dma_start3A_365 = tpu.memref_slice %arg2[%dma_start3A_363, %add3A_358, %dma_start3A_364] : memref<4x2048x1024xf32, #tpu.memory_space<hbm>> -> memref<1x8x1024xf32, #tpu.memory_space<hbm>>
    %dma_start3A_366 = tpu.memref_squeeze %dma_start3A_365 : memref<1x8x1024xf32, #tpu.memory_space<hbm>> -> memref<8x1024xf32, #tpu.memory_space<hbm>>
    %dma_start3A_367 = arith.constant 0 : i32
    %dma_start3A_368 = tpu.memref_slice %arg2[%dma_start3A_363, %add3A_358, %dma_start3A_367] : memref<4x2048x1024xf32, #tpu.memory_space<hbm>> -> memref<1x8x1024xf32, #tpu.memory_space<hbm>>
    %dma_start3A_369 = tpu.memref_squeeze %dma_start3A_368 : memref<1x8x1024xf32, #tpu.memory_space<hbm>> -> memref<8x1024xf32, #tpu.memory_space<hbm>>
    tpu.enqueue_dma source(%dma_start3A_369 : memref<8x1024xf32, #tpu.memory_space<hbm>>) target(%arg9 : memref<8x1024xf32, #tpu.memory_space<vmem>>) target_semaphore(%arg24 : memref<!tpu.dma_semaphore, #tpu.memory_space<semaphore_mem>>)
    %dma_start3A_370 = arith.constant 1 : i32
    %dma_start3A_371 = arith.constant 0 : i32
    %dma_start3A_372 = tpu.memref_slice %arg2[%dma_start3A_370, %add3A_358, %dma_start3A_371] : memref<4x2048x1024xf32, #tpu.memory_space<hbm>> -> memref<1x8x1024xf32, #tpu.memory_space<hbm>>
    %dma_start3A_373 = tpu.memref_squeeze %dma_start3A_372 : memref<1x8x1024xf32, #tpu.memory_space<hbm>> -> memref<8x1024xf32, #tpu.memory_space<hbm>>
    %dma_start3A_374 = arith.constant 0 : i32
    %dma_start3A_375 = tpu.memref_slice %arg2[%dma_start3A_370, %add3A_358, %dma_start3A_374] : memref<4x2048x1024xf32, #tpu.memory_space<hbm>> -> memref<1x8x1024xf32, #tpu.memory_space<hbm>>
    %dma_start3A_376 = tpu.memref_squeeze %dma_start3A_375 : memref<1x8x1024xf32, #tpu.memory_space<hbm>> -> memref<8x1024xf32, #tpu.memory_space<hbm>>
    tpu.enqueue_dma source(%dma_start3A_376 : memref<8x1024xf32, #tpu.memory_space<hbm>>) target(%arg10 : memref<8x1024xf32, #tpu.memory_space<vmem>>) target_semaphore(%arg25 : memref<!tpu.dma_semaphore, #tpu.memory_space<semaphore_mem>>)
    %dma_start3A_377 = arith.constant 2 : i32
    %dma_start3A_378 = arith.constant 0 : i32
    %dma_start3A_379 = tpu.memref_slice %arg2[%dma_start3A_377, %add3A_358, %dma_start3A_378] : memref<4x2048x1024xf32, #tpu.memory_space<hbm>> -> memref<1x8x1024xf32, #tpu.memory_space<hbm>>
    %dma_start3A_380 = tpu.memref_squeeze %dma_start3A_379 : memref<1x8x1024xf32, #tpu.memory_space<hbm>> -> memref<8x1024xf32, #tpu.memory_space<hbm>>
    %dma_start3A_381 = arith.constant 0 : i32
    %dma_start3A_382 = tpu.memref_slice %arg2[%dma_start3A_377, %add3A_358, %dma_start3A_381] : memref<4x2048x1024xf32, #tpu.memory_space<hbm>> -> memref<1x8x1024xf32, #tpu.memory_space<hbm>>
    %dma_start3A_383 = tpu.memref_squeeze %dma_start3A_382 : memref<1x8x1024xf32, #tpu.memory_space<hbm>> -> memref<8x1024xf32, #tpu.memory_space<hbm>>
    tpu.enqueue_dma source(%dma_start3A_383 : memref<8x1024xf32, #tpu.memory_space<hbm>>) target(%arg11 : memref<8x1024xf32, #tpu.memory_space<vmem>>) target_semaphore(%arg26 : memref<!tpu.dma_semaphore, #tpu.memory_space<semaphore_mem>>)
    %dma_start3A_384 = arith.constant 3 : i32
    %dma_start3A_385 = arith.constant 0 : i32
    %dma_start3A_386 = tpu.memref_slice %arg2[%dma_start3A_384, %add3A_358, %dma_start3A_385] : memref<4x2048x1024xf32, #tpu.memory_space<hbm>> -> memref<1x8x1024xf32, #tpu.memory_space<hbm>>
    %dma_start3A_387 = tpu.memref_squeeze %dma_start3A_386 : memref<1x8x1024xf32, #tpu.memory_space<hbm>> -> memref<8x1024xf32, #tpu.memory_space<hbm>>
    %dma_start3A_388 = arith.constant 0 : i32
    %dma_start3A_389 = tpu.memref_slice %arg2[%dma_start3A_384, %add3A_358, %dma_start3A_388] : memref<4x2048x1024xf32, #tpu.memory_space<hbm>> -> memref<1x8x1024xf32, #tpu.memory_space<hbm>>
    %dma_start3A_390 = tpu.memref_squeeze %dma_start3A_389 : memref<1x8x1024xf32, #tpu.memory_space<hbm>> -> memref<8x1024xf32, #tpu.memory_space<hbm>>
    tpu.enqueue_dma source(%dma_start3A_390 : memref<8x1024xf32, #tpu.memory_space<hbm>>) target(%arg12 : memref<8x1024xf32, #tpu.memory_space<vmem>>) target_semaphore(%arg27 : memref<!tpu.dma_semaphore, #tpu.memory_space<semaphore_mem>>)
    %add3A_391 = arith.constant 16 : i32
    %add3A_392 = arith.addi %mul3A_2, %add3A_391 : i32
    %dma_start3A_393 = arith.constant 0 : i32
    %dma_start3A_394 = arith.constant 0 : i32
    %dma_start3A_395 = tpu.memref_slice %arg4[%dma_start3A_393, %add3A_392, %dma_start3A_394] : memref<4x2048x1024xf32, #tpu.memory_space<hbm>> -> memref<1x8x1024xf32, #tpu.memory_space<hbm>>
    %dma_start3A_396 = tpu.memref_squeeze %dma_start3A_395 : memref<1x8x1024xf32, #tpu.memory_space<hbm>> -> memref<8x1024xf32, #tpu.memory_space<hbm>>
    %dma_start3A_397 = arith.constant 0 : i32
    %dma_start3A_398 = tpu.memref_slice %arg4[%dma_start3A_393, %add3A_392, %dma_start3A_397] : memref<4x2048x1024xf32, #tpu.memory_space<hbm>> -> memref<1x8x1024xf32, #tpu.memory_space<hbm>>
    %dma_start3A_399 = tpu.memref_squeeze %dma_start3A_398 : memref<1x8x1024xf32, #tpu.memory_space<hbm>> -> memref<8x1024xf32, #tpu.memory_space<hbm>>
    tpu.enqueue_dma source(%arg13 : memref<8x1024xf32, #tpu.memory_space<vmem>>) target(%dma_start3A_399 : memref<8x1024xf32, #tpu.memory_space<hbm>>) target_semaphore(%arg40 : memref<!tpu.dma_semaphore, #tpu.memory_space<semaphore_mem>>)
    %dma_start3A_400 = arith.constant 1 : i32
    %dma_start3A_401 = arith.constant 0 : i32
    %dma_start3A_402 = tpu.memref_slice %arg4[%dma_start3A_400, %add3A_392, %dma_start3A_401] : memref<4x2048x1024xf32, #tpu.memory_space<hbm>> -> memref<1x8x1024xf32, #tpu.memory_space<hbm>>
    %dma_start3A_403 = tpu.memref_squeeze %dma_start3A_402 : memref<1x8x1024xf32, #tpu.memory_space<hbm>> -> memref<8x1024xf32, #tpu.memory_space<hbm>>
    %dma_start3A_404 = arith.constant 0 : i32
    %dma_start3A_405 = tpu.memref_slice %arg4[%dma_start3A_400, %add3A_392, %dma_start3A_404] : memref<4x2048x1024xf32, #tpu.memory_space<hbm>> -> memref<1x8x1024xf32, #tpu.memory_space<hbm>>
    %dma_start3A_406 = tpu.memref_squeeze %dma_start3A_405 : memref<1x8x1024xf32, #tpu.memory_space<hbm>> -> memref<8x1024xf32, #tpu.memory_space<hbm>>
    tpu.enqueue_dma source(%arg14 : memref<8x1024xf32, #tpu.memory_space<vmem>>) target(%dma_start3A_406 : memref<8x1024xf32, #tpu.memory_space<hbm>>) target_semaphore(%arg41 : memref<!tpu.dma_semaphore, #tpu.memory_space<semaphore_mem>>)
    %dma_start3A_407 = arith.constant 2 : i32
    %dma_start3A_408 = arith.constant 0 : i32
    %dma_start3A_409 = tpu.memref_slice %arg4[%dma_start3A_407, %add3A_392, %dma_start3A_408] : memref<4x2048x1024xf32, #tpu.memory_space<hbm>> -> memref<1x8x1024xf32, #tpu.memory_space<hbm>>
    %dma_start3A_410 = tpu.memref_squeeze %dma_start3A_409 : memref<1x8x1024xf32, #tpu.memory_space<hbm>> -> memref<8x1024xf32, #tpu.memory_space<hbm>>
    %dma_start3A_411 = arith.constant 0 : i32
    %dma_start3A_412 = tpu.memref_slice %arg4[%dma_start3A_407, %add3A_392, %dma_start3A_411] : memref<4x2048x1024xf32, #tpu.memory_space<hbm>> -> memref<1x8x1024xf32, #tpu.memory_space<hbm>>
    %dma_start3A_413 = tpu.memref_squeeze %dma_start3A_412 : memref<1x8x1024xf32, #tpu.memory_space<hbm>> -> memref<8x1024xf32, #tpu.memory_space<hbm>>
    tpu.enqueue_dma source(%arg15 : memref<8x1024xf32, #tpu.memory_space<vmem>>) target(%dma_start3A_413 : memref<8x1024xf32, #tpu.memory_space<hbm>>) target_semaphore(%arg42 : memref<!tpu.dma_semaphore, #tpu.memory_space<semaphore_mem>>)
    %dma_start3A_414 = arith.constant 3 : i32
    %dma_start3A_415 = arith.constant 0 : i32
    %dma_start3A_416 = tpu.memref_slice %arg4[%dma_start3A_414, %add3A_392, %dma_start3A_415] : memref<4x2048x1024xf32, #tpu.memory_space<hbm>> -> memref<1x8x1024xf32, #tpu.memory_space<hbm>>
    %dma_start3A_417 = tpu.memref_squeeze %dma_start3A_416 : memref<1x8x1024xf32, #tpu.memory_space<hbm>> -> memref<8x1024xf32, #tpu.memory_space<hbm>>
    %dma_start3A_418 = arith.constant 0 : i32
    %dma_start3A_419 = tpu.memref_slice %arg4[%dma_start3A_414, %add3A_392, %dma_start3A_418] : memref<4x2048x1024xf32, #tpu.memory_space<hbm>> -> memref<1x8x1024xf32, #tpu.memory_space<hbm>>
    %dma_start3A_420 = tpu.memref_squeeze %dma_start3A_419 : memref<1x8x1024xf32, #tpu.memory_space<hbm>> -> memref<8x1024xf32, #tpu.memory_space<hbm>>
    tpu.enqueue_dma source(%arg16 : memref<8x1024xf32, #tpu.memory_space<vmem>>) target(%dma_start3A_420 : memref<8x1024xf32, #tpu.memory_space<hbm>>) target_semaphore(%arg43 : memref<!tpu.dma_semaphore, #tpu.memory_space<semaphore_mem>>)
    %dma_wait3A_421 = arith.constant 0 : i32
    %dma_wait3A_422 = tpu.memref_slice %arg3[%add3A_231, %dma_wait3A_421] : memref<2048x1024xf32, #tpu.memory_space<hbm>> -> memref<8x1024xf32, #tpu.memory_space<hbm>>
    %dma_wait3A_423 = arith.constant 0 : i32
    %dma_wait3A_424 = tpu.memref_slice %arg3[%add3A_231, %dma_wait3A_423] : memref<2048x1024xf32, #tpu.memory_space<hbm>> -> memref<8x1024xf32, #tpu.memory_space<hbm>>
    tpu.wait_dma2 semaphore(%arg44 : memref<!tpu.dma_semaphore, #tpu.memory_space<semaphore_mem>>) src(%dma_wait3A_424 : memref<8x1024xf32, #tpu.memory_space<hbm>>) dst(%arg17 : memref<8x1024xf32, #tpu.memory_space<vmem>>)
    %dma_wait3A_425 = arith.constant 0 : i32
    %dma_wait3A_426 = arith.constant 0 : i32
    %dma_wait3A_427 = tpu.memref_slice %arg2[%dma_wait3A_425, %add3A_231, %dma_wait3A_426] : memref<4x2048x1024xf32, #tpu.memory_space<hbm>> -> memref<1x8x1024xf32, #tpu.memory_space<hbm>>
    %dma_wait3A_428 = tpu.memref_squeeze %dma_wait3A_427 : memref<1x8x1024xf32, #tpu.memory_space<hbm>> -> memref<8x1024xf32, #tpu.memory_space<hbm>>
    %dma_wait3A_429 = arith.constant 0 : i32
    %dma_wait3A_430 = tpu.memref_slice %arg2[%dma_wait3A_425, %add3A_231, %dma_wait3A_429] : memref<4x2048x1024xf32, #tpu.memory_space<hbm>> -> memref<1x8x1024xf32, #tpu.memory_space<hbm>>
    %dma_wait3A_431 = tpu.memref_squeeze %dma_wait3A_430 : memref<1x8x1024xf32, #tpu.memory_space<hbm>> -> memref<8x1024xf32, #tpu.memory_space<hbm>>
    tpu.wait_dma2 semaphore(%arg20 : memref<!tpu.dma_semaphore, #tpu.memory_space<semaphore_mem>>) src(%dma_wait3A_431 : memref<8x1024xf32, #tpu.memory_space<hbm>>) dst(%arg5 : memref<8x1024xf32, #tpu.memory_space<vmem>>)
    %dma_wait3A_432 = arith.constant 1 : i32
    %dma_wait3A_433 = arith.constant 0 : i32
    %dma_wait3A_434 = tpu.memref_slice %arg2[%dma_wait3A_432, %add3A_231, %dma_wait3A_433] : memref<4x2048x1024xf32, #tpu.memory_space<hbm>> -> memref<1x8x1024xf32, #tpu.memory_space<hbm>>
    %dma_wait3A_435 = tpu.memref_squeeze %dma_wait3A_434 : memref<1x8x1024xf32, #tpu.memory_space<hbm>> -> memref<8x1024xf32, #tpu.memory_space<hbm>>
    %dma_wait3A_436 = arith.constant 0 : i32
    %dma_wait3A_437 = tpu.memref_slice %arg2[%dma_wait3A_432, %add3A_231, %dma_wait3A_436] : memref<4x2048x1024xf32, #tpu.memory_space<hbm>> -> memref<1x8x1024xf32, #tpu.memory_space<hbm>>
    %dma_wait3A_438 = tpu.memref_squeeze %dma_wait3A_437 : memref<1x8x1024xf32, #tpu.memory_space<hbm>> -> memref<8x1024xf32, #tpu.memory_space<hbm>>
    tpu.wait_dma2 semaphore(%arg21 : memref<!tpu.dma_semaphore, #tpu.memory_space<semaphore_mem>>) src(%dma_wait3A_438 : memref<8x1024xf32, #tpu.memory_space<hbm>>) dst(%arg6 : memref<8x1024xf32, #tpu.memory_space<vmem>>)
    %dma_wait3A_439 = arith.constant 2 : i32
    %dma_wait3A_440 = arith.constant 0 : i32
    %dma_wait3A_441 = tpu.memref_slice %arg2[%dma_wait3A_439, %add3A_231, %dma_wait3A_440] : memref<4x2048x1024xf32, #tpu.memory_space<hbm>> -> memref<1x8x1024xf32, #tpu.memory_space<hbm>>
    %dma_wait3A_442 = tpu.memref_squeeze %dma_wait3A_441 : memref<1x8x1024xf32, #tpu.memory_space<hbm>> -> memref<8x1024xf32, #tpu.memory_space<hbm>>
    %dma_wait3A_443 = arith.constant 0 : i32
    %dma_wait3A_444 = tpu.memref_slice %arg2[%dma_wait3A_439, %add3A_231, %dma_wait3A_443] : memref<4x2048x1024xf32, #tpu.memory_space<hbm>> -> memref<1x8x1024xf32, #tpu.memory_space<hbm>>
    %dma_wait3A_445 = tpu.memref_squeeze %dma_wait3A_444 : memref<1x8x1024xf32, #tpu.memory_space<hbm>> -> memref<8x1024xf32, #tpu.memory_space<hbm>>
    tpu.wait_dma2 semaphore(%arg22 : memref<!tpu.dma_semaphore, #tpu.memory_space<semaphore_mem>>) src(%dma_wait3A_445 : memref<8x1024xf32, #tpu.memory_space<hbm>>) dst(%arg7 : memref<8x1024xf32, #tpu.memory_space<vmem>>)
    %dma_wait3A_446 = arith.constant 3 : i32
    %dma_wait3A_447 = arith.constant 0 : i32
    %dma_wait3A_448 = tpu.memref_slice %arg2[%dma_wait3A_446, %add3A_231, %dma_wait3A_447] : memref<4x2048x1024xf32, #tpu.memory_space<hbm>> -> memref<1x8x1024xf32, #tpu.memory_space<hbm>>
    %dma_wait3A_449 = tpu.memref_squeeze %dma_wait3A_448 : memref<1x8x1024xf32, #tpu.memory_space<hbm>> -> memref<8x1024xf32, #tpu.memory_space<hbm>>
    %dma_wait3A_450 = arith.constant 0 : i32
    %dma_wait3A_451 = tpu.memref_slice %arg2[%dma_wait3A_446, %add3A_231, %dma_wait3A_450] : memref<4x2048x1024xf32, #tpu.memory_space<hbm>> -> memref<1x8x1024xf32, #tpu.memory_space<hbm>>
    %dma_wait3A_452 = tpu.memref_squeeze %dma_wait3A_451 : memref<1x8x1024xf32, #tpu.memory_space<hbm>> -> memref<8x1024xf32, #tpu.memory_space<hbm>>
    tpu.wait_dma2 semaphore(%arg23 : memref<!tpu.dma_semaphore, #tpu.memory_space<semaphore_mem>>) src(%dma_wait3A_452 : memref<8x1024xf32, #tpu.memory_space<hbm>>) dst(%arg8 : memref<8x1024xf32, #tpu.memory_space<vmem>>)
    %parallel_loop3A_453 = arith.constant 0 : i32
    %parallel_loop3A_454 = arith.constant 512 : i32
    %parallel_loop3A_455 = arith.constant 1 : i32
    scf.for %parallel_loop3A_1016 = %parallel_loop3A_453 to %parallel_loop3A_454 step %parallel_loop3A_455  : i32 {
      %parallel_loop3A_1017 = arith.constant 6 : i32
      %parallel_loop3A_1018 = arith.shrsi %parallel_loop3A_1016, %parallel_loop3A_1017 : i32
      %parallel_loop3A_1019 = arith.constant 63 : i32
      %parallel_loop3A_1020 = arith.andi %parallel_loop3A_1016, %parallel_loop3A_1019 : i32
      %parallel_loop3A_1021 = arith.constant 16 : i32
      %parallel_loop3A_1022 = arith.muli %parallel_loop3A_1020, %parallel_loop3A_1021 : i32
      %parallel_loop3A_1023 = arith.index_cast %parallel_loop3A_1018 : i32 to index
      %parallel_loop3A_1024 = arith.index_cast %parallel_loop3A_1022 : i32 to index
      %parallel_loop3A_1025 = tpu.vector_load %arg17[%parallel_loop3A_1023, %parallel_loop3A_1024] {strides = array<i32>} : memref<8x1024xf32, #tpu.memory_space<vmem>>, vector<1x16xf32>,
      %parallel_loop3A_1026 = vector.shape_cast %parallel_loop3A_1025 : vector<1x16xf32> to vector<16xf32>
      %parallel_loop3A_1027 = arith.index_cast %parallel_loop3A_1018 : i32 to index
      %parallel_loop3A_1028 = arith.index_cast %parallel_loop3A_1022 : i32 to index
      %parallel_loop3A_1029 = tpu.vector_load %arg5[%parallel_loop3A_1027, %parallel_loop3A_1028] {strides = array<i32>} : memref<8x1024xf32, #tpu.memory_space<vmem>>, vector<1x16xf32>,
      %parallel_loop3A_1030 = vector.shape_cast %parallel_loop3A_1029 : vector<1x16xf32> to vector<16xf32>
      %parallel_loop3A_1031 = vector.shape_cast %parallel_loop3A_1026 : vector<16xf32> to vector<1x16xf32>
      tpu.vector_store %arg5[%parallel_loop3A_1027, %parallel_loop3A_1028], %parallel_loop3A_1031 {add = true, strides = array<i32>} : memref<8x1024xf32, #tpu.memory_space<vmem>>, vector<1x16xf32>,
      %parallel_loop3A_1032 = arith.index_cast %parallel_loop3A_1018 : i32 to index
      %parallel_loop3A_1033 = arith.index_cast %parallel_loop3A_1022 : i32 to index
      %parallel_loop3A_1034 = tpu.vector_load %arg6[%parallel_loop3A_1032, %parallel_loop3A_1033] {strides = array<i32>} : memref<8x1024xf32, #tpu.memory_space<vmem>>, vector<1x16xf32>,
      %parallel_loop3A_1035 = vector.shape_cast %parallel_loop3A_1034 : vector<1x16xf32> to vector<16xf32>
      %parallel_loop3A_1036 = vector.shape_cast %parallel_loop3A_1026 : vector<16xf32> to vector<1x16xf32>
      tpu.vector_store %arg6[%parallel_loop3A_1032, %parallel_loop3A_1033], %parallel_loop3A_1036 {add = true, strides = array<i32>} : memref<8x1024xf32, #tpu.memory_space<vmem>>, vector<1x16xf32>,
      %parallel_loop3A_1037 = arith.index_cast %parallel_loop3A_1018 : i32 to index
      %parallel_loop3A_1038 = arith.index_cast %parallel_loop3A_1022 : i32 to index
      %parallel_loop3A_1039 = tpu.vector_load %arg7[%parallel_loop3A_1037, %parallel_loop3A_1038] {strides = array<i32>} : memref<8x1024xf32, #tpu.memory_space<vmem>>, vector<1x16xf32>,
      %parallel_loop3A_1040 = vector.shape_cast %parallel_loop3A_1039 : vector<1x16xf32> to vector<16xf32>
      %parallel_loop3A_1041 = vector.shape_cast %parallel_loop3A_1026 : vector<16xf32> to vector<1x16xf32>
      tpu.vector_store %arg7[%parallel_loop3A_1037, %parallel_loop3A_1038], %parallel_loop3A_1041 {add = true, strides = array<i32>} : memref<8x1024xf32, #tpu.memory_space<vmem>>, vector<1x16xf32>,
      %parallel_loop3A_1042 = arith.index_cast %parallel_loop3A_1018 : i32 to index
      %parallel_loop3A_1043 = arith.index_cast %parallel_loop3A_1022 : i32 to index
      %parallel_loop3A_1044 = tpu.vector_load %arg8[%parallel_loop3A_1042, %parallel_loop3A_1043] {strides = array<i32>} : memref<8x1024xf32, #tpu.memory_space<vmem>>, vector<1x16xf32>,
      %parallel_loop3A_1045 = vector.shape_cast %parallel_loop3A_1044 : vector<1x16xf32> to vector<16xf32>
      %parallel_loop3A_1046 = vector.shape_cast %parallel_loop3A_1026 : vector<16xf32> to vector<1x16xf32>
      tpu.vector_store %arg8[%parallel_loop3A_1042, %parallel_loop3A_1043], %parallel_loop3A_1046 {add = true, strides = array<i32>} : memref<8x1024xf32, #tpu.memory_space<vmem>>, vector<1x16xf32>,
    } {sc.loop_unroll_factor = 4 : i64, sc.parallel_access}
    %dma_wait3A_456 = arith.constant 0 : i32
    %dma_wait3A_457 = arith.constant 0 : i32
    %dma_wait3A_458 = tpu.memref_slice %arg4[%dma_wait3A_456, %add3A_392, %dma_wait3A_457] : memref<4x2048x1024xf32, #tpu.memory_space<hbm>> -> memref<1x8x1024xf32, #tpu.memory_space<hbm>>
    %dma_wait3A_459 = tpu.memref_squeeze %dma_wait3A_458 : memref<1x8x1024xf32, #tpu.memory_space<hbm>> -> memref<8x1024xf32, #tpu.memory_space<hbm>>
    %dma_wait3A_460 = arith.constant 0 : i32
    %dma_wait3A_461 = tpu.memref_slice %arg4[%dma_wait3A_456, %add3A_392, %dma_wait3A_460] : memref<4x2048x1024xf32, #tpu.memory_space<hbm>> -> memref<1x8x1024xf32, #tpu.memory_space<hbm>>
    %dma_wait3A_462 = tpu.memref_squeeze %dma_wait3A_461 : memref<1x8x1024xf32, #tpu.memory_space<hbm>> -> memref<8x1024xf32, #tpu.memory_space<hbm>>
    tpu.wait_dma2 semaphore(%arg40 : memref<!tpu.dma_semaphore, #tpu.memory_space<semaphore_mem>>) src(%arg13 : memref<8x1024xf32, #tpu.memory_space<vmem>>) dst(%dma_wait3A_462 : memref<8x1024xf32, #tpu.memory_space<hbm>>)
    %dma_wait3A_463 = arith.constant 1 : i32
    %dma_wait3A_464 = arith.constant 0 : i32
    %dma_wait3A_465 = tpu.memref_slice %arg4[%dma_wait3A_463, %add3A_392, %dma_wait3A_464] : memref<4x2048x1024xf32, #tpu.memory_space<hbm>> -> memref<1x8x1024xf32, #tpu.memory_space<hbm>>
    %dma_wait3A_466 = tpu.memref_squeeze %dma_wait3A_465 : memref<1x8x1024xf32, #tpu.memory_space<hbm>> -> memref<8x1024xf32, #tpu.memory_space<hbm>>
    %dma_wait3A_467 = arith.constant 0 : i32
    %dma_wait3A_468 = tpu.memref_slice %arg4[%dma_wait3A_463, %add3A_392, %dma_wait3A_467] : memref<4x2048x1024xf32, #tpu.memory_space<hbm>> -> memref<1x8x1024xf32, #tpu.memory_space<hbm>>
    %dma_wait3A_469 = tpu.memref_squeeze %dma_wait3A_468 : memref<1x8x1024xf32, #tpu.memory_space<hbm>> -> memref<8x1024xf32, #tpu.memory_space<hbm>>
    tpu.wait_dma2 semaphore(%arg41 : memref<!tpu.dma_semaphore, #tpu.memory_space<semaphore_mem>>) src(%arg14 : memref<8x1024xf32, #tpu.memory_space<vmem>>) dst(%dma_wait3A_469 : memref<8x1024xf32, #tpu.memory_space<hbm>>)
    %dma_wait3A_470 = arith.constant 2 : i32
    %dma_wait3A_471 = arith.constant 0 : i32
    %dma_wait3A_472 = tpu.memref_slice %arg4[%dma_wait3A_470, %add3A_392, %dma_wait3A_471] : memref<4x2048x1024xf32, #tpu.memory_space<hbm>> -> memref<1x8x1024xf32, #tpu.memory_space<hbm>>
    %dma_wait3A_473 = tpu.memref_squeeze %dma_wait3A_472 : memref<1x8x1024xf32, #tpu.memory_space<hbm>> -> memref<8x1024xf32, #tpu.memory_space<hbm>>
    %dma_wait3A_474 = arith.constant 0 : i32
    %dma_wait3A_475 = tpu.memref_slice %arg4[%dma_wait3A_470, %add3A_392, %dma_wait3A_474] : memref<4x2048x1024xf32, #tpu.memory_space<hbm>> -> memref<1x8x1024xf32, #tpu.memory_space<hbm>>
    %dma_wait3A_476 = tpu.memref_squeeze %dma_wait3A_475 : memref<1x8x1024xf32, #tpu.memory_space<hbm>> -> memref<8x1024xf32, #tpu.memory_space<hbm>>
    tpu.wait_dma2 semaphore(%arg42 : memref<!tpu.dma_semaphore, #tpu.memory_space<semaphore_mem>>) src(%arg15 : memref<8x1024xf32, #tpu.memory_space<vmem>>) dst(%dma_wait3A_476 : memref<8x1024xf32, #tpu.memory_space<hbm>>)
    %dma_wait3A_477 = arith.constant 3 : i32
    %dma_wait3A_478 = arith.constant 0 : i32
    %dma_wait3A_479 = tpu.memref_slice %arg4[%dma_wait3A_477, %add3A_392, %dma_wait3A_478] : memref<4x2048x1024xf32, #tpu.memory_space<hbm>> -> memref<1x8x1024xf32, #tpu.memory_space<hbm>>
    %dma_wait3A_480 = tpu.memref_squeeze %dma_wait3A_479 : memref<1x8x1024xf32, #tpu.memory_space<hbm>> -> memref<8x1024xf32, #tpu.memory_space<hbm>>
    %dma_wait3A_481 = arith.constant 0 : i32
    %dma_wait3A_482 = tpu.memref_slice %arg4[%dma_wait3A_477, %add3A_392, %dma_wait3A_481] : memref<4x2048x1024xf32, #tpu.memory_space<hbm>> -> memref<1x8x1024xf32, #tpu.memory_space<hbm>>
    %dma_wait3A_483 = tpu.memref_squeeze %dma_wait3A_482 : memref<1x8x1024xf32, #tpu.memory_space<hbm>> -> memref<8x1024xf32, #tpu.memory_space<hbm>>
    tpu.wait_dma2 semaphore(%arg43 : memref<!tpu.dma_semaphore, #tpu.memory_space<semaphore_mem>>) src(%arg16 : memref<8x1024xf32, #tpu.memory_space<vmem>>) dst(%dma_wait3A_483 : memref<8x1024xf32, #tpu.memory_space<hbm>>)
    %add3A_484 = arith.constant 40 : i32
    %add3A_485 = arith.addi %mul3A_2, %add3A_484 : i32
    %dma_start3A_486 = arith.constant 0 : i32
    %dma_start3A_487 = tpu.memref_slice %arg3[%add3A_485, %dma_start3A_486] : memref<2048x1024xf32, #tpu.memory_space<hbm>> -> memref<8x1024xf32, #tpu.memory_space<hbm>>
    %dma_start3A_488 = arith.constant 0 : i32
    %dma_start3A_489 = tpu.memref_slice %arg3[%add3A_485, %dma_start3A_488] : memref<2048x1024xf32, #tpu.memory_space<hbm>> -> memref<8x1024xf32, #tpu.memory_space<hbm>>
    tpu.enqueue_dma source(%dma_start3A_489 : memref<8x1024xf32, #tpu.memory_space<hbm>>) target(%arg19 : memref<8x1024xf32, #tpu.memory_space<vmem>>) target_semaphore(%arg46 : memref<!tpu.dma_semaphore, #tpu.memory_space<semaphore_mem>>)
    %dma_start3A_490 = arith.constant 0 : i32
    %dma_start3A_491 = arith.constant 0 : i32
    %dma_start3A_492 = tpu.memref_slice %arg2[%dma_start3A_490, %add3A_485, %dma_start3A_491] : memref<4x2048x1024xf32, #tpu.memory_space<hbm>> -> memref<1x8x1024xf32, #tpu.memory_space<hbm>>
    %dma_start3A_493 = tpu.memref_squeeze %dma_start3A_492 : memref<1x8x1024xf32, #tpu.memory_space<hbm>> -> memref<8x1024xf32, #tpu.memory_space<hbm>>
    %dma_start3A_494 = arith.constant 0 : i32
    %dma_start3A_495 = tpu.memref_slice %arg2[%dma_start3A_490, %add3A_485, %dma_start3A_494] : memref<4x2048x1024xf32, #tpu.memory_space<hbm>> -> memref<1x8x1024xf32, #tpu.memory_space<hbm>>
    %dma_start3A_496 = tpu.memref_squeeze %dma_start3A_495 : memref<1x8x1024xf32, #tpu.memory_space<hbm>> -> memref<8x1024xf32, #tpu.memory_space<hbm>>
    tpu.enqueue_dma source(%dma_start3A_496 : memref<8x1024xf32, #tpu.memory_space<hbm>>) target(%arg13 : memref<8x1024xf32, #tpu.memory_space<vmem>>) target_semaphore(%arg28 : memref<!tpu.dma_semaphore, #tpu.memory_space<semaphore_mem>>)
    %dma_start3A_497 = arith.constant 1 : i32
    %dma_start3A_498 = arith.constant 0 : i32
    %dma_start3A_499 = tpu.memref_slice %arg2[%dma_start3A_497, %add3A_485, %dma_start3A_498] : memref<4x2048x1024xf32, #tpu.memory_space<hbm>> -> memref<1x8x1024xf32, #tpu.memory_space<hbm>>
    %dma_start3A_500 = tpu.memref_squeeze %dma_start3A_499 : memref<1x8x1024xf32, #tpu.memory_space<hbm>> -> memref<8x1024xf32, #tpu.memory_space<hbm>>
    %dma_start3A_501 = arith.constant 0 : i32
    %dma_start3A_502 = tpu.memref_slice %arg2[%dma_start3A_497, %add3A_485, %dma_start3A_501] : memref<4x2048x1024xf32, #tpu.memory_space<hbm>> -> memref<1x8x1024xf32, #tpu.memory_space<hbm>>
    %dma_start3A_503 = tpu.memref_squeeze %dma_start3A_502 : memref<1x8x1024xf32, #tpu.memory_space<hbm>> -> memref<8x1024xf32, #tpu.memory_space<hbm>>
    tpu.enqueue_dma source(%dma_start3A_503 : memref<8x1024xf32, #tpu.memory_space<hbm>>) target(%arg14 : memref<8x1024xf32, #tpu.memory_space<vmem>>) target_semaphore(%arg29 : memref<!tpu.dma_semaphore, #tpu.memory_space<semaphore_mem>>)
    %dma_start3A_504 = arith.constant 2 : i32
    %dma_start3A_505 = arith.constant 0 : i32
    %dma_start3A_506 = tpu.memref_slice %arg2[%dma_start3A_504, %add3A_485, %dma_start3A_505] : memref<4x2048x1024xf32, #tpu.memory_space<hbm>> -> memref<1x8x1024xf32, #tpu.memory_space<hbm>>
    %dma_start3A_507 = tpu.memref_squeeze %dma_start3A_506 : memref<1x8x1024xf32, #tpu.memory_space<hbm>> -> memref<8x1024xf32, #tpu.memory_space<hbm>>
    %dma_start3A_508 = arith.constant 0 : i32
    %dma_start3A_509 = tpu.memref_slice %arg2[%dma_start3A_504, %add3A_485, %dma_start3A_508] : memref<4x2048x1024xf32, #tpu.memory_space<hbm>> -> memref<1x8x1024xf32, #tpu.memory_space<hbm>>
    %dma_start3A_510 = tpu.memref_squeeze %dma_start3A_509 : memref<1x8x1024xf32, #tpu.memory_space<hbm>> -> memref<8x1024xf32, #tpu.memory_space<hbm>>
    tpu.enqueue_dma source(%dma_start3A_510 : memref<8x1024xf32, #tpu.memory_space<hbm>>) target(%arg15 : memref<8x1024xf32, #tpu.memory_space<vmem>>) target_semaphore(%arg30 : memref<!tpu.dma_semaphore, #tpu.memory_space<semaphore_mem>>)
    %dma_start3A_511 = arith.constant 3 : i32
    %dma_start3A_512 = arith.constant 0 : i32
    %dma_start3A_513 = tpu.memref_slice %arg2[%dma_start3A_511, %add3A_485, %dma_start3A_512] : memref<4x2048x1024xf32, #tpu.memory_space<hbm>> -> memref<1x8x1024xf32, #tpu.memory_space<hbm>>
    %dma_start3A_514 = tpu.memref_squeeze %dma_start3A_513 : memref<1x8x1024xf32, #tpu.memory_space<hbm>> -> memref<8x1024xf32, #tpu.memory_space<hbm>>
    %dma_start3A_515 = arith.constant 0 : i32
    %dma_start3A_516 = tpu.memref_slice %arg2[%dma_start3A_511, %add3A_485, %dma_start3A_515] : memref<4x2048x1024xf32, #tpu.memory_space<hbm>> -> memref<1x8x1024xf32, #tpu.memory_space<hbm>>
    %dma_start3A_517 = tpu.memref_squeeze %dma_start3A_516 : memref<1x8x1024xf32, #tpu.memory_space<hbm>> -> memref<8x1024xf32, #tpu.memory_space<hbm>>
    tpu.enqueue_dma source(%dma_start3A_517 : memref<8x1024xf32, #tpu.memory_space<hbm>>) target(%arg16 : memref<8x1024xf32, #tpu.memory_space<vmem>>) target_semaphore(%arg31 : memref<!tpu.dma_semaphore, #tpu.memory_space<semaphore_mem>>)
    %add3A_518 = arith.constant 24 : i32
    %add3A_519 = arith.addi %mul3A_2, %add3A_518 : i32
    %dma_start3A_520 = arith.constant 0 : i32
    %dma_start3A_521 = arith.constant 0 : i32
    %dma_start3A_522 = tpu.memref_slice %arg4[%dma_start3A_520, %add3A_519, %dma_start3A_521] : memref<4x2048x1024xf32, #tpu.memory_space<hbm>> -> memref<1x8x1024xf32, #tpu.memory_space<hbm>>
    %dma_start3A_523 = tpu.memref_squeeze %dma_start3A_522 : memref<1x8x1024xf32, #tpu.memory_space<hbm>> -> memref<8x1024xf32, #tpu.memory_space<hbm>>
    %dma_start3A_524 = arith.constant 0 : i32
    %dma_start3A_525 = tpu.memref_slice %arg4[%dma_start3A_520, %add3A_519, %dma_start3A_524] : memref<4x2048x1024xf32, #tpu.memory_space<hbm>> -> memref<1x8x1024xf32, #tpu.memory_space<hbm>>
    %dma_start3A_526 = tpu.memref_squeeze %dma_start3A_525 : memref<1x8x1024xf32, #tpu.memory_space<hbm>> -> memref<8x1024xf32, #tpu.memory_space<hbm>>
    tpu.enqueue_dma source(%arg5 : memref<8x1024xf32, #tpu.memory_space<vmem>>) target(%dma_start3A_526 : memref<8x1024xf32, #tpu.memory_space<hbm>>) target_semaphore(%arg32 : memref<!tpu.dma_semaphore, #tpu.memory_space<semaphore_mem>>)
    %dma_start3A_527 = arith.constant 1 : i32
    %dma_start3A_528 = arith.constant 0 : i32
    %dma_start3A_529 = tpu.memref_slice %arg4[%dma_start3A_527, %add3A_519, %dma_start3A_528] : memref<4x2048x1024xf32, #tpu.memory_space<hbm>> -> memref<1x8x1024xf32, #tpu.memory_space<hbm>>
    %dma_start3A_530 = tpu.memref_squeeze %dma_start3A_529 : memref<1x8x1024xf32, #tpu.memory_space<hbm>> -> memref<8x1024xf32, #tpu.memory_space<hbm>>
    %dma_start3A_531 = arith.constant 0 : i32
    %dma_start3A_532 = tpu.memref_slice %arg4[%dma_start3A_527, %add3A_519, %dma_start3A_531] : memref<4x2048x1024xf32, #tpu.memory_space<hbm>> -> memref<1x8x1024xf32, #tpu.memory_space<hbm>>
    %dma_start3A_533 = tpu.memref_squeeze %dma_start3A_532 : memref<1x8x1024xf32, #tpu.memory_space<hbm>> -> memref<8x1024xf32, #tpu.memory_space<hbm>>
    tpu.enqueue_dma source(%arg6 : memref<8x1024xf32, #tpu.memory_space<vmem>>) target(%dma_start3A_533 : memref<8x1024xf32, #tpu.memory_space<hbm>>) target_semaphore(%arg33 : memref<!tpu.dma_semaphore, #tpu.memory_space<semaphore_mem>>)
    %dma_start3A_534 = arith.constant 2 : i32
    %dma_start3A_535 = arith.constant 0 : i32
    %dma_start3A_536 = tpu.memref_slice %arg4[%dma_start3A_534, %add3A_519, %dma_start3A_535] : memref<4x2048x1024xf32, #tpu.memory_space<hbm>> -> memref<1x8x1024xf32, #tpu.memory_space<hbm>>
    %dma_start3A_537 = tpu.memref_squeeze %dma_start3A_536 : memref<1x8x1024xf32, #tpu.memory_space<hbm>> -> memref<8x1024xf32, #tpu.memory_space<hbm>>
    %dma_start3A_538 = arith.constant 0 : i32
    %dma_start3A_539 = tpu.memref_slice %arg4[%dma_start3A_534, %add3A_519, %dma_start3A_538] : memref<4x2048x1024xf32, #tpu.memory_space<hbm>> -> memref<1x8x1024xf32, #tpu.memory_space<hbm>>
    %dma_start3A_540 = tpu.memref_squeeze %dma_start3A_539 : memref<1x8x1024xf32, #tpu.memory_space<hbm>> -> memref<8x1024xf32, #tpu.memory_space<hbm>>
    tpu.enqueue_dma source(%arg7 : memref<8x1024xf32, #tpu.memory_space<vmem>>) target(%dma_start3A_540 : memref<8x1024xf32, #tpu.memory_space<hbm>>) target_semaphore(%arg34 : memref<!tpu.dma_semaphore, #tpu.memory_space<semaphore_mem>>)
    %dma_start3A_541 = arith.constant 3 : i32
    %dma_start3A_542 = arith.constant 0 : i32
    %dma_start3A_543 = tpu.memref_slice %arg4[%dma_start3A_541, %add3A_519, %dma_start3A_542] : memref<4x2048x1024xf32, #tpu.memory_space<hbm>> -> memref<1x8x1024xf32, #tpu.memory_space<hbm>>
    %dma_start3A_544 = tpu.memref_squeeze %dma_start3A_543 : memref<1x8x1024xf32, #tpu.memory_space<hbm>> -> memref<8x1024xf32, #tpu.memory_space<hbm>>
    %dma_start3A_545 = arith.constant 0 : i32
    %dma_start3A_546 = tpu.memref_slice %arg4[%dma_start3A_541, %add3A_519, %dma_start3A_545] : memref<4x2048x1024xf32, #tpu.memory_space<hbm>> -> memref<1x8x1024xf32, #tpu.memory_space<hbm>>
    %dma_start3A_547 = tpu.memref_squeeze %dma_start3A_546 : memref<1x8x1024xf32, #tpu.memory_space<hbm>> -> memref<8x1024xf32, #tpu.memory_space<hbm>>
    tpu.enqueue_dma source(%arg8 : memref<8x1024xf32, #tpu.memory_space<vmem>>) target(%dma_start3A_547 : memref<8x1024xf32, #tpu.memory_space<hbm>>) target_semaphore(%arg35 : memref<!tpu.dma_semaphore, #tpu.memory_space<semaphore_mem>>)
    %dma_wait3A_548 = arith.constant 0 : i32
    %dma_wait3A_549 = tpu.memref_slice %arg3[%add3A_358, %dma_wait3A_548] : memref<2048x1024xf32, #tpu.memory_space<hbm>> -> memref<8x1024xf32, #tpu.memory_space<hbm>>
    %dma_wait3A_550 = arith.constant 0 : i32
    %dma_wait3A_551 = tpu.memref_slice %arg3[%add3A_358, %dma_wait3A_550] : memref<2048x1024xf32, #tpu.memory_space<hbm>> -> memref<8x1024xf32, #tpu.memory_space<hbm>>
    tpu.wait_dma2 semaphore(%arg45 : memref<!tpu.dma_semaphore, #tpu.memory_space<semaphore_mem>>) src(%dma_wait3A_551 : memref<8x1024xf32, #tpu.memory_space<hbm>>) dst(%arg18 : memref<8x1024xf32, #tpu.memory_space<vmem>>)
    %dma_wait3A_552 = arith.constant 0 : i32
    %dma_wait3A_553 = arith.constant 0 : i32
    %dma_wait3A_554 = tpu.memref_slice %arg2[%dma_wait3A_552, %add3A_358, %dma_wait3A_553] : memref<4x2048x1024xf32, #tpu.memory_space<hbm>> -> memref<1x8x1024xf32, #tpu.memory_space<hbm>>
    %dma_wait3A_555 = tpu.memref_squeeze %dma_wait3A_554 : memref<1x8x1024xf32, #tpu.memory_space<hbm>> -> memref<8x1024xf32, #tpu.memory_space<hbm>>
    %dma_wait3A_556 = arith.constant 0 : i32
    %dma_wait3A_557 = tpu.memref_slice %arg2[%dma_wait3A_552, %add3A_358, %dma_wait3A_556] : memref<4x2048x1024xf32, #tpu.memory_space<hbm>> -> memref<1x8x1024xf32, #tpu.memory_space<hbm>>
    %dma_wait3A_558 = tpu.memref_squeeze %dma_wait3A_557 : memref<1x8x1024xf32, #tpu.memory_space<hbm>> -> memref<8x1024xf32, #tpu.memory_space<hbm>>
    tpu.wait_dma2 semaphore(%arg24 : memref<!tpu.dma_semaphore, #tpu.memory_space<semaphore_mem>>) src(%dma_wait3A_558 : memref<8x1024xf32, #tpu.memory_space<hbm>>) dst(%arg9 : memref<8x1024xf32, #tpu.memory_space<vmem>>)
    %dma_wait3A_559 = arith.constant 1 : i32
    %dma_wait3A_560 = arith.constant 0 : i32
    %dma_wait3A_561 = tpu.memref_slice %arg2[%dma_wait3A_559, %add3A_358, %dma_wait3A_560] : memref<4x2048x1024xf32, #tpu.memory_space<hbm>> -> memref<1x8x1024xf32, #tpu.memory_space<hbm>>
    %dma_wait3A_562 = tpu.memref_squeeze %dma_wait3A_561 : memref<1x8x1024xf32, #tpu.memory_space<hbm>> -> memref<8x1024xf32, #tpu.memory_space<hbm>>
    %dma_wait3A_563 = arith.constant 0 : i32
    %dma_wait3A_564 = tpu.memref_slice %arg2[%dma_wait3A_559, %add3A_358, %dma_wait3A_563] : memref<4x2048x1024xf32, #tpu.memory_space<hbm>> -> memref<1x8x1024xf32, #tpu.memory_space<hbm>>
    %dma_wait3A_565 = tpu.memref_squeeze %dma_wait3A_564 : memref<1x8x1024xf32, #tpu.memory_space<hbm>> -> memref<8x1024xf32, #tpu.memory_space<hbm>>
    tpu.wait_dma2 semaphore(%arg25 : memref<!tpu.dma_semaphore, #tpu.memory_space<semaphore_mem>>) src(%dma_wait3A_565 : memref<8x1024xf32, #tpu.memory_space<hbm>>) dst(%arg10 : memref<8x1024xf32, #tpu.memory_space<vmem>>)
    %dma_wait3A_566 = arith.constant 2 : i32
    %dma_wait3A_567 = arith.constant 0 : i32
    %dma_wait3A_568 = tpu.memref_slice %arg2[%dma_wait3A_566, %add3A_358, %dma_wait3A_567] : memref<4x2048x1024xf32, #tpu.memory_space<hbm>> -> memref<1x8x1024xf32, #tpu.memory_space<hbm>>
    %dma_wait3A_569 = tpu.memref_squeeze %dma_wait3A_568 : memref<1x8x1024xf32, #tpu.memory_space<hbm>> -> memref<8x1024xf32, #tpu.memory_space<hbm>>
    %dma_wait3A_570 = arith.constant 0 : i32
    %dma_wait3A_571 = tpu.memref_slice %arg2[%dma_wait3A_566, %add3A_358, %dma_wait3A_570] : memref<4x2048x1024xf32, #tpu.memory_space<hbm>> -> memref<1x8x1024xf32, #tpu.memory_space<hbm>>
    %dma_wait3A_572 = tpu.memref_squeeze %dma_wait3A_571 : memref<1x8x1024xf32, #tpu.memory_space<hbm>> -> memref<8x1024xf32, #tpu.memory_space<hbm>>
    tpu.wait_dma2 semaphore(%arg26 : memref<!tpu.dma_semaphore, #tpu.memory_space<semaphore_mem>>) src(%dma_wait3A_572 : memref<8x1024xf32, #tpu.memory_space<hbm>>) dst(%arg11 : memref<8x1024xf32, #tpu.memory_space<vmem>>)
    %dma_wait3A_573 = arith.constant 3 : i32
    %dma_wait3A_574 = arith.constant 0 : i32
    %dma_wait3A_575 = tpu.memref_slice %arg2[%dma_wait3A_573, %add3A_358, %dma_wait3A_574] : memref<4x2048x1024xf32, #tpu.memory_space<hbm>> -> memref<1x8x1024xf32, #tpu.memory_space<hbm>>
    %dma_wait3A_576 = tpu.memref_squeeze %dma_wait3A_575 : memref<1x8x1024xf32, #tpu.memory_space<hbm>> -> memref<8x1024xf32, #tpu.memory_space<hbm>>
    %dma_wait3A_577 = arith.constant 0 : i32
    %dma_wait3A_578 = tpu.memref_slice %arg2[%dma_wait3A_573, %add3A_358, %dma_wait3A_577] : memref<4x2048x1024xf32, #tpu.memory_space<hbm>> -> memref<1x8x1024xf32, #tpu.memory_space<hbm>>
    %dma_wait3A_579 = tpu.memref_squeeze %dma_wait3A_578 : memref<1x8x1024xf32, #tpu.memory_space<hbm>> -> memref<8x1024xf32, #tpu.memory_space<hbm>>
    tpu.wait_dma2 semaphore(%arg27 : memref<!tpu.dma_semaphore, #tpu.memory_space<semaphore_mem>>) src(%dma_wait3A_579 : memref<8x1024xf32, #tpu.memory_space<hbm>>) dst(%arg12 : memref<8x1024xf32, #tpu.memory_space<vmem>>)
    %parallel_loop3A_580 = arith.constant 0 : i32
    %parallel_loop3A_581 = arith.constant 512 : i32
    %parallel_loop3A_582 = arith.constant 1 : i32
    scf.for %parallel_loop3A_1016 = %parallel_loop3A_580 to %parallel_loop3A_581 step %parallel_loop3A_582  : i32 {
      %parallel_loop3A_1017 = arith.constant 6 : i32
      %parallel_loop3A_1018 = arith.shrsi %parallel_loop3A_1016, %parallel_loop3A_1017 : i32
      %parallel_loop3A_1019 = arith.constant 63 : i32
      %parallel_loop3A_1020 = arith.andi %parallel_loop3A_1016, %parallel_loop3A_1019 : i32
      %parallel_loop3A_1021 = arith.constant 16 : i32
      %parallel_loop3A_1022 = arith.muli %parallel_loop3A_1020, %parallel_loop3A_1021 : i32
      %parallel_loop3A_1023 = arith.index_cast %parallel_loop3A_1018 : i32 to index
      %parallel_loop3A_1024 = arith.index_cast %parallel_loop3A_1022 : i32 to index
      %parallel_loop3A_1025 = tpu.vector_load %arg18[%parallel_loop3A_1023, %parallel_loop3A_1024] {strides = array<i32>} : memref<8x1024xf32, #tpu.memory_space<vmem>>, vector<1x16xf32>,
      %parallel_loop3A_1026 = vector.shape_cast %parallel_loop3A_1025 : vector<1x16xf32> to vector<16xf32>
      %parallel_loop3A_1027 = arith.index_cast %parallel_loop3A_1018 : i32 to index
      %parallel_loop3A_1028 = arith.index_cast %parallel_loop3A_1022 : i32 to index
      %parallel_loop3A_1029 = tpu.vector_load %arg9[%parallel_loop3A_1027, %parallel_loop3A_1028] {strides = array<i32>} : memref<8x1024xf32, #tpu.memory_space<vmem>>, vector<1x16xf32>,
      %parallel_loop3A_1030 = vector.shape_cast %parallel_loop3A_1029 : vector<1x16xf32> to vector<16xf32>
      %parallel_loop3A_1031 = vector.shape_cast %parallel_loop3A_1026 : vector<16xf32> to vector<1x16xf32>
      tpu.vector_store %arg9[%parallel_loop3A_1027, %parallel_loop3A_1028], %parallel_loop3A_1031 {add = true, strides = array<i32>} : memref<8x1024xf32, #tpu.memory_space<vmem>>, vector<1x16xf32>,
      %parallel_loop3A_1032 = arith.index_cast %parallel_loop3A_1018 : i32 to index
      %parallel_loop3A_1033 = arith.index_cast %parallel_loop3A_1022 : i32 to index
      %parallel_loop3A_1034 = tpu.vector_load %arg10[%parallel_loop3A_1032, %parallel_loop3A_1033] {strides = array<i32>} : memref<8x1024xf32, #tpu.memory_space<vmem>>, vector<1x16xf32>,
      %parallel_loop3A_1035 = vector.shape_cast %parallel_loop3A_1034 : vector<1x16xf32> to vector<16xf32>
      %parallel_loop3A_1036 = vector.shape_cast %parallel_loop3A_1026 : vector<16xf32> to vector<1x16xf32>
      tpu.vector_store %arg10[%parallel_loop3A_1032, %parallel_loop3A_1033], %parallel_loop3A_1036 {add = true, strides = array<i32>} : memref<8x1024xf32, #tpu.memory_space<vmem>>, vector<1x16xf32>,
      %parallel_loop3A_1037 = arith.index_cast %parallel_loop3A_1018 : i32 to index
      %parallel_loop3A_1038 = arith.index_cast %parallel_loop3A_1022 : i32 to index
      %parallel_loop3A_1039 = tpu.vector_load %arg11[%parallel_loop3A_1037, %parallel_loop3A_1038] {strides = array<i32>} : memref<8x1024xf32, #tpu.memory_space<vmem>>, vector<1x16xf32>,
      %parallel_loop3A_1040 = vector.shape_cast %parallel_loop3A_1039 : vector<1x16xf32> to vector<16xf32>
      %parallel_loop3A_1041 = vector.shape_cast %parallel_loop3A_1026 : vector<16xf32> to vector<1x16xf32>
      tpu.vector_store %arg11[%parallel_loop3A_1037, %parallel_loop3A_1038], %parallel_loop3A_1041 {add = true, strides = array<i32>} : memref<8x1024xf32, #tpu.memory_space<vmem>>, vector<1x16xf32>,
      %parallel_loop3A_1042 = arith.index_cast %parallel_loop3A_1018 : i32 to index
      %parallel_loop3A_1043 = arith.index_cast %parallel_loop3A_1022 : i32 to index
      %parallel_loop3A_1044 = tpu.vector_load %arg12[%parallel_loop3A_1042, %parallel_loop3A_1043] {strides = array<i32>} : memref<8x1024xf32, #tpu.memory_space<vmem>>, vector<1x16xf32>,
      %parallel_loop3A_1045 = vector.shape_cast %parallel_loop3A_1044 : vector<1x16xf32> to vector<16xf32>
      %parallel_loop3A_1046 = vector.shape_cast %parallel_loop3A_1026 : vector<16xf32> to vector<1x16xf32>
      tpu.vector_store %arg12[%parallel_loop3A_1042, %parallel_loop3A_1043], %parallel_loop3A_1046 {add = true, strides = array<i32>} : memref<8x1024xf32, #tpu.memory_space<vmem>>, vector<1x16xf32>,
    } {sc.loop_unroll_factor = 4 : i64, sc.parallel_access}
    %dma_wait3A_583 = arith.constant 0 : i32
    %dma_wait3A_584 = arith.constant 0 : i32
    %dma_wait3A_585 = tpu.memref_slice %arg4[%dma_wait3A_583, %add3A_519, %dma_wait3A_584] : memref<4x2048x1024xf32, #tpu.memory_space<hbm>> -> memref<1x8x1024xf32, #tpu.memory_space<hbm>>
    %dma_wait3A_586 = tpu.memref_squeeze %dma_wait3A_585 : memref<1x8x1024xf32, #tpu.memory_space<hbm>> -> memref<8x1024xf32, #tpu.memory_space<hbm>>
    %dma_wait3A_587 = arith.constant 0 : i32
    %dma_wait3A_588 = tpu.memref_slice %arg4[%dma_wait3A_583, %add3A_519, %dma_wait3A_587] : memref<4x2048x1024xf32, #tpu.memory_space<hbm>> -> memref<1x8x1024xf32, #tpu.memory_space<hbm>>
    %dma_wait3A_589 = tpu.memref_squeeze %dma_wait3A_588 : memref<1x8x1024xf32, #tpu.memory_space<hbm>> -> memref<8x1024xf32, #tpu.memory_space<hbm>>
    tpu.wait_dma2 semaphore(%arg32 : memref<!tpu.dma_semaphore, #tpu.memory_space<semaphore_mem>>) src(%arg5 : memref<8x1024xf32, #tpu.memory_space<vmem>>) dst(%dma_wait3A_589 : memref<8x1024xf32, #tpu.memory_space<hbm>>)
    %dma_wait3A_590 = arith.constant 1 : i32
    %dma_wait3A_591 = arith.constant 0 : i32
    %dma_wait3A_592 = tpu.memref_slice %arg4[%dma_wait3A_590, %add3A_519, %dma_wait3A_591] : memref<4x2048x1024xf32, #tpu.memory_space<hbm>> -> memref<1x8x1024xf32, #tpu.memory_space<hbm>>
    %dma_wait3A_593 = tpu.memref_squeeze %dma_wait3A_592 : memref<1x8x1024xf32, #tpu.memory_space<hbm>> -> memref<8x1024xf32, #tpu.memory_space<hbm>>
    %dma_wait3A_594 = arith.constant 0 : i32
    %dma_wait3A_595 = tpu.memref_slice %arg4[%dma_wait3A_590, %add3A_519, %dma_wait3A_594] : memref<4x2048x1024xf32, #tpu.memory_space<hbm>> -> memref<1x8x1024xf32, #tpu.memory_space<hbm>>
    %dma_wait3A_596 = tpu.memref_squeeze %dma_wait3A_595 : memref<1x8x1024xf32, #tpu.memory_space<hbm>> -> memref<8x1024xf32, #tpu.memory_space<hbm>>
    tpu.wait_dma2 semaphore(%arg33 : memref<!tpu.dma_semaphore, #tpu.memory_space<semaphore_mem>>) src(%arg6 : memref<8x1024xf32, #tpu.memory_space<vmem>>) dst(%dma_wait3A_596 : memref<8x1024xf32, #tpu.memory_space<hbm>>)
    %dma_wait3A_597 = arith.constant 2 : i32
    %dma_wait3A_598 = arith.constant 0 : i32
    %dma_wait3A_599 = tpu.memref_slice %arg4[%dma_wait3A_597, %add3A_519, %dma_wait3A_598] : memref<4x2048x1024xf32, #tpu.memory_space<hbm>> -> memref<1x8x1024xf32, #tpu.memory_space<hbm>>
    %dma_wait3A_600 = tpu.memref_squeeze %dma_wait3A_599 : memref<1x8x1024xf32, #tpu.memory_space<hbm>> -> memref<8x1024xf32, #tpu.memory_space<hbm>>
    %dma_wait3A_601 = arith.constant 0 : i32
    %dma_wait3A_602 = tpu.memref_slice %arg4[%dma_wait3A_597, %add3A_519, %dma_wait3A_601] : memref<4x2048x1024xf32, #tpu.memory_space<hbm>> -> memref<1x8x1024xf32, #tpu.memory_space<hbm>>
    %dma_wait3A_603 = tpu.memref_squeeze %dma_wait3A_602 : memref<1x8x1024xf32, #tpu.memory_space<hbm>> -> memref<8x1024xf32, #tpu.memory_space<hbm>>
    tpu.wait_dma2 semaphore(%arg34 : memref<!tpu.dma_semaphore, #tpu.memory_space<semaphore_mem>>) src(%arg7 : memref<8x1024xf32, #tpu.memory_space<vmem>>) dst(%dma_wait3A_603 : memref<8x1024xf32, #tpu.memory_space<hbm>>)
    %dma_wait3A_604 = arith.constant 3 : i32
    %dma_wait3A_605 = arith.constant 0 : i32
    %dma_wait3A_606 = tpu.memref_slice %arg4[%dma_wait3A_604, %add3A_519, %dma_wait3A_605] : memref<4x2048x1024xf32, #tpu.memory_space<hbm>> -> memref<1x8x1024xf32, #tpu.memory_space<hbm>>
    %dma_wait3A_607 = tpu.memref_squeeze %dma_wait3A_606 : memref<1x8x1024xf32, #tpu.memory_space<hbm>> -> memref<8x1024xf32, #tpu.memory_space<hbm>>
    %dma_wait3A_608 = arith.constant 0 : i32
    %dma_wait3A_609 = tpu.memref_slice %arg4[%dma_wait3A_604, %add3A_519, %dma_wait3A_608] : memref<4x2048x1024xf32, #tpu.memory_space<hbm>> -> memref<1x8x1024xf32, #tpu.memory_space<hbm>>
    %dma_wait3A_610 = tpu.memref_squeeze %dma_wait3A_609 : memref<1x8x1024xf32, #tpu.memory_space<hbm>> -> memref<8x1024xf32, #tpu.memory_space<hbm>>
    tpu.wait_dma2 semaphore(%arg35 : memref<!tpu.dma_semaphore, #tpu.memory_space<semaphore_mem>>) src(%arg8 : memref<8x1024xf32, #tpu.memory_space<vmem>>) dst(%dma_wait3A_610 : memref<8x1024xf32, #tpu.memory_space<hbm>>)
    %add3A_611 = arith.constant 48 : i32
    %add3A_612 = arith.addi %mul3A_2, %add3A_611 : i32
    %dma_start3A_613 = arith.constant 0 : i32
    %dma_start3A_614 = tpu.memref_slice %arg3[%add3A_612, %dma_start3A_613] : memref<2048x1024xf32, #tpu.memory_space<hbm>> -> memref<8x1024xf32, #tpu.memory_space<hbm>>
    %dma_start3A_615 = arith.constant 0 : i32
    %dma_start3A_616 = tpu.memref_slice %arg3[%add3A_612, %dma_start3A_615] : memref<2048x1024xf32, #tpu.memory_space<hbm>> -> memref<8x1024xf32, #tpu.memory_space<hbm>>
    tpu.enqueue_dma source(%dma_start3A_616 : memref<8x1024xf32, #tpu.memory_space<hbm>>) target(%arg17 : memref<8x1024xf32, #tpu.memory_space<vmem>>) target_semaphore(%arg44 : memref<!tpu.dma_semaphore, #tpu.memory_space<semaphore_mem>>)
    %dma_start3A_617 = arith.constant 0 : i32
    %dma_start3A_618 = arith.constant 0 : i32
    %dma_start3A_619 = tpu.memref_slice %arg2[%dma_start3A_617, %add3A_612, %dma_start3A_618] : memref<4x2048x1024xf32, #tpu.memory_space<hbm>> -> memref<1x8x1024xf32, #tpu.memory_space<hbm>>
    %dma_start3A_620 = tpu.memref_squeeze %dma_start3A_619 : memref<1x8x1024xf32, #tpu.memory_space<hbm>> -> memref<8x1024xf32, #tpu.memory_space<hbm>>
    %dma_start3A_621 = arith.constant 0 : i32
    %dma_start3A_622 = tpu.memref_slice %arg2[%dma_start3A_617, %add3A_612, %dma_start3A_621] : memref<4x2048x1024xf32, #tpu.memory_space<hbm>> -> memref<1x8x1024xf32, #tpu.memory_space<hbm>>
    %dma_start3A_623 = tpu.memref_squeeze %dma_start3A_622 : memref<1x8x1024xf32, #tpu.memory_space<hbm>> -> memref<8x1024xf32, #tpu.memory_space<hbm>>
    tpu.enqueue_dma source(%dma_start3A_623 : memref<8x1024xf32, #tpu.memory_space<hbm>>) target(%arg5 : memref<8x1024xf32, #tpu.memory_space<vmem>>) target_semaphore(%arg20 : memref<!tpu.dma_semaphore, #tpu.memory_space<semaphore_mem>>)
    %dma_start3A_624 = arith.constant 1 : i32
    %dma_start3A_625 = arith.constant 0 : i32
    %dma_start3A_626 = tpu.memref_slice %arg2[%dma_start3A_624, %add3A_612, %dma_start3A_625] : memref<4x2048x1024xf32, #tpu.memory_space<hbm>> -> memref<1x8x1024xf32, #tpu.memory_space<hbm>>
    %dma_start3A_627 = tpu.memref_squeeze %dma_start3A_626 : memref<1x8x1024xf32, #tpu.memory_space<hbm>> -> memref<8x1024xf32, #tpu.memory_space<hbm>>
    %dma_start3A_628 = arith.constant 0 : i32
    %dma_start3A_629 = tpu.memref_slice %arg2[%dma_start3A_624, %add3A_612, %dma_start3A_628] : memref<4x2048x1024xf32, #tpu.memory_space<hbm>> -> memref<1x8x1024xf32, #tpu.memory_space<hbm>>
    %dma_start3A_630 = tpu.memref_squeeze %dma_start3A_629 : memref<1x8x1024xf32, #tpu.memory_space<hbm>> -> memref<8x1024xf32, #tpu.memory_space<hbm>>
    tpu.enqueue_dma source(%dma_start3A_630 : memref<8x1024xf32, #tpu.memory_space<hbm>>) target(%arg6 : memref<8x1024xf32, #tpu.memory_space<vmem>>) target_semaphore(%arg21 : memref<!tpu.dma_semaphore, #tpu.memory_space<semaphore_mem>>)
    %dma_start3A_631 = arith.constant 2 : i32
    %dma_start3A_632 = arith.constant 0 : i32
    %dma_start3A_633 = tpu.memref_slice %arg2[%dma_start3A_631, %add3A_612, %dma_start3A_632] : memref<4x2048x1024xf32, #tpu.memory_space<hbm>> -> memref<1x8x1024xf32, #tpu.memory_space<hbm>>
    %dma_start3A_634 = tpu.memref_squeeze %dma_start3A_633 : memref<1x8x1024xf32, #tpu.memory_space<hbm>> -> memref<8x1024xf32, #tpu.memory_space<hbm>>
    %dma_start3A_635 = arith.constant 0 : i32
    %dma_start3A_636 = tpu.memref_slice %arg2[%dma_start3A_631, %add3A_612, %dma_start3A_635] : memref<4x2048x1024xf32, #tpu.memory_space<hbm>> -> memref<1x8x1024xf32, #tpu.memory_space<hbm>>
    %dma_start3A_637 = tpu.memref_squeeze %dma_start3A_636 : memref<1x8x1024xf32, #tpu.memory_space<hbm>> -> memref<8x1024xf32, #tpu.memory_space<hbm>>
    tpu.enqueue_dma source(%dma_start3A_637 : memref<8x1024xf32, #tpu.memory_space<hbm>>) target(%arg7 : memref<8x1024xf32, #tpu.memory_space<vmem>>) target_semaphore(%arg22 : memref<!tpu.dma_semaphore, #tpu.memory_space<semaphore_mem>>)
    %dma_start3A_638 = arith.constant 3 : i32
    %dma_start3A_639 = arith.constant 0 : i32
    %dma_start3A_640 = tpu.memref_slice %arg2[%dma_start3A_638, %add3A_612, %dma_start3A_639] : memref<4x2048x1024xf32, #tpu.memory_space<hbm>> -> memref<1x8x1024xf32, #tpu.memory_space<hbm>>
    %dma_start3A_641 = tpu.memref_squeeze %dma_start3A_640 : memref<1x8x1024xf32, #tpu.memory_space<hbm>> -> memref<8x1024xf32, #tpu.memory_space<hbm>>
    %dma_start3A_642 = arith.constant 0 : i32
    %dma_start3A_643 = tpu.memref_slice %arg2[%dma_start3A_638, %add3A_612, %dma_start3A_642] : memref<4x2048x1024xf32, #tpu.memory_space<hbm>> -> memref<1x8x1024xf32, #tpu.memory_space<hbm>>
    %dma_start3A_644 = tpu.memref_squeeze %dma_start3A_643 : memref<1x8x1024xf32, #tpu.memory_space<hbm>> -> memref<8x1024xf32, #tpu.memory_space<hbm>>
    tpu.enqueue_dma source(%dma_start3A_644 : memref<8x1024xf32, #tpu.memory_space<hbm>>) target(%arg8 : memref<8x1024xf32, #tpu.memory_space<vmem>>) target_semaphore(%arg23 : memref<!tpu.dma_semaphore, #tpu.memory_space<semaphore_mem>>)
    %add3A_645 = arith.constant 32 : i32
    %add3A_646 = arith.addi %mul3A_2, %add3A_645 : i32
    %dma_start3A_647 = arith.constant 0 : i32
    %dma_start3A_648 = arith.constant 0 : i32
    %dma_start3A_649 = tpu.memref_slice %arg4[%dma_start3A_647, %add3A_646, %dma_start3A_648] : memref<4x2048x1024xf32, #tpu.memory_space<hbm>> -> memref<1x8x1024xf32, #tpu.memory_space<hbm>>
    %dma_start3A_650 = tpu.memref_squeeze %dma_start3A_649 : memref<1x8x1024xf32, #tpu.memory_space<hbm>> -> memref<8x1024xf32, #tpu.memory_space<hbm>>
    %dma_start3A_651 = arith.constant 0 : i32
    %dma_start3A_652 = tpu.memref_slice %arg4[%dma_start3A_647, %add3A_646, %dma_start3A_651] : memref<4x2048x1024xf32, #tpu.memory_space<hbm>> -> memref<1x8x1024xf32, #tpu.memory_space<hbm>>
    %dma_start3A_653 = tpu.memref_squeeze %dma_start3A_652 : memref<1x8x1024xf32, #tpu.memory_space<hbm>> -> memref<8x1024xf32, #tpu.memory_space<hbm>>
    tpu.enqueue_dma source(%arg9 : memref<8x1024xf32, #tpu.memory_space<vmem>>) target(%dma_start3A_653 : memref<8x1024xf32, #tpu.memory_space<hbm>>) target_semaphore(%arg36 : memref<!tpu.dma_semaphore, #tpu.memory_space<semaphore_mem>>)
    %dma_start3A_654 = arith.constant 1 : i32
    %dma_start3A_655 = arith.constant 0 : i32
    %dma_start3A_656 = tpu.memref_slice %arg4[%dma_start3A_654, %add3A_646, %dma_start3A_655] : memref<4x2048x1024xf32, #tpu.memory_space<hbm>> -> memref<1x8x1024xf32, #tpu.memory_space<hbm>>
    %dma_start3A_657 = tpu.memref_squeeze %dma_start3A_656 : memref<1x8x1024xf32, #tpu.memory_space<hbm>> -> memref<8x1024xf32, #tpu.memory_space<hbm>>
    %dma_start3A_658 = arith.constant 0 : i32
    %dma_start3A_659 = tpu.memref_slice %arg4[%dma_start3A_654, %add3A_646, %dma_start3A_658] : memref<4x2048x1024xf32, #tpu.memory_space<hbm>> -> memref<1x8x1024xf32, #tpu.memory_space<hbm>>
    %dma_start3A_660 = tpu.memref_squeeze %dma_start3A_659 : memref<1x8x1024xf32, #tpu.memory_space<hbm>> -> memref<8x1024xf32, #tpu.memory_space<hbm>>
    tpu.enqueue_dma source(%arg10 : memref<8x1024xf32, #tpu.memory_space<vmem>>) target(%dma_start3A_660 : memref<8x1024xf32, #tpu.memory_space<hbm>>) target_semaphore(%arg37 : memref<!tpu.dma_semaphore, #tpu.memory_space<semaphore_mem>>)
    %dma_start3A_661 = arith.constant 2 : i32
    %dma_start3A_662 = arith.constant 0 : i32
    %dma_start3A_663 = tpu.memref_slice %arg4[%dma_start3A_661, %add3A_646, %dma_start3A_662] : memref<4x2048x1024xf32, #tpu.memory_space<hbm>> -> memref<1x8x1024xf32, #tpu.memory_space<hbm>>
    %dma_start3A_664 = tpu.memref_squeeze %dma_start3A_663 : memref<1x8x1024xf32, #tpu.memory_space<hbm>> -> memref<8x1024xf32, #tpu.memory_space<hbm>>
    %dma_start3A_665 = arith.constant 0 : i32
    %dma_start3A_666 = tpu.memref_slice %arg4[%dma_start3A_661, %add3A_646, %dma_start3A_665] : memref<4x2048x1024xf32, #tpu.memory_space<hbm>> -> memref<1x8x1024xf32, #tpu.memory_space<hbm>>
    %dma_start3A_667 = tpu.memref_squeeze %dma_start3A_666 : memref<1x8x1024xf32, #tpu.memory_space<hbm>> -> memref<8x1024xf32, #tpu.memory_space<hbm>>
    tpu.enqueue_dma source(%arg11 : memref<8x1024xf32, #tpu.memory_space<vmem>>) target(%dma_start3A_667 : memref<8x1024xf32, #tpu.memory_space<hbm>>) target_semaphore(%arg38 : memref<!tpu.dma_semaphore, #tpu.memory_space<semaphore_mem>>)
    %dma_start3A_668 = arith.constant 3 : i32
    %dma_start3A_669 = arith.constant 0 : i32
    %dma_start3A_670 = tpu.memref_slice %arg4[%dma_start3A_668, %add3A_646, %dma_start3A_669] : memref<4x2048x1024xf32, #tpu.memory_space<hbm>> -> memref<1x8x1024xf32, #tpu.memory_space<hbm>>
    %dma_start3A_671 = tpu.memref_squeeze %dma_start3A_670 : memref<1x8x1024xf32, #tpu.memory_space<hbm>> -> memref<8x1024xf32, #tpu.memory_space<hbm>>
    %dma_start3A_672 = arith.constant 0 : i32
    %dma_start3A_673 = tpu.memref_slice %arg4[%dma_start3A_668, %add3A_646, %dma_start3A_672] : memref<4x2048x1024xf32, #tpu.memory_space<hbm>> -> memref<1x8x1024xf32, #tpu.memory_space<hbm>>
    %dma_start3A_674 = tpu.memref_squeeze %dma_start3A_673 : memref<1x8x1024xf32, #tpu.memory_space<hbm>> -> memref<8x1024xf32, #tpu.memory_space<hbm>>
    tpu.enqueue_dma source(%arg12 : memref<8x1024xf32, #tpu.memory_space<vmem>>) target(%dma_start3A_674 : memref<8x1024xf32, #tpu.memory_space<hbm>>) target_semaphore(%arg39 : memref<!tpu.dma_semaphore, #tpu.memory_space<semaphore_mem>>)
    %dma_wait3A_675 = arith.constant 0 : i32
    %dma_wait3A_676 = tpu.memref_slice %arg3[%add3A_485, %dma_wait3A_675] : memref<2048x1024xf32, #tpu.memory_space<hbm>> -> memref<8x1024xf32, #tpu.memory_space<hbm>>
    %dma_wait3A_677 = arith.constant 0 : i32
    %dma_wait3A_678 = tpu.memref_slice %arg3[%add3A_485, %dma_wait3A_677] : memref<2048x1024xf32, #tpu.memory_space<hbm>> -> memref<8x1024xf32, #tpu.memory_space<hbm>>
    tpu.wait_dma2 semaphore(%arg46 : memref<!tpu.dma_semaphore, #tpu.memory_space<semaphore_mem>>) src(%dma_wait3A_678 : memref<8x1024xf32, #tpu.memory_space<hbm>>) dst(%arg19 : memref<8x1024xf32, #tpu.memory_space<vmem>>)
    %dma_wait3A_679 = arith.constant 0 : i32
    %dma_wait3A_680 = arith.constant 0 : i32
    %dma_wait3A_681 = tpu.memref_slice %arg2[%dma_wait3A_679, %add3A_485, %dma_wait3A_680] : memref<4x2048x1024xf32, #tpu.memory_space<hbm>> -> memref<1x8x1024xf32, #tpu.memory_space<hbm>>
    %dma_wait3A_682 = tpu.memref_squeeze %dma_wait3A_681 : memref<1x8x1024xf32, #tpu.memory_space<hbm>> -> memref<8x1024xf32, #tpu.memory_space<hbm>>
    %dma_wait3A_683 = arith.constant 0 : i32
    %dma_wait3A_684 = tpu.memref_slice %arg2[%dma_wait3A_679, %add3A_485, %dma_wait3A_683] : memref<4x2048x1024xf32, #tpu.memory_space<hbm>> -> memref<1x8x1024xf32, #tpu.memory_space<hbm>>
    %dma_wait3A_685 = tpu.memref_squeeze %dma_wait3A_684 : memref<1x8x1024xf32, #tpu.memory_space<hbm>> -> memref<8x1024xf32, #tpu.memory_space<hbm>>
    tpu.wait_dma2 semaphore(%arg28 : memref<!tpu.dma_semaphore, #tpu.memory_space<semaphore_mem>>) src(%dma_wait3A_685 : memref<8x1024xf32, #tpu.memory_space<hbm>>) dst(%arg13 : memref<8x1024xf32, #tpu.memory_space<vmem>>)
    %dma_wait3A_686 = arith.constant 1 : i32
    %dma_wait3A_687 = arith.constant 0 : i32
    %dma_wait3A_688 = tpu.memref_slice %arg2[%dma_wait3A_686, %add3A_485, %dma_wait3A_687] : memref<4x2048x1024xf32, #tpu.memory_space<hbm>> -> memref<1x8x1024xf32, #tpu.memory_space<hbm>>
    %dma_wait3A_689 = tpu.memref_squeeze %dma_wait3A_688 : memref<1x8x1024xf32, #tpu.memory_space<hbm>> -> memref<8x1024xf32, #tpu.memory_space<hbm>>
    %dma_wait3A_690 = arith.constant 0 : i32
    %dma_wait3A_691 = tpu.memref_slice %arg2[%dma_wait3A_686, %add3A_485, %dma_wait3A_690] : memref<4x2048x1024xf32, #tpu.memory_space<hbm>> -> memref<1x8x1024xf32, #tpu.memory_space<hbm>>
    %dma_wait3A_692 = tpu.memref_squeeze %dma_wait3A_691 : memref<1x8x1024xf32, #tpu.memory_space<hbm>> -> memref<8x1024xf32, #tpu.memory_space<hbm>>
    tpu.wait_dma2 semaphore(%arg29 : memref<!tpu.dma_semaphore, #tpu.memory_space<semaphore_mem>>) src(%dma_wait3A_692 : memref<8x1024xf32, #tpu.memory_space<hbm>>) dst(%arg14 : memref<8x1024xf32, #tpu.memory_space<vmem>>)
    %dma_wait3A_693 = arith.constant 2 : i32
    %dma_wait3A_694 = arith.constant 0 : i32
    %dma_wait3A_695 = tpu.memref_slice %arg2[%dma_wait3A_693, %add3A_485, %dma_wait3A_694] : memref<4x2048x1024xf32, #tpu.memory_space<hbm>> -> memref<1x8x1024xf32, #tpu.memory_space<hbm>>
    %dma_wait3A_696 = tpu.memref_squeeze %dma_wait3A_695 : memref<1x8x1024xf32, #tpu.memory_space<hbm>> -> memref<8x1024xf32, #tpu.memory_space<hbm>>
    %dma_wait3A_697 = arith.constant 0 : i32
    %dma_wait3A_698 = tpu.memref_slice %arg2[%dma_wait3A_693, %add3A_485, %dma_wait3A_697] : memref<4x2048x1024xf32, #tpu.memory_space<hbm>> -> memref<1x8x1024xf32, #tpu.memory_space<hbm>>
    %dma_wait3A_699 = tpu.memref_squeeze %dma_wait3A_698 : memref<1x8x1024xf32, #tpu.memory_space<hbm>> -> memref<8x1024xf32, #tpu.memory_space<hbm>>
    tpu.wait_dma2 semaphore(%arg30 : memref<!tpu.dma_semaphore, #tpu.memory_space<semaphore_mem>>) src(%dma_wait3A_699 : memref<8x1024xf32, #tpu.memory_space<hbm>>) dst(%arg15 : memref<8x1024xf32, #tpu.memory_space<vmem>>)
    %dma_wait3A_700 = arith.constant 3 : i32
    %dma_wait3A_701 = arith.constant 0 : i32
    %dma_wait3A_702 = tpu.memref_slice %arg2[%dma_wait3A_700, %add3A_485, %dma_wait3A_701] : memref<4x2048x1024xf32, #tpu.memory_space<hbm>> -> memref<1x8x1024xf32, #tpu.memory_space<hbm>>
    %dma_wait3A_703 = tpu.memref_squeeze %dma_wait3A_702 : memref<1x8x1024xf32, #tpu.memory_space<hbm>> -> memref<8x1024xf32, #tpu.memory_space<hbm>>
    %dma_wait3A_704 = arith.constant 0 : i32
    %dma_wait3A_705 = tpu.memref_slice %arg2[%dma_wait3A_700, %add3A_485, %dma_wait3A_704] : memref<4x2048x1024xf32, #tpu.memory_space<hbm>> -> memref<1x8x1024xf32, #tpu.memory_space<hbm>>
    %dma_wait3A_706 = tpu.memref_squeeze %dma_wait3A_705 : memref<1x8x1024xf32, #tpu.memory_space<hbm>> -> memref<8x1024xf32, #tpu.memory_space<hbm>>
    tpu.wait_dma2 semaphore(%arg31 : memref<!tpu.dma_semaphore, #tpu.memory_space<semaphore_mem>>) src(%dma_wait3A_706 : memref<8x1024xf32, #tpu.memory_space<hbm>>) dst(%arg16 : memref<8x1024xf32, #tpu.memory_space<vmem>>)
    %parallel_loop3A_707 = arith.constant 0 : i32
    %parallel_loop3A_708 = arith.constant 512 : i32
    %parallel_loop3A_709 = arith.constant 1 : i32
    scf.for %parallel_loop3A_1016 = %parallel_loop3A_707 to %parallel_loop3A_708 step %parallel_loop3A_709  : i32 {
      %parallel_loop3A_1017 = arith.constant 6 : i32
      %parallel_loop3A_1018 = arith.shrsi %parallel_loop3A_1016, %parallel_loop3A_1017 : i32
      %parallel_loop3A_1019 = arith.constant 63 : i32
      %parallel_loop3A_1020 = arith.andi %parallel_loop3A_1016, %parallel_loop3A_1019 : i32
      %parallel_loop3A_1021 = arith.constant 16 : i32
      %parallel_loop3A_1022 = arith.muli %parallel_loop3A_1020, %parallel_loop3A_1021 : i32
      %parallel_loop3A_1023 = arith.index_cast %parallel_loop3A_1018 : i32 to index
      %parallel_loop3A_1024 = arith.index_cast %parallel_loop3A_1022 : i32 to index
      %parallel_loop3A_1025 = tpu.vector_load %arg19[%parallel_loop3A_1023, %parallel_loop3A_1024] {strides = array<i32>} : memref<8x1024xf32, #tpu.memory_space<vmem>>, vector<1x16xf32>,
      %parallel_loop3A_1026 = vector.shape_cast %parallel_loop3A_1025 : vector<1x16xf32> to vector<16xf32>
      %parallel_loop3A_1027 = arith.index_cast %parallel_loop3A_1018 : i32 to index
      %parallel_loop3A_1028 = arith.index_cast %parallel_loop3A_1022 : i32 to index
      %parallel_loop3A_1029 = tpu.vector_load %arg13[%parallel_loop3A_1027, %parallel_loop3A_1028] {strides = array<i32>} : memref<8x1024xf32, #tpu.memory_space<vmem>>, vector<1x16xf32>,
      %parallel_loop3A_1030 = vector.shape_cast %parallel_loop3A_1029 : vector<1x16xf32> to vector<16xf32>
      %parallel_loop3A_1031 = vector.shape_cast %parallel_loop3A_1026 : vector<16xf32> to vector<1x16xf32>
      tpu.vector_store %arg13[%parallel_loop3A_1027, %parallel_loop3A_1028], %parallel_loop3A_1031 {add = true, strides = array<i32>} : memref<8x1024xf32, #tpu.memory_space<vmem>>, vector<1x16xf32>,
      %parallel_loop3A_1032 = arith.index_cast %parallel_loop3A_1018 : i32 to index
      %parallel_loop3A_1033 = arith.index_cast %parallel_loop3A_1022 : i32 to index
      %parallel_loop3A_1034 = tpu.vector_load %arg14[%parallel_loop3A_1032, %parallel_loop3A_1033] {strides = array<i32>} : memref<8x1024xf32, #tpu.memory_space<vmem>>, vector<1x16xf32>,
      %parallel_loop3A_1035 = vector.shape_cast %parallel_loop3A_1034 : vector<1x16xf32> to vector<16xf32>
      %parallel_loop3A_1036 = vector.shape_cast %parallel_loop3A_1026 : vector<16xf32> to vector<1x16xf32>
      tpu.vector_store %arg14[%parallel_loop3A_1032, %parallel_loop3A_1033], %parallel_loop3A_1036 {add = true, strides = array<i32>} : memref<8x1024xf32, #tpu.memory_space<vmem>>, vector<1x16xf32>,
      %parallel_loop3A_1037 = arith.index_cast %parallel_loop3A_1018 : i32 to index
      %parallel_loop3A_1038 = arith.index_cast %parallel_loop3A_1022 : i32 to index
      %parallel_loop3A_1039 = tpu.vector_load %arg15[%parallel_loop3A_1037, %parallel_loop3A_1038] {strides = array<i32>} : memref<8x1024xf32, #tpu.memory_space<vmem>>, vector<1x16xf32>,
      %parallel_loop3A_1040 = vector.shape_cast %parallel_loop3A_1039 : vector<1x16xf32> to vector<16xf32>
      %parallel_loop3A_1041 = vector.shape_cast %parallel_loop3A_1026 : vector<16xf32> to vector<1x16xf32>
      tpu.vector_store %arg15[%parallel_loop3A_1037, %parallel_loop3A_1038], %parallel_loop3A_1041 {add = true, strides = array<i32>} : memref<8x1024xf32, #tpu.memory_space<vmem>>, vector<1x16xf32>,
      %parallel_loop3A_1042 = arith.index_cast %parallel_loop3A_1018 : i32 to index
      %parallel_loop3A_1043 = arith.index_cast %parallel_loop3A_1022 : i32 to index
      %parallel_loop3A_1044 = tpu.vector_load %arg16[%parallel_loop3A_1042, %parallel_loop3A_1043] {strides = array<i32>} : memref<8x1024xf32, #tpu.memory_space<vmem>>, vector<1x16xf32>,
      %parallel_loop3A_1045 = vector.shape_cast %parallel_loop3A_1044 : vector<1x16xf32> to vector<16xf32>
      %parallel_loop3A_1046 = vector.shape_cast %parallel_loop3A_1026 : vector<16xf32> to vector<1x16xf32>
      tpu.vector_store %arg16[%parallel_loop3A_1042, %parallel_loop3A_1043], %parallel_loop3A_1046 {add = true, strides = array<i32>} : memref<8x1024xf32, #tpu.memory_space<vmem>>, vector<1x16xf32>,
    } {sc.loop_unroll_factor = 4 : i64, sc.parallel_access}
    %dma_wait3A_710 = arith.constant 0 : i32
    %dma_wait3A_711 = arith.constant 0 : i32
    %dma_wait3A_712 = tpu.memref_slice %arg4[%dma_wait3A_710, %add3A_646, %dma_wait3A_711] : memref<4x2048x1024xf32, #tpu.memory_space<hbm>> -> memref<1x8x1024xf32, #tpu.memory_space<hbm>>
    %dma_wait3A_713 = tpu.memref_squeeze %dma_wait3A_712 : memref<1x8x1024xf32, #tpu.memory_space<hbm>> -> memref<8x1024xf32, #tpu.memory_space<hbm>>
    %dma_wait3A_714 = arith.constant 0 : i32
    %dma_wait3A_715 = tpu.memref_slice %arg4[%dma_wait3A_710, %add3A_646, %dma_wait3A_714] : memref<4x2048x1024xf32, #tpu.memory_space<hbm>> -> memref<1x8x1024xf32, #tpu.memory_space<hbm>>
    %dma_wait3A_716 = tpu.memref_squeeze %dma_wait3A_715 : memref<1x8x1024xf32, #tpu.memory_space<hbm>> -> memref<8x1024xf32, #tpu.memory_space<hbm>>
    tpu.wait_dma2 semaphore(%arg36 : memref<!tpu.dma_semaphore, #tpu.memory_space<semaphore_mem>>) src(%arg9 : memref<8x1024xf32, #tpu.memory_space<vmem>>) dst(%dma_wait3A_716 : memref<8x1024xf32, #tpu.memory_space<hbm>>)
    %dma_wait3A_717 = arith.constant 1 : i32
    %dma_wait3A_718 = arith.constant 0 : i32
    %dma_wait3A_719 = tpu.memref_slice %arg4[%dma_wait3A_717, %add3A_646, %dma_wait3A_718] : memref<4x2048x1024xf32, #tpu.memory_space<hbm>> -> memref<1x8x1024xf32, #tpu.memory_space<hbm>>
    %dma_wait3A_720 = tpu.memref_squeeze %dma_wait3A_719 : memref<1x8x1024xf32, #tpu.memory_space<hbm>> -> memref<8x1024xf32, #tpu.memory_space<hbm>>
    %dma_wait3A_721 = arith.constant 0 : i32
    %dma_wait3A_722 = tpu.memref_slice %arg4[%dma_wait3A_717, %add3A_646, %dma_wait3A_721] : memref<4x2048x1024xf32, #tpu.memory_space<hbm>> -> memref<1x8x1024xf32, #tpu.memory_space<hbm>>
    %dma_wait3A_723 = tpu.memref_squeeze %dma_wait3A_722 : memref<1x8x1024xf32, #tpu.memory_space<hbm>> -> memref<8x1024xf32, #tpu.memory_space<hbm>>
    tpu.wait_dma2 semaphore(%arg37 : memref<!tpu.dma_semaphore, #tpu.memory_space<semaphore_mem>>) src(%arg10 : memref<8x1024xf32, #tpu.memory_space<vmem>>) dst(%dma_wait3A_723 : memref<8x1024xf32, #tpu.memory_space<hbm>>)
    %dma_wait3A_724 = arith.constant 2 : i32
    %dma_wait3A_725 = arith.constant 0 : i32
    %dma_wait3A_726 = tpu.memref_slice %arg4[%dma_wait3A_724, %add3A_646, %dma_wait3A_725] : memref<4x2048x1024xf32, #tpu.memory_space<hbm>> -> memref<1x8x1024xf32, #tpu.memory_space<hbm>>
    %dma_wait3A_727 = tpu.memref_squeeze %dma_wait3A_726 : memref<1x8x1024xf32, #tpu.memory_space<hbm>> -> memref<8x1024xf32, #tpu.memory_space<hbm>>
    %dma_wait3A_728 = arith.constant 0 : i32
    %dma_wait3A_729 = tpu.memref_slice %arg4[%dma_wait3A_724, %add3A_646, %dma_wait3A_728] : memref<4x2048x1024xf32, #tpu.memory_space<hbm>> -> memref<1x8x1024xf32, #tpu.memory_space<hbm>>
    %dma_wait3A_730 = tpu.memref_squeeze %dma_wait3A_729 : memref<1x8x1024xf32, #tpu.memory_space<hbm>> -> memref<8x1024xf32, #tpu.memory_space<hbm>>
    tpu.wait_dma2 semaphore(%arg38 : memref<!tpu.dma_semaphore, #tpu.memory_space<semaphore_mem>>) src(%arg11 : memref<8x1024xf32, #tpu.memory_space<vmem>>) dst(%dma_wait3A_730 : memref<8x1024xf32, #tpu.memory_space<hbm>>)
    %dma_wait3A_731 = arith.constant 3 : i32
    %dma_wait3A_732 = arith.constant 0 : i32
    %dma_wait3A_733 = tpu.memref_slice %arg4[%dma_wait3A_731, %add3A_646, %dma_wait3A_732] : memref<4x2048x1024xf32, #tpu.memory_space<hbm>> -> memref<1x8x1024xf32, #tpu.memory_space<hbm>>
    %dma_wait3A_734 = tpu.memref_squeeze %dma_wait3A_733 : memref<1x8x1024xf32, #tpu.memory_space<hbm>> -> memref<8x1024xf32, #tpu.memory_space<hbm>>
    %dma_wait3A_735 = arith.constant 0 : i32
    %dma_wait3A_736 = tpu.memref_slice %arg4[%dma_wait3A_731, %add3A_646, %dma_wait3A_735] : memref<4x2048x1024xf32, #tpu.memory_space<hbm>> -> memref<1x8x1024xf32, #tpu.memory_space<hbm>>
    %dma_wait3A_737 = tpu.memref_squeeze %dma_wait3A_736 : memref<1x8x1024xf32, #tpu.memory_space<hbm>> -> memref<8x1024xf32, #tpu.memory_space<hbm>>
    tpu.wait_dma2 semaphore(%arg39 : memref<!tpu.dma_semaphore, #tpu.memory_space<semaphore_mem>>) src(%arg12 : memref<8x1024xf32, #tpu.memory_space<vmem>>) dst(%dma_wait3A_737 : memref<8x1024xf32, #tpu.memory_space<hbm>>)
    %add3A_738 = arith.constant 56 : i32
    %add3A_739 = arith.addi %mul3A_2, %add3A_738 : i32
    %dma_start3A_740 = arith.constant 0 : i32
    %dma_start3A_741 = tpu.memref_slice %arg3[%add3A_739, %dma_start3A_740] : memref<2048x1024xf32, #tpu.memory_space<hbm>> -> memref<8x1024xf32, #tpu.memory_space<hbm>>
    %dma_start3A_742 = arith.constant 0 : i32
    %dma_start3A_743 = tpu.memref_slice %arg3[%add3A_739, %dma_start3A_742] : memref<2048x1024xf32, #tpu.memory_space<hbm>> -> memref<8x1024xf32, #tpu.memory_space<hbm>>
    tpu.enqueue_dma source(%dma_start3A_743 : memref<8x1024xf32, #tpu.memory_space<hbm>>) target(%arg18 : memref<8x1024xf32, #tpu.memory_space<vmem>>) target_semaphore(%arg45 : memref<!tpu.dma_semaphore, #tpu.memory_space<semaphore_mem>>)
    %dma_start3A_744 = arith.constant 0 : i32
    %dma_start3A_745 = arith.constant 0 : i32
    %dma_start3A_746 = tpu.memref_slice %arg2[%dma_start3A_744, %add3A_739, %dma_start3A_745] : memref<4x2048x1024xf32, #tpu.memory_space<hbm>> -> memref<1x8x1024xf32, #tpu.memory_space<hbm>>
    %dma_start3A_747 = tpu.memref_squeeze %dma_start3A_746 : memref<1x8x1024xf32, #tpu.memory_space<hbm>> -> memref<8x1024xf32, #tpu.memory_space<hbm>>
    %dma_start3A_748 = arith.constant 0 : i32
    %dma_start3A_749 = tpu.memref_slice %arg2[%dma_start3A_744, %add3A_739, %dma_start3A_748] : memref<4x2048x1024xf32, #tpu.memory_space<hbm>> -> memref<1x8x1024xf32, #tpu.memory_space<hbm>>
    %dma_start3A_750 = tpu.memref_squeeze %dma_start3A_749 : memref<1x8x1024xf32, #tpu.memory_space<hbm>> -> memref<8x1024xf32, #tpu.memory_space<hbm>>
    tpu.enqueue_dma source(%dma_start3A_750 : memref<8x1024xf32, #tpu.memory_space<hbm>>) target(%arg9 : memref<8x1024xf32, #tpu.memory_space<vmem>>) target_semaphore(%arg24 : memref<!tpu.dma_semaphore, #tpu.memory_space<semaphore_mem>>)
    %dma_start3A_751 = arith.constant 1 : i32
    %dma_start3A_752 = arith.constant 0 : i32
    %dma_start3A_753 = tpu.memref_slice %arg2[%dma_start3A_751, %add3A_739, %dma_start3A_752] : memref<4x2048x1024xf32, #tpu.memory_space<hbm>> -> memref<1x8x1024xf32, #tpu.memory_space<hbm>>
    %dma_start3A_754 = tpu.memref_squeeze %dma_start3A_753 : memref<1x8x1024xf32, #tpu.memory_space<hbm>> -> memref<8x1024xf32, #tpu.memory_space<hbm>>
    %dma_start3A_755 = arith.constant 0 : i32
    %dma_start3A_756 = tpu.memref_slice %arg2[%dma_start3A_751, %add3A_739, %dma_start3A_755] : memref<4x2048x1024xf32, #tpu.memory_space<hbm>> -> memref<1x8x1024xf32, #tpu.memory_space<hbm>>
    %dma_start3A_757 = tpu.memref_squeeze %dma_start3A_756 : memref<1x8x1024xf32, #tpu.memory_space<hbm>> -> memref<8x1024xf32, #tpu.memory_space<hbm>>
    tpu.enqueue_dma source(%dma_start3A_757 : memref<8x1024xf32, #tpu.memory_space<hbm>>) target(%arg10 : memref<8x1024xf32, #tpu.memory_space<vmem>>) target_semaphore(%arg25 : memref<!tpu.dma_semaphore, #tpu.memory_space<semaphore_mem>>)
    %dma_start3A_758 = arith.constant 2 : i32
    %dma_start3A_759 = arith.constant 0 : i32
    %dma_start3A_760 = tpu.memref_slice %arg2[%dma_start3A_758, %add3A_739, %dma_start3A_759] : memref<4x2048x1024xf32, #tpu.memory_space<hbm>> -> memref<1x8x1024xf32, #tpu.memory_space<hbm>>
    %dma_start3A_761 = tpu.memref_squeeze %dma_start3A_760 : memref<1x8x1024xf32, #tpu.memory_space<hbm>> -> memref<8x1024xf32, #tpu.memory_space<hbm>>
    %dma_start3A_762 = arith.constant 0 : i32
    %dma_start3A_763 = tpu.memref_slice %arg2[%dma_start3A_758, %add3A_739, %dma_start3A_762] : memref<4x2048x1024xf32, #tpu.memory_space<hbm>> -> memref<1x8x1024xf32, #tpu.memory_space<hbm>>
    %dma_start3A_764 = tpu.memref_squeeze %dma_start3A_763 : memref<1x8x1024xf32, #tpu.memory_space<hbm>> -> memref<8x1024xf32, #tpu.memory_space<hbm>>
    tpu.enqueue_dma source(%dma_start3A_764 : memref<8x1024xf32, #tpu.memory_space<hbm>>) target(%arg11 : memref<8x1024xf32, #tpu.memory_space<vmem>>) target_semaphore(%arg26 : memref<!tpu.dma_semaphore, #tpu.memory_space<semaphore_mem>>)
    %dma_start3A_765 = arith.constant 3 : i32
    %dma_start3A_766 = arith.constant 0 : i32
    %dma_start3A_767 = tpu.memref_slice %arg2[%dma_start3A_765, %add3A_739, %dma_start3A_766] : memref<4x2048x1024xf32, #tpu.memory_space<hbm>> -> memref<1x8x1024xf32, #tpu.memory_space<hbm>>
    %dma_start3A_768 = tpu.memref_squeeze %dma_start3A_767 : memref<1x8x1024xf32, #tpu.memory_space<hbm>> -> memref<8x1024xf32, #tpu.memory_space<hbm>>
    %dma_start3A_769 = arith.constant 0 : i32
    %dma_start3A_770 = tpu.memref_slice %arg2[%dma_start3A_765, %add3A_739, %dma_start3A_769] : memref<4x2048x1024xf32, #tpu.memory_space<hbm>> -> memref<1x8x1024xf32, #tpu.memory_space<hbm>>
    %dma_start3A_771 = tpu.memref_squeeze %dma_start3A_770 : memref<1x8x1024xf32, #tpu.memory_space<hbm>> -> memref<8x1024xf32, #tpu.memory_space<hbm>>
    tpu.enqueue_dma source(%dma_start3A_771 : memref<8x1024xf32, #tpu.memory_space<hbm>>) target(%arg12 : memref<8x1024xf32, #tpu.memory_space<vmem>>) target_semaphore(%arg27 : memref<!tpu.dma_semaphore, #tpu.memory_space<semaphore_mem>>)
    %add3A_772 = arith.constant 40 : i32
    %add3A_773 = arith.addi %mul3A_2, %add3A_772 : i32
    %dma_start3A_774 = arith.constant 0 : i32
    %dma_start3A_775 = arith.constant 0 : i32
    %dma_start3A_776 = tpu.memref_slice %arg4[%dma_start3A_774, %add3A_773, %dma_start3A_775] : memref<4x2048x1024xf32, #tpu.memory_space<hbm>> -> memref<1x8x1024xf32, #tpu.memory_space<hbm>>
    %dma_start3A_777 = tpu.memref_squeeze %dma_start3A_776 : memref<1x8x1024xf32, #tpu.memory_space<hbm>> -> memref<8x1024xf32, #tpu.memory_space<hbm>>
    %dma_start3A_778 = arith.constant 0 : i32
    %dma_start3A_779 = tpu.memref_slice %arg4[%dma_start3A_774, %add3A_773, %dma_start3A_778] : memref<4x2048x1024xf32, #tpu.memory_space<hbm>> -> memref<1x8x1024xf32, #tpu.memory_space<hbm>>
    %dma_start3A_780 = tpu.memref_squeeze %dma_start3A_779 : memref<1x8x1024xf32, #tpu.memory_space<hbm>> -> memref<8x1024xf32, #tpu.memory_space<hbm>>
    tpu.enqueue_dma source(%arg13 : memref<8x1024xf32, #tpu.memory_space<vmem>>) target(%dma_start3A_780 : memref<8x1024xf32, #tpu.memory_space<hbm>>) target_semaphore(%arg40 : memref<!tpu.dma_semaphore, #tpu.memory_space<semaphore_mem>>)
    %dma_start3A_781 = arith.constant 1 : i32
    %dma_start3A_782 = arith.constant 0 : i32
    %dma_start3A_783 = tpu.memref_slice %arg4[%dma_start3A_781, %add3A_773, %dma_start3A_782] : memref<4x2048x1024xf32, #tpu.memory_space<hbm>> -> memref<1x8x1024xf32, #tpu.memory_space<hbm>>
    %dma_start3A_784 = tpu.memref_squeeze %dma_start3A_783 : memref<1x8x1024xf32, #tpu.memory_space<hbm>> -> memref<8x1024xf32, #tpu.memory_space<hbm>>
    %dma_start3A_785 = arith.constant 0 : i32
    %dma_start3A_786 = tpu.memref_slice %arg4[%dma_start3A_781, %add3A_773, %dma_start3A_785] : memref<4x2048x1024xf32, #tpu.memory_space<hbm>> -> memref<1x8x1024xf32, #tpu.memory_space<hbm>>
    %dma_start3A_787 = tpu.memref_squeeze %dma_start3A_786 : memref<1x8x1024xf32, #tpu.memory_space<hbm>> -> memref<8x1024xf32, #tpu.memory_space<hbm>>
    tpu.enqueue_dma source(%arg14 : memref<8x1024xf32, #tpu.memory_space<vmem>>) target(%dma_start3A_787 : memref<8x1024xf32, #tpu.memory_space<hbm>>) target_semaphore(%arg41 : memref<!tpu.dma_semaphore, #tpu.memory_space<semaphore_mem>>)
    %dma_start3A_788 = arith.constant 2 : i32
    %dma_start3A_789 = arith.constant 0 : i32
    %dma_start3A_790 = tpu.memref_slice %arg4[%dma_start3A_788, %add3A_773, %dma_start3A_789] : memref<4x2048x1024xf32, #tpu.memory_space<hbm>> -> memref<1x8x1024xf32, #tpu.memory_space<hbm>>
    %dma_start3A_791 = tpu.memref_squeeze %dma_start3A_790 : memref<1x8x1024xf32, #tpu.memory_space<hbm>> -> memref<8x1024xf32, #tpu.memory_space<hbm>>
    %dma_start3A_792 = arith.constant 0 : i32
    %dma_start3A_793 = tpu.memref_slice %arg4[%dma_start3A_788, %add3A_773, %dma_start3A_792] : memref<4x2048x1024xf32, #tpu.memory_space<hbm>> -> memref<1x8x1024xf32, #tpu.memory_space<hbm>>
    %dma_start3A_794 = tpu.memref_squeeze %dma_start3A_793 : memref<1x8x1024xf32, #tpu.memory_space<hbm>> -> memref<8x1024xf32, #tpu.memory_space<hbm>>
    tpu.enqueue_dma source(%arg15 : memref<8x1024xf32, #tpu.memory_space<vmem>>) target(%dma_start3A_794 : memref<8x1024xf32, #tpu.memory_space<hbm>>) target_semaphore(%arg42 : memref<!tpu.dma_semaphore, #tpu.memory_space<semaphore_mem>>)
    %dma_start3A_795 = arith.constant 3 : i32
    %dma_start3A_796 = arith.constant 0 : i32
    %dma_start3A_797 = tpu.memref_slice %arg4[%dma_start3A_795, %add3A_773, %dma_start3A_796] : memref<4x2048x1024xf32, #tpu.memory_space<hbm>> -> memref<1x8x1024xf32, #tpu.memory_space<hbm>>
    %dma_start3A_798 = tpu.memref_squeeze %dma_start3A_797 : memref<1x8x1024xf32, #tpu.memory_space<hbm>> -> memref<8x1024xf32, #tpu.memory_space<hbm>>
    %dma_start3A_799 = arith.constant 0 : i32
    %dma_start3A_800 = tpu.memref_slice %arg4[%dma_start3A_795, %add3A_773, %dma_start3A_799] : memref<4x2048x1024xf32, #tpu.memory_space<hbm>> -> memref<1x8x1024xf32, #tpu.memory_space<hbm>>
    %dma_start3A_801 = tpu.memref_squeeze %dma_start3A_800 : memref<1x8x1024xf32, #tpu.memory_space<hbm>> -> memref<8x1024xf32, #tpu.memory_space<hbm>>
    tpu.enqueue_dma source(%arg16 : memref<8x1024xf32, #tpu.memory_space<vmem>>) target(%dma_start3A_801 : memref<8x1024xf32, #tpu.memory_space<hbm>>) target_semaphore(%arg43 : memref<!tpu.dma_semaphore, #tpu.memory_space<semaphore_mem>>)
    %dma_wait3A_802 = arith.constant 0 : i32
    %dma_wait3A_803 = tpu.memref_slice %arg3[%add3A_612, %dma_wait3A_802] : memref<2048x1024xf32, #tpu.memory_space<hbm>> -> memref<8x1024xf32, #tpu.memory_space<hbm>>
    %dma_wait3A_804 = arith.constant 0 : i32
    %dma_wait3A_805 = tpu.memref_slice %arg3[%add3A_612, %dma_wait3A_804] : memref<2048x1024xf32, #tpu.memory_space<hbm>> -> memref<8x1024xf32, #tpu.memory_space<hbm>>
    tpu.wait_dma2 semaphore(%arg44 : memref<!tpu.dma_semaphore, #tpu.memory_space<semaphore_mem>>) src(%dma_wait3A_805 : memref<8x1024xf32, #tpu.memory_space<hbm>>) dst(%arg17 : memref<8x1024xf32, #tpu.memory_space<vmem>>)
    %dma_wait3A_806 = arith.constant 0 : i32
    %dma_wait3A_807 = arith.constant 0 : i32
    %dma_wait3A_808 = tpu.memref_slice %arg2[%dma_wait3A_806, %add3A_612, %dma_wait3A_807] : memref<4x2048x1024xf32, #tpu.memory_space<hbm>> -> memref<1x8x1024xf32, #tpu.memory_space<hbm>>
    %dma_wait3A_809 = tpu.memref_squeeze %dma_wait3A_808 : memref<1x8x1024xf32, #tpu.memory_space<hbm>> -> memref<8x1024xf32, #tpu.memory_space<hbm>>
    %dma_wait3A_810 = arith.constant 0 : i32
    %dma_wait3A_811 = tpu.memref_slice %arg2[%dma_wait3A_806, %add3A_612, %dma_wait3A_810] : memref<4x2048x1024xf32, #tpu.memory_space<hbm>> -> memref<1x8x1024xf32, #tpu.memory_space<hbm>>
    %dma_wait3A_812 = tpu.memref_squeeze %dma_wait3A_811 : memref<1x8x1024xf32, #tpu.memory_space<hbm>> -> memref<8x1024xf32, #tpu.memory_space<hbm>>
    tpu.wait_dma2 semaphore(%arg20 : memref<!tpu.dma_semaphore, #tpu.memory_space<semaphore_mem>>) src(%dma_wait3A_812 : memref<8x1024xf32, #tpu.memory_space<hbm>>) dst(%arg5 : memref<8x1024xf32, #tpu.memory_space<vmem>>)
    %dma_wait3A_813 = arith.constant 1 : i32
    %dma_wait3A_814 = arith.constant 0 : i32
    %dma_wait3A_815 = tpu.memref_slice %arg2[%dma_wait3A_813, %add3A_612, %dma_wait3A_814] : memref<4x2048x1024xf32, #tpu.memory_space<hbm>> -> memref<1x8x1024xf32, #tpu.memory_space<hbm>>
    %dma_wait3A_816 = tpu.memref_squeeze %dma_wait3A_815 : memref<1x8x1024xf32, #tpu.memory_space<hbm>> -> memref<8x1024xf32, #tpu.memory_space<hbm>>
    %dma_wait3A_817 = arith.constant 0 : i32
    %dma_wait3A_818 = tpu.memref_slice %arg2[%dma_wait3A_813, %add3A_612, %dma_wait3A_817] : memref<4x2048x1024xf32, #tpu.memory_space<hbm>> -> memref<1x8x1024xf32, #tpu.memory_space<hbm>>
    %dma_wait3A_819 = tpu.memref_squeeze %dma_wait3A_818 : memref<1x8x1024xf32, #tpu.memory_space<hbm>> -> memref<8x1024xf32, #tpu.memory_space<hbm>>
    tpu.wait_dma2 semaphore(%arg21 : memref<!tpu.dma_semaphore, #tpu.memory_space<semaphore_mem>>) src(%dma_wait3A_819 : memref<8x1024xf32, #tpu.memory_space<hbm>>) dst(%arg6 : memref<8x1024xf32, #tpu.memory_space<vmem>>)
    %dma_wait3A_820 = arith.constant 2 : i32
    %dma_wait3A_821 = arith.constant 0 : i32
    %dma_wait3A_822 = tpu.memref_slice %arg2[%dma_wait3A_820, %add3A_612, %dma_wait3A_821] : memref<4x2048x1024xf32, #tpu.memory_space<hbm>> -> memref<1x8x1024xf32, #tpu.memory_space<hbm>>
    %dma_wait3A_823 = tpu.memref_squeeze %dma_wait3A_822 : memref<1x8x1024xf32, #tpu.memory_space<hbm>> -> memref<8x1024xf32, #tpu.memory_space<hbm>>
    %dma_wait3A_824 = arith.constant 0 : i32
    %dma_wait3A_825 = tpu.memref_slice %arg2[%dma_wait3A_820, %add3A_612, %dma_wait3A_824] : memref<4x2048x1024xf32, #tpu.memory_space<hbm>> -> memref<1x8x1024xf32, #tpu.memory_space<hbm>>
    %dma_wait3A_826 = tpu.memref_squeeze %dma_wait3A_825 : memref<1x8x1024xf32, #tpu.memory_space<hbm>> -> memref<8x1024xf32, #tpu.memory_space<hbm>>
    tpu.wait_dma2 semaphore(%arg22 : memref<!tpu.dma_semaphore, #tpu.memory_space<semaphore_mem>>) src(%dma_wait3A_826 : memref<8x1024xf32, #tpu.memory_space<hbm>>) dst(%arg7 : memref<8x1024xf32, #tpu.memory_space<vmem>>)
    %dma_wait3A_827 = arith.constant 3 : i32
    %dma_wait3A_828 = arith.constant 0 : i32
    %dma_wait3A_829 = tpu.memref_slice %arg2[%dma_wait3A_827, %add3A_612, %dma_wait3A_828] : memref<4x2048x1024xf32, #tpu.memory_space<hbm>> -> memref<1x8x1024xf32, #tpu.memory_space<hbm>>
    %dma_wait3A_830 = tpu.memref_squeeze %dma_wait3A_829 : memref<1x8x1024xf32, #tpu.memory_space<hbm>> -> memref<8x1024xf32, #tpu.memory_space<hbm>>
    %dma_wait3A_831 = arith.constant 0 : i32
    %dma_wait3A_832 = tpu.memref_slice %arg2[%dma_wait3A_827, %add3A_612, %dma_wait3A_831] : memref<4x2048x1024xf32, #tpu.memory_space<hbm>> -> memref<1x8x1024xf32, #tpu.memory_space<hbm>>
    %dma_wait3A_833 = tpu.memref_squeeze %dma_wait3A_832 : memref<1x8x1024xf32, #tpu.memory_space<hbm>> -> memref<8x1024xf32, #tpu.memory_space<hbm>>
    tpu.wait_dma2 semaphore(%arg23 : memref<!tpu.dma_semaphore, #tpu.memory_space<semaphore_mem>>) src(%dma_wait3A_833 : memref<8x1024xf32, #tpu.memory_space<hbm>>) dst(%arg8 : memref<8x1024xf32, #tpu.memory_space<vmem>>)
    %parallel_loop3A_834 = arith.constant 0 : i32
    %parallel_loop3A_835 = arith.constant 512 : i32
    %parallel_loop3A_836 = arith.constant 1 : i32
    scf.for %parallel_loop3A_1016 = %parallel_loop3A_834 to %parallel_loop3A_835 step %parallel_loop3A_836  : i32 {
      %parallel_loop3A_1017 = arith.constant 6 : i32
      %parallel_loop3A_1018 = arith.shrsi %parallel_loop3A_1016, %parallel_loop3A_1017 : i32
      %parallel_loop3A_1019 = arith.constant 63 : i32
      %parallel_loop3A_1020 = arith.andi %parallel_loop3A_1016, %parallel_loop3A_1019 : i32
      %parallel_loop3A_1021 = arith.constant 16 : i32
      %parallel_loop3A_1022 = arith.muli %parallel_loop3A_1020, %parallel_loop3A_1021 : i32
      %parallel_loop3A_1023 = arith.index_cast %parallel_loop3A_1018 : i32 to index
      %parallel_loop3A_1024 = arith.index_cast %parallel_loop3A_1022 : i32 to index
      %parallel_loop3A_1025 = tpu.vector_load %arg17[%parallel_loop3A_1023, %parallel_loop3A_1024] {strides = array<i32>} : memref<8x1024xf32, #tpu.memory_space<vmem>>, vector<1x16xf32>,
      %parallel_loop3A_1026 = vector.shape_cast %parallel_loop3A_1025 : vector<1x16xf32> to vector<16xf32>
      %parallel_loop3A_1027 = arith.index_cast %parallel_loop3A_1018 : i32 to index
      %parallel_loop3A_1028 = arith.index_cast %parallel_loop3A_1022 : i32 to index
      %parallel_loop3A_1029 = tpu.vector_load %arg5[%parallel_loop3A_1027, %parallel_loop3A_1028] {strides = array<i32>} : memref<8x1024xf32, #tpu.memory_space<vmem>>, vector<1x16xf32>,
      %parallel_loop3A_1030 = vector.shape_cast %parallel_loop3A_1029 : vector<1x16xf32> to vector<16xf32>
      %parallel_loop3A_1031 = vector.shape_cast %parallel_loop3A_1026 : vector<16xf32> to vector<1x16xf32>
      tpu.vector_store %arg5[%parallel_loop3A_1027, %parallel_loop3A_1028], %parallel_loop3A_1031 {add = true, strides = array<i32>} : memref<8x1024xf32, #tpu.memory_space<vmem>>, vector<1x16xf32>,
      %parallel_loop3A_1032 = arith.index_cast %parallel_loop3A_1018 : i32 to index
      %parallel_loop3A_1033 = arith.index_cast %parallel_loop3A_1022 : i32 to index
      %parallel_loop3A_1034 = tpu.vector_load %arg6[%parallel_loop3A_1032, %parallel_loop3A_1033] {strides = array<i32>} : memref<8x1024xf32, #tpu.memory_space<vmem>>, vector<1x16xf32>,
      %parallel_loop3A_1035 = vector.shape_cast %parallel_loop3A_1034 : vector<1x16xf32> to vector<16xf32>
      %parallel_loop3A_1036 = vector.shape_cast %parallel_loop3A_1026 : vector<16xf32> to vector<1x16xf32>
      tpu.vector_store %arg6[%parallel_loop3A_1032, %parallel_loop3A_1033], %parallel_loop3A_1036 {add = true, strides = array<i32>} : memref<8x1024xf32, #tpu.memory_space<vmem>>, vector<1x16xf32>,
      %parallel_loop3A_1037 = arith.index_cast %parallel_loop3A_1018 : i32 to index
      %parallel_loop3A_1038 = arith.index_cast %parallel_loop3A_1022 : i32 to index
      %parallel_loop3A_1039 = tpu.vector_load %arg7[%parallel_loop3A_1037, %parallel_loop3A_1038] {strides = array<i32>} : memref<8x1024xf32, #tpu.memory_space<vmem>>, vector<1x16xf32>,
      %parallel_loop3A_1040 = vector.shape_cast %parallel_loop3A_1039 : vector<1x16xf32> to vector<16xf32>
      %parallel_loop3A_1041 = vector.shape_cast %parallel_loop3A_1026 : vector<16xf32> to vector<1x16xf32>
      tpu.vector_store %arg7[%parallel_loop3A_1037, %parallel_loop3A_1038], %parallel_loop3A_1041 {add = true, strides = array<i32>} : memref<8x1024xf32, #tpu.memory_space<vmem>>, vector<1x16xf32>,
      %parallel_loop3A_1042 = arith.index_cast %parallel_loop3A_1018 : i32 to index
      %parallel_loop3A_1043 = arith.index_cast %parallel_loop3A_1022 : i32 to index
      %parallel_loop3A_1044 = tpu.vector_load %arg8[%parallel_loop3A_1042, %parallel_loop3A_1043] {strides = array<i32>} : memref<8x1024xf32, #tpu.memory_space<vmem>>, vector<1x16xf32>,
      %parallel_loop3A_1045 = vector.shape_cast %parallel_loop3A_1044 : vector<1x16xf32> to vector<16xf32>
      %parallel_loop3A_1046 = vector.shape_cast %parallel_loop3A_1026 : vector<16xf32> to vector<1x16xf32>
      tpu.vector_store %arg8[%parallel_loop3A_1042, %parallel_loop3A_1043], %parallel_loop3A_1046 {add = true, strides = array<i32>} : memref<8x1024xf32, #tpu.memory_space<vmem>>, vector<1x16xf32>,
    } {sc.loop_unroll_factor = 4 : i64, sc.parallel_access}
    %add3A_837 = arith.constant 48 : i32
    %add3A_838 = arith.addi %mul3A_2, %add3A_837 : i32
    %dma_start3A_839 = arith.constant 0 : i32
    %dma_start3A_840 = arith.constant 0 : i32
    %dma_start3A_841 = tpu.memref_slice %arg4[%dma_start3A_839, %add3A_838, %dma_start3A_840] : memref<4x2048x1024xf32, #tpu.memory_space<hbm>> -> memref<1x8x1024xf32, #tpu.memory_space<hbm>>
    %dma_start3A_842 = tpu.memref_squeeze %dma_start3A_841 : memref<1x8x1024xf32, #tpu.memory_space<hbm>> -> memref<8x1024xf32, #tpu.memory_space<hbm>>
    %dma_start3A_843 = arith.constant 0 : i32
    %dma_start3A_844 = tpu.memref_slice %arg4[%dma_start3A_839, %add3A_838, %dma_start3A_843] : memref<4x2048x1024xf32, #tpu.memory_space<hbm>> -> memref<1x8x1024xf32, #tpu.memory_space<hbm>>
    %dma_start3A_845 = tpu.memref_squeeze %dma_start3A_844 : memref<1x8x1024xf32, #tpu.memory_space<hbm>> -> memref<8x1024xf32, #tpu.memory_space<hbm>>
    tpu.enqueue_dma source(%arg5 : memref<8x1024xf32, #tpu.memory_space<vmem>>) target(%dma_start3A_845 : memref<8x1024xf32, #tpu.memory_space<hbm>>) target_semaphore(%arg32 : memref<!tpu.dma_semaphore, #tpu.memory_space<semaphore_mem>>)
    %dma_start3A_846 = arith.constant 1 : i32
    %dma_start3A_847 = arith.constant 0 : i32
    %dma_start3A_848 = tpu.memref_slice %arg4[%dma_start3A_846, %add3A_838, %dma_start3A_847] : memref<4x2048x1024xf32, #tpu.memory_space<hbm>> -> memref<1x8x1024xf32, #tpu.memory_space<hbm>>
    %dma_start3A_849 = tpu.memref_squeeze %dma_start3A_848 : memref<1x8x1024xf32, #tpu.memory_space<hbm>> -> memref<8x1024xf32, #tpu.memory_space<hbm>>
    %dma_start3A_850 = arith.constant 0 : i32
    %dma_start3A_851 = tpu.memref_slice %arg4[%dma_start3A_846, %add3A_838, %dma_start3A_850] : memref<4x2048x1024xf32, #tpu.memory_space<hbm>> -> memref<1x8x1024xf32, #tpu.memory_space<hbm>>
    %dma_start3A_852 = tpu.memref_squeeze %dma_start3A_851 : memref<1x8x1024xf32, #tpu.memory_space<hbm>> -> memref<8x1024xf32, #tpu.memory_space<hbm>>
    tpu.enqueue_dma source(%arg6 : memref<8x1024xf32, #tpu.memory_space<vmem>>) target(%dma_start3A_852 : memref<8x1024xf32, #tpu.memory_space<hbm>>) target_semaphore(%arg33 : memref<!tpu.dma_semaphore, #tpu.memory_space<semaphore_mem>>)
    %dma_start3A_853 = arith.constant 2 : i32
    %dma_start3A_854 = arith.constant 0 : i32
    %dma_start3A_855 = tpu.memref_slice %arg4[%dma_start3A_853, %add3A_838, %dma_start3A_854] : memref<4x2048x1024xf32, #tpu.memory_space<hbm>> -> memref<1x8x1024xf32, #tpu.memory_space<hbm>>
    %dma_start3A_856 = tpu.memref_squeeze %dma_start3A_855 : memref<1x8x1024xf32, #tpu.memory_space<hbm>> -> memref<8x1024xf32, #tpu.memory_space<hbm>>
    %dma_start3A_857 = arith.constant 0 : i32
    %dma_start3A_858 = tpu.memref_slice %arg4[%dma_start3A_853, %add3A_838, %dma_start3A_857] : memref<4x2048x1024xf32, #tpu.memory_space<hbm>> -> memref<1x8x1024xf32, #tpu.memory_space<hbm>>
    %dma_start3A_859 = tpu.memref_squeeze %dma_start3A_858 : memref<1x8x1024xf32, #tpu.memory_space<hbm>> -> memref<8x1024xf32, #tpu.memory_space<hbm>>
    tpu.enqueue_dma source(%arg7 : memref<8x1024xf32, #tpu.memory_space<vmem>>) target(%dma_start3A_859 : memref<8x1024xf32, #tpu.memory_space<hbm>>) target_semaphore(%arg34 : memref<!tpu.dma_semaphore, #tpu.memory_space<semaphore_mem>>)
    %dma_start3A_860 = arith.constant 3 : i32
    %dma_start3A_861 = arith.constant 0 : i32
    %dma_start3A_862 = tpu.memref_slice %arg4[%dma_start3A_860, %add3A_838, %dma_start3A_861] : memref<4x2048x1024xf32, #tpu.memory_space<hbm>> -> memref<1x8x1024xf32, #tpu.memory_space<hbm>>
    %dma_start3A_863 = tpu.memref_squeeze %dma_start3A_862 : memref<1x8x1024xf32, #tpu.memory_space<hbm>> -> memref<8x1024xf32, #tpu.memory_space<hbm>>
    %dma_start3A_864 = arith.constant 0 : i32
    %dma_start3A_865 = tpu.memref_slice %arg4[%dma_start3A_860, %add3A_838, %dma_start3A_864] : memref<4x2048x1024xf32, #tpu.memory_space<hbm>> -> memref<1x8x1024xf32, #tpu.memory_space<hbm>>
    %dma_start3A_866 = tpu.memref_squeeze %dma_start3A_865 : memref<1x8x1024xf32, #tpu.memory_space<hbm>> -> memref<8x1024xf32, #tpu.memory_space<hbm>>
    tpu.enqueue_dma source(%arg8 : memref<8x1024xf32, #tpu.memory_space<vmem>>) target(%dma_start3A_866 : memref<8x1024xf32, #tpu.memory_space<hbm>>) target_semaphore(%arg35 : memref<!tpu.dma_semaphore, #tpu.memory_space<semaphore_mem>>)
    %dma_wait3A_867 = arith.constant 0 : i32
    %dma_wait3A_868 = tpu.memref_slice %arg3[%add3A_739, %dma_wait3A_867] : memref<2048x1024xf32, #tpu.memory_space<hbm>> -> memref<8x1024xf32, #tpu.memory_space<hbm>>
    %dma_wait3A_869 = arith.constant 0 : i32
    %dma_wait3A_870 = tpu.memref_slice %arg3[%add3A_739, %dma_wait3A_869] : memref<2048x1024xf32, #tpu.memory_space<hbm>> -> memref<8x1024xf32, #tpu.memory_space<hbm>>
    tpu.wait_dma2 semaphore(%arg45 : memref<!tpu.dma_semaphore, #tpu.memory_space<semaphore_mem>>) src(%dma_wait3A_870 : memref<8x1024xf32, #tpu.memory_space<hbm>>) dst(%arg18 : memref<8x1024xf32, #tpu.memory_space<vmem>>)
    %dma_wait3A_871 = arith.constant 0 : i32
    %dma_wait3A_872 = arith.constant 0 : i32
    %dma_wait3A_873 = tpu.memref_slice %arg2[%dma_wait3A_871, %add3A_739, %dma_wait3A_872] : memref<4x2048x1024xf32, #tpu.memory_space<hbm>> -> memref<1x8x1024xf32, #tpu.memory_space<hbm>>
    %dma_wait3A_874 = tpu.memref_squeeze %dma_wait3A_873 : memref<1x8x1024xf32, #tpu.memory_space<hbm>> -> memref<8x1024xf32, #tpu.memory_space<hbm>>
    %dma_wait3A_875 = arith.constant 0 : i32
    %dma_wait3A_876 = tpu.memref_slice %arg2[%dma_wait3A_871, %add3A_739, %dma_wait3A_875] : memref<4x2048x1024xf32, #tpu.memory_space<hbm>> -> memref<1x8x1024xf32, #tpu.memory_space<hbm>>
    %dma_wait3A_877 = tpu.memref_squeeze %dma_wait3A_876 : memref<1x8x1024xf32, #tpu.memory_space<hbm>> -> memref<8x1024xf32, #tpu.memory_space<hbm>>
    tpu.wait_dma2 semaphore(%arg24 : memref<!tpu.dma_semaphore, #tpu.memory_space<semaphore_mem>>) src(%dma_wait3A_877 : memref<8x1024xf32, #tpu.memory_space<hbm>>) dst(%arg9 : memref<8x1024xf32, #tpu.memory_space<vmem>>)
    %dma_wait3A_878 = arith.constant 1 : i32
    %dma_wait3A_879 = arith.constant 0 : i32
    %dma_wait3A_880 = tpu.memref_slice %arg2[%dma_wait3A_878, %add3A_739, %dma_wait3A_879] : memref<4x2048x1024xf32, #tpu.memory_space<hbm>> -> memref<1x8x1024xf32, #tpu.memory_space<hbm>>
    %dma_wait3A_881 = tpu.memref_squeeze %dma_wait3A_880 : memref<1x8x1024xf32, #tpu.memory_space<hbm>> -> memref<8x1024xf32, #tpu.memory_space<hbm>>
    %dma_wait3A_882 = arith.constant 0 : i32
    %dma_wait3A_883 = tpu.memref_slice %arg2[%dma_wait3A_878, %add3A_739, %dma_wait3A_882] : memref<4x2048x1024xf32, #tpu.memory_space<hbm>> -> memref<1x8x1024xf32, #tpu.memory_space<hbm>>
    %dma_wait3A_884 = tpu.memref_squeeze %dma_wait3A_883 : memref<1x8x1024xf32, #tpu.memory_space<hbm>> -> memref<8x1024xf32, #tpu.memory_space<hbm>>
    tpu.wait_dma2 semaphore(%arg25 : memref<!tpu.dma_semaphore, #tpu.memory_space<semaphore_mem>>) src(%dma_wait3A_884 : memref<8x1024xf32, #tpu.memory_space<hbm>>) dst(%arg10 : memref<8x1024xf32, #tpu.memory_space<vmem>>)
    %dma_wait3A_885 = arith.constant 2 : i32
    %dma_wait3A_886 = arith.constant 0 : i32
    %dma_wait3A_887 = tpu.memref_slice %arg2[%dma_wait3A_885, %add3A_739, %dma_wait3A_886] : memref<4x2048x1024xf32, #tpu.memory_space<hbm>> -> memref<1x8x1024xf32, #tpu.memory_space<hbm>>
    %dma_wait3A_888 = tpu.memref_squeeze %dma_wait3A_887 : memref<1x8x1024xf32, #tpu.memory_space<hbm>> -> memref<8x1024xf32, #tpu.memory_space<hbm>>
    %dma_wait3A_889 = arith.constant 0 : i32
    %dma_wait3A_890 = tpu.memref_slice %arg2[%dma_wait3A_885, %add3A_739, %dma_wait3A_889] : memref<4x2048x1024xf32, #tpu.memory_space<hbm>> -> memref<1x8x1024xf32, #tpu.memory_space<hbm>>
    %dma_wait3A_891 = tpu.memref_squeeze %dma_wait3A_890 : memref<1x8x1024xf32, #tpu.memory_space<hbm>> -> memref<8x1024xf32, #tpu.memory_space<hbm>>
    tpu.wait_dma2 semaphore(%arg26 : memref<!tpu.dma_semaphore, #tpu.memory_space<semaphore_mem>>) src(%dma_wait3A_891 : memref<8x1024xf32, #tpu.memory_space<hbm>>) dst(%arg11 : memref<8x1024xf32, #tpu.memory_space<vmem>>)
    %dma_wait3A_892 = arith.constant 3 : i32
    %dma_wait3A_893 = arith.constant 0 : i32
    %dma_wait3A_894 = tpu.memref_slice %arg2[%dma_wait3A_892, %add3A_739, %dma_wait3A_893] : memref<4x2048x1024xf32, #tpu.memory_space<hbm>> -> memref<1x8x1024xf32, #tpu.memory_space<hbm>>
    %dma_wait3A_895 = tpu.memref_squeeze %dma_wait3A_894 : memref<1x8x1024xf32, #tpu.memory_space<hbm>> -> memref<8x1024xf32, #tpu.memory_space<hbm>>
    %dma_wait3A_896 = arith.constant 0 : i32
    %dma_wait3A_897 = tpu.memref_slice %arg2[%dma_wait3A_892, %add3A_739, %dma_wait3A_896] : memref<4x2048x1024xf32, #tpu.memory_space<hbm>> -> memref<1x8x1024xf32, #tpu.memory_space<hbm>>
    %dma_wait3A_898 = tpu.memref_squeeze %dma_wait3A_897 : memref<1x8x1024xf32, #tpu.memory_space<hbm>> -> memref<8x1024xf32, #tpu.memory_space<hbm>>
    tpu.wait_dma2 semaphore(%arg27 : memref<!tpu.dma_semaphore, #tpu.memory_space<semaphore_mem>>) src(%dma_wait3A_898 : memref<8x1024xf32, #tpu.memory_space<hbm>>) dst(%arg12 : memref<8x1024xf32, #tpu.memory_space<vmem>>)
    %parallel_loop3A_899 = arith.constant 0 : i32
    %parallel_loop3A_900 = arith.constant 512 : i32
    %parallel_loop3A_901 = arith.constant 1 : i32
    scf.for %parallel_loop3A_1016 = %parallel_loop3A_899 to %parallel_loop3A_900 step %parallel_loop3A_901  : i32 {
      %parallel_loop3A_1017 = arith.constant 6 : i32
      %parallel_loop3A_1018 = arith.shrsi %parallel_loop3A_1016, %parallel_loop3A_1017 : i32
      %parallel_loop3A_1019 = arith.constant 63 : i32
      %parallel_loop3A_1020 = arith.andi %parallel_loop3A_1016, %parallel_loop3A_1019 : i32
      %parallel_loop3A_1021 = arith.constant 16 : i32
      %parallel_loop3A_1022 = arith.muli %parallel_loop3A_1020, %parallel_loop3A_1021 : i32
      %parallel_loop3A_1023 = arith.index_cast %parallel_loop3A_1018 : i32 to index
      %parallel_loop3A_1024 = arith.index_cast %parallel_loop3A_1022 : i32 to index
      %parallel_loop3A_1025 = tpu.vector_load %arg18[%parallel_loop3A_1023, %parallel_loop3A_1024] {strides = array<i32>} : memref<8x1024xf32, #tpu.memory_space<vmem>>, vector<1x16xf32>,
      %parallel_loop3A_1026 = vector.shape_cast %parallel_loop3A_1025 : vector<1x16xf32> to vector<16xf32>
      %parallel_loop3A_1027 = arith.index_cast %parallel_loop3A_1018 : i32 to index
      %parallel_loop3A_1028 = arith.index_cast %parallel_loop3A_1022 : i32 to index
      %parallel_loop3A_1029 = tpu.vector_load %arg9[%parallel_loop3A_1027, %parallel_loop3A_1028] {strides = array<i32>} : memref<8x1024xf32, #tpu.memory_space<vmem>>, vector<1x16xf32>,
      %parallel_loop3A_1030 = vector.shape_cast %parallel_loop3A_1029 : vector<1x16xf32> to vector<16xf32>
      %parallel_loop3A_1031 = vector.shape_cast %parallel_loop3A_1026 : vector<16xf32> to vector<1x16xf32>
      tpu.vector_store %arg9[%parallel_loop3A_1027, %parallel_loop3A_1028], %parallel_loop3A_1031 {add = true, strides = array<i32>} : memref<8x1024xf32, #tpu.memory_space<vmem>>, vector<1x16xf32>,
      %parallel_loop3A_1032 = arith.index_cast %parallel_loop3A_1018 : i32 to index
      %parallel_loop3A_1033 = arith.index_cast %parallel_loop3A_1022 : i32 to index
      %parallel_loop3A_1034 = tpu.vector_load %arg10[%parallel_loop3A_1032, %parallel_loop3A_1033] {strides = array<i32>} : memref<8x1024xf32, #tpu.memory_space<vmem>>, vector<1x16xf32>,
      %parallel_loop3A_1035 = vector.shape_cast %parallel_loop3A_1034 : vector<1x16xf32> to vector<16xf32>
      %parallel_loop3A_1036 = vector.shape_cast %parallel_loop3A_1026 : vector<16xf32> to vector<1x16xf32>
      tpu.vector_store %arg10[%parallel_loop3A_1032, %parallel_loop3A_1033], %parallel_loop3A_1036 {add = true, strides = array<i32>} : memref<8x1024xf32, #tpu.memory_space<vmem>>, vector<1x16xf32>,
      %parallel_loop3A_1037 = arith.index_cast %parallel_loop3A_1018 : i32 to index
      %parallel_loop3A_1038 = arith.index_cast %parallel_loop3A_1022 : i32 to index
      %parallel_loop3A_1039 = tpu.vector_load %arg11[%parallel_loop3A_1037, %parallel_loop3A_1038] {strides = array<i32>} : memref<8x1024xf32, #tpu.memory_space<vmem>>, vector<1x16xf32>,
      %parallel_loop3A_1040 = vector.shape_cast %parallel_loop3A_1039 : vector<1x16xf32> to vector<16xf32>
      %parallel_loop3A_1041 = vector.shape_cast %parallel_loop3A_1026 : vector<16xf32> to vector<1x16xf32>
      tpu.vector_store %arg11[%parallel_loop3A_1037, %parallel_loop3A_1038], %parallel_loop3A_1041 {add = true, strides = array<i32>} : memref<8x1024xf32, #tpu.memory_space<vmem>>, vector<1x16xf32>,
      %parallel_loop3A_1042 = arith.index_cast %parallel_loop3A_1018 : i32 to index
      %parallel_loop3A_1043 = arith.index_cast %parallel_loop3A_1022 : i32 to index
      %parallel_loop3A_1044 = tpu.vector_load %arg12[%parallel_loop3A_1042, %parallel_loop3A_1043] {strides = array<i32>} : memref<8x1024xf32, #tpu.memory_space<vmem>>, vector<1x16xf32>,
      %parallel_loop3A_1045 = vector.shape_cast %parallel_loop3A_1044 : vector<1x16xf32> to vector<16xf32>
      %parallel_loop3A_1046 = vector.shape_cast %parallel_loop3A_1026 : vector<16xf32> to vector<1x16xf32>
      tpu.vector_store %arg12[%parallel_loop3A_1042, %parallel_loop3A_1043], %parallel_loop3A_1046 {add = true, strides = array<i32>} : memref<8x1024xf32, #tpu.memory_space<vmem>>, vector<1x16xf32>,
    } {sc.loop_unroll_factor = 4 : i64, sc.parallel_access}
    %add3A_902 = arith.constant 56 : i32
    %add3A_903 = arith.addi %mul3A_2, %add3A_902 : i32
    %dma_start3A_904 = arith.constant 0 : i32
    %dma_start3A_905 = arith.constant 0 : i32
    %dma_start3A_906 = tpu.memref_slice %arg4[%dma_start3A_904, %add3A_903, %dma_start3A_905] : memref<4x2048x1024xf32, #tpu.memory_space<hbm>> -> memref<1x8x1024xf32, #tpu.memory_space<hbm>>
    %dma_start3A_907 = tpu.memref_squeeze %dma_start3A_906 : memref<1x8x1024xf32, #tpu.memory_space<hbm>> -> memref<8x1024xf32, #tpu.memory_space<hbm>>
    %dma_start3A_908 = arith.constant 0 : i32
    %dma_start3A_909 = tpu.memref_slice %arg4[%dma_start3A_904, %add3A_903, %dma_start3A_908] : memref<4x2048x1024xf32, #tpu.memory_space<hbm>> -> memref<1x8x1024xf32, #tpu.memory_space<hbm>>
    %dma_start3A_910 = tpu.memref_squeeze %dma_start3A_909 : memref<1x8x1024xf32, #tpu.memory_space<hbm>> -> memref<8x1024xf32, #tpu.memory_space<hbm>>
    tpu.enqueue_dma source(%arg9 : memref<8x1024xf32, #tpu.memory_space<vmem>>) target(%dma_start3A_910 : memref<8x1024xf32, #tpu.memory_space<hbm>>) target_semaphore(%arg36 : memref<!tpu.dma_semaphore, #tpu.memory_space<semaphore_mem>>)
    %dma_start3A_911 = arith.constant 1 : i32
    %dma_start3A_912 = arith.constant 0 : i32
    %dma_start3A_913 = tpu.memref_slice %arg4[%dma_start3A_911, %add3A_903, %dma_start3A_912] : memref<4x2048x1024xf32, #tpu.memory_space<hbm>> -> memref<1x8x1024xf32, #tpu.memory_space<hbm>>
    %dma_start3A_914 = tpu.memref_squeeze %dma_start3A_913 : memref<1x8x1024xf32, #tpu.memory_space<hbm>> -> memref<8x1024xf32, #tpu.memory_space<hbm>>
    %dma_start3A_915 = arith.constant 0 : i32
    %dma_start3A_916 = tpu.memref_slice %arg4[%dma_start3A_911, %add3A_903, %dma_start3A_915] : memref<4x2048x1024xf32, #tpu.memory_space<hbm>> -> memref<1x8x1024xf32, #tpu.memory_space<hbm>>
    %dma_start3A_917 = tpu.memref_squeeze %dma_start3A_916 : memref<1x8x1024xf32, #tpu.memory_space<hbm>> -> memref<8x1024xf32, #tpu.memory_space<hbm>>
    tpu.enqueue_dma source(%arg10 : memref<8x1024xf32, #tpu.memory_space<vmem>>) target(%dma_start3A_917 : memref<8x1024xf32, #tpu.memory_space<hbm>>) target_semaphore(%arg37 : memref<!tpu.dma_semaphore, #tpu.memory_space<semaphore_mem>>)
    %dma_start3A_918 = arith.constant 2 : i32
    %dma_start3A_919 = arith.constant 0 : i32
    %dma_start3A_920 = tpu.memref_slice %arg4[%dma_start3A_918, %add3A_903, %dma_start3A_919] : memref<4x2048x1024xf32, #tpu.memory_space<hbm>> -> memref<1x8x1024xf32, #tpu.memory_space<hbm>>
    %dma_start3A_921 = tpu.memref_squeeze %dma_start3A_920 : memref<1x8x1024xf32, #tpu.memory_space<hbm>> -> memref<8x1024xf32, #tpu.memory_space<hbm>>
    %dma_start3A_922 = arith.constant 0 : i32
    %dma_start3A_923 = tpu.memref_slice %arg4[%dma_start3A_918, %add3A_903, %dma_start3A_922] : memref<4x2048x1024xf32, #tpu.memory_space<hbm>> -> memref<1x8x1024xf32, #tpu.memory_space<hbm>>
    %dma_start3A_924 = tpu.memref_squeeze %dma_start3A_923 : memref<1x8x1024xf32, #tpu.memory_space<hbm>> -> memref<8x1024xf32, #tpu.memory_space<hbm>>
    tpu.enqueue_dma source(%arg11 : memref<8x1024xf32, #tpu.memory_space<vmem>>) target(%dma_start3A_924 : memref<8x1024xf32, #tpu.memory_space<hbm>>) target_semaphore(%arg38 : memref<!tpu.dma_semaphore, #tpu.memory_space<semaphore_mem>>)
    %dma_start3A_925 = arith.constant 3 : i32
    %dma_start3A_926 = arith.constant 0 : i32
    %dma_start3A_927 = tpu.memref_slice %arg4[%dma_start3A_925, %add3A_903, %dma_start3A_926] : memref<4x2048x1024xf32, #tpu.memory_space<hbm>> -> memref<1x8x1024xf32, #tpu.memory_space<hbm>>
    %dma_start3A_928 = tpu.memref_squeeze %dma_start3A_927 : memref<1x8x1024xf32, #tpu.memory_space<hbm>> -> memref<8x1024xf32, #tpu.memory_space<hbm>>
    %dma_start3A_929 = arith.constant 0 : i32
    %dma_start3A_930 = tpu.memref_slice %arg4[%dma_start3A_925, %add3A_903, %dma_start3A_929] : memref<4x2048x1024xf32, #tpu.memory_space<hbm>> -> memref<1x8x1024xf32, #tpu.memory_space<hbm>>
    %dma_start3A_931 = tpu.memref_squeeze %dma_start3A_930 : memref<1x8x1024xf32, #tpu.memory_space<hbm>> -> memref<8x1024xf32, #tpu.memory_space<hbm>>
    tpu.enqueue_dma source(%arg12 : memref<8x1024xf32, #tpu.memory_space<vmem>>) target(%dma_start3A_931 : memref<8x1024xf32, #tpu.memory_space<hbm>>) target_semaphore(%arg39 : memref<!tpu.dma_semaphore, #tpu.memory_space<semaphore_mem>>)
    %dma_wait3A_932 = arith.constant 0 : i32
    %dma_wait3A_933 = arith.constant 0 : i32
    %dma_wait3A_934 = tpu.memref_slice %arg4[%dma_wait3A_932, %add3A_773, %dma_wait3A_933] : memref<4x2048x1024xf32, #tpu.memory_space<hbm>> -> memref<1x8x1024xf32, #tpu.memory_space<hbm>>
    %dma_wait3A_935 = tpu.memref_squeeze %dma_wait3A_934 : memref<1x8x1024xf32, #tpu.memory_space<hbm>> -> memref<8x1024xf32, #tpu.memory_space<hbm>>
    %dma_wait3A_936 = arith.constant 0 : i32
    %dma_wait3A_937 = tpu.memref_slice %arg4[%dma_wait3A_932, %add3A_773, %dma_wait3A_936] : memref<4x2048x1024xf32, #tpu.memory_space<hbm>> -> memref<1x8x1024xf32, #tpu.memory_space<hbm>>
    %dma_wait3A_938 = tpu.memref_squeeze %dma_wait3A_937 : memref<1x8x1024xf32, #tpu.memory_space<hbm>> -> memref<8x1024xf32, #tpu.memory_space<hbm>>
    tpu.wait_dma2 semaphore(%arg40 : memref<!tpu.dma_semaphore, #tpu.memory_space<semaphore_mem>>) src(%arg13 : memref<8x1024xf32, #tpu.memory_space<vmem>>) dst(%dma_wait3A_938 : memref<8x1024xf32, #tpu.memory_space<hbm>>)
    %dma_wait3A_939 = arith.constant 1 : i32
    %dma_wait3A_940 = arith.constant 0 : i32
    %dma_wait3A_941 = tpu.memref_slice %arg4[%dma_wait3A_939, %add3A_773, %dma_wait3A_940] : memref<4x2048x1024xf32, #tpu.memory_space<hbm>> -> memref<1x8x1024xf32, #tpu.memory_space<hbm>>
    %dma_wait3A_942 = tpu.memref_squeeze %dma_wait3A_941 : memref<1x8x1024xf32, #tpu.memory_space<hbm>> -> memref<8x1024xf32, #tpu.memory_space<hbm>>
    %dma_wait3A_943 = arith.constant 0 : i32
    %dma_wait3A_944 = tpu.memref_slice %arg4[%dma_wait3A_939, %add3A_773, %dma_wait3A_943] : memref<4x2048x1024xf32, #tpu.memory_space<hbm>> -> memref<1x8x1024xf32, #tpu.memory_space<hbm>>
    %dma_wait3A_945 = tpu.memref_squeeze %dma_wait3A_944 : memref<1x8x1024xf32, #tpu.memory_space<hbm>> -> memref<8x1024xf32, #tpu.memory_space<hbm>>
    tpu.wait_dma2 semaphore(%arg41 : memref<!tpu.dma_semaphore, #tpu.memory_space<semaphore_mem>>) src(%arg14 : memref<8x1024xf32, #tpu.memory_space<vmem>>) dst(%dma_wait3A_945 : memref<8x1024xf32, #tpu.memory_space<hbm>>)
    %dma_wait3A_946 = arith.constant 2 : i32
    %dma_wait3A_947 = arith.constant 0 : i32
    %dma_wait3A_948 = tpu.memref_slice %arg4[%dma_wait3A_946, %add3A_773, %dma_wait3A_947] : memref<4x2048x1024xf32, #tpu.memory_space<hbm>> -> memref<1x8x1024xf32, #tpu.memory_space<hbm>>
    %dma_wait3A_949 = tpu.memref_squeeze %dma_wait3A_948 : memref<1x8x1024xf32, #tpu.memory_space<hbm>> -> memref<8x1024xf32, #tpu.memory_space<hbm>>
    %dma_wait3A_950 = arith.constant 0 : i32
    %dma_wait3A_951 = tpu.memref_slice %arg4[%dma_wait3A_946, %add3A_773, %dma_wait3A_950] : memref<4x2048x1024xf32, #tpu.memory_space<hbm>> -> memref<1x8x1024xf32, #tpu.memory_space<hbm>>
    %dma_wait3A_952 = tpu.memref_squeeze %dma_wait3A_951 : memref<1x8x1024xf32, #tpu.memory_space<hbm>> -> memref<8x1024xf32, #tpu.memory_space<hbm>>
    tpu.wait_dma2 semaphore(%arg42 : memref<!tpu.dma_semaphore, #tpu.memory_space<semaphore_mem>>) src(%arg15 : memref<8x1024xf32, #tpu.memory_space<vmem>>) dst(%dma_wait3A_952 : memref<8x1024xf32, #tpu.memory_space<hbm>>)
    %dma_wait3A_953 = arith.constant 3 : i32
    %dma_wait3A_954 = arith.constant 0 : i32
    %dma_wait3A_955 = tpu.memref_slice %arg4[%dma_wait3A_953, %add3A_773, %dma_wait3A_954] : memref<4x2048x1024xf32, #tpu.memory_space<hbm>> -> memref<1x8x1024xf32, #tpu.memory_space<hbm>>
    %dma_wait3A_956 = tpu.memref_squeeze %dma_wait3A_955 : memref<1x8x1024xf32, #tpu.memory_space<hbm>> -> memref<8x1024xf32, #tpu.memory_space<hbm>>
    %dma_wait3A_957 = arith.constant 0 : i32
    %dma_wait3A_958 = tpu.memref_slice %arg4[%dma_wait3A_953, %add3A_773, %dma_wait3A_957] : memref<4x2048x1024xf32, #tpu.memory_space<hbm>> -> memref<1x8x1024xf32, #tpu.memory_space<hbm>>
    %dma_wait3A_959 = tpu.memref_squeeze %dma_wait3A_958 : memref<1x8x1024xf32, #tpu.memory_space<hbm>> -> memref<8x1024xf32, #tpu.memory_space<hbm>>
    tpu.wait_dma2 semaphore(%arg43 : memref<!tpu.dma_semaphore, #tpu.memory_space<semaphore_mem>>) src(%arg16 : memref<8x1024xf32, #tpu.memory_space<vmem>>) dst(%dma_wait3A_959 : memref<8x1024xf32, #tpu.memory_space<hbm>>)
    %dma_wait3A_960 = arith.constant 0 : i32
    %dma_wait3A_961 = arith.constant 0 : i32
    %dma_wait3A_962 = tpu.memref_slice %arg4[%dma_wait3A_960, %add3A_838, %dma_wait3A_961] : memref<4x2048x1024xf32, #tpu.memory_space<hbm>> -> memref<1x8x1024xf32, #tpu.memory_space<hbm>>
    %dma_wait3A_963 = tpu.memref_squeeze %dma_wait3A_962 : memref<1x8x1024xf32, #tpu.memory_space<hbm>> -> memref<8x1024xf32, #tpu.memory_space<hbm>>
    %dma_wait3A_964 = arith.constant 0 : i32
    %dma_wait3A_965 = tpu.memref_slice %arg4[%dma_wait3A_960, %add3A_838, %dma_wait3A_964] : memref<4x2048x1024xf32, #tpu.memory_space<hbm>> -> memref<1x8x1024xf32, #tpu.memory_space<hbm>>
    %dma_wait3A_966 = tpu.memref_squeeze %dma_wait3A_965 : memref<1x8x1024xf32, #tpu.memory_space<hbm>> -> memref<8x1024xf32, #tpu.memory_space<hbm>>
    tpu.wait_dma2 semaphore(%arg32 : memref<!tpu.dma_semaphore, #tpu.memory_space<semaphore_mem>>) src(%arg5 : memref<8x1024xf32, #tpu.memory_space<vmem>>) dst(%dma_wait3A_966 : memref<8x1024xf32, #tpu.memory_space<hbm>>)
    %dma_wait3A_967 = arith.constant 1 : i32
    %dma_wait3A_968 = arith.constant 0 : i32
    %dma_wait3A_969 = tpu.memref_slice %arg4[%dma_wait3A_967, %add3A_838, %dma_wait3A_968] : memref<4x2048x1024xf32, #tpu.memory_space<hbm>> -> memref<1x8x1024xf32, #tpu.memory_space<hbm>>
    %dma_wait3A_970 = tpu.memref_squeeze %dma_wait3A_969 : memref<1x8x1024xf32, #tpu.memory_space<hbm>> -> memref<8x1024xf32, #tpu.memory_space<hbm>>
    %dma_wait3A_971 = arith.constant 0 : i32
    %dma_wait3A_972 = tpu.memref_slice %arg4[%dma_wait3A_967, %add3A_838, %dma_wait3A_971] : memref<4x2048x1024xf32, #tpu.memory_space<hbm>> -> memref<1x8x1024xf32, #tpu.memory_space<hbm>>
    %dma_wait3A_973 = tpu.memref_squeeze %dma_wait3A_972 : memref<1x8x1024xf32, #tpu.memory_space<hbm>> -> memref<8x1024xf32, #tpu.memory_space<hbm>>
    tpu.wait_dma2 semaphore(%arg33 : memref<!tpu.dma_semaphore, #tpu.memory_space<semaphore_mem>>) src(%arg6 : memref<8x1024xf32, #tpu.memory_space<vmem>>) dst(%dma_wait3A_973 : memref<8x1024xf32, #tpu.memory_space<hbm>>)
    %dma_wait3A_974 = arith.constant 2 : i32
    %dma_wait3A_975 = arith.constant 0 : i32
    %dma_wait3A_976 = tpu.memref_slice %arg4[%dma_wait3A_974, %add3A_838, %dma_wait3A_975] : memref<4x2048x1024xf32, #tpu.memory_space<hbm>> -> memref<1x8x1024xf32, #tpu.memory_space<hbm>>
    %dma_wait3A_977 = tpu.memref_squeeze %dma_wait3A_976 : memref<1x8x1024xf32, #tpu.memory_space<hbm>> -> memref<8x1024xf32, #tpu.memory_space<hbm>>
    %dma_wait3A_978 = arith.constant 0 : i32
    %dma_wait3A_979 = tpu.memref_slice %arg4[%dma_wait3A_974, %add3A_838, %dma_wait3A_978] : memref<4x2048x1024xf32, #tpu.memory_space<hbm>> -> memref<1x8x1024xf32, #tpu.memory_space<hbm>>
    %dma_wait3A_980 = tpu.memref_squeeze %dma_wait3A_979 : memref<1x8x1024xf32, #tpu.memory_space<hbm>> -> memref<8x1024xf32, #tpu.memory_space<hbm>>
    tpu.wait_dma2 semaphore(%arg34 : memref<!tpu.dma_semaphore, #tpu.memory_space<semaphore_mem>>) src(%arg7 : memref<8x1024xf32, #tpu.memory_space<vmem>>) dst(%dma_wait3A_980 : memref<8x1024xf32, #tpu.memory_space<hbm>>)
    %dma_wait3A_981 = arith.constant 3 : i32
    %dma_wait3A_982 = arith.constant 0 : i32
    %dma_wait3A_983 = tpu.memref_slice %arg4[%dma_wait3A_981, %add3A_838, %dma_wait3A_982] : memref<4x2048x1024xf32, #tpu.memory_space<hbm>> -> memref<1x8x1024xf32, #tpu.memory_space<hbm>>
    %dma_wait3A_984 = tpu.memref_squeeze %dma_wait3A_983 : memref<1x8x1024xf32, #tpu.memory_space<hbm>> -> memref<8x1024xf32, #tpu.memory_space<hbm>>
    %dma_wait3A_985 = arith.constant 0 : i32
    %dma_wait3A_986 = tpu.memref_slice %arg4[%dma_wait3A_981, %add3A_838, %dma_wait3A_985] : memref<4x2048x1024xf32, #tpu.memory_space<hbm>> -> memref<1x8x1024xf32, #tpu.memory_space<hbm>>
    %dma_wait3A_987 = tpu.memref_squeeze %dma_wait3A_986 : memref<1x8x1024xf32, #tpu.memory_space<hbm>> -> memref<8x1024xf32, #tpu.memory_space<hbm>>
    tpu.wait_dma2 semaphore(%arg35 : memref<!tpu.dma_semaphore, #tpu.memory_space<semaphore_mem>>) src(%arg8 : memref<8x1024xf32, #tpu.memory_space<vmem>>) dst(%dma_wait3A_987 : memref<8x1024xf32, #tpu.memory_space<hbm>>)
    %dma_wait3A_988 = arith.constant 0 : i32
    %dma_wait3A_989 = arith.constant 0 : i32
    %dma_wait3A_990 = tpu.memref_slice %arg4[%dma_wait3A_988, %add3A_903, %dma_wait3A_989] : memref<4x2048x1024xf32, #tpu.memory_space<hbm>> -> memref<1x8x1024xf32, #tpu.memory_space<hbm>>
    %dma_wait3A_991 = tpu.memref_squeeze %dma_wait3A_990 : memref<1x8x1024xf32, #tpu.memory_space<hbm>> -> memref<8x1024xf32, #tpu.memory_space<hbm>>
    %dma_wait3A_992 = arith.constant 0 : i32
    %dma_wait3A_993 = tpu.memref_slice %arg4[%dma_wait3A_988, %add3A_903, %dma_wait3A_992] : memref<4x2048x1024xf32, #tpu.memory_space<hbm>> -> memref<1x8x1024xf32, #tpu.memory_space<hbm>>
    %dma_wait3A_994 = tpu.memref_squeeze %dma_wait3A_993 : memref<1x8x1024xf32, #tpu.memory_space<hbm>> -> memref<8x1024xf32, #tpu.memory_space<hbm>>
    tpu.wait_dma2 semaphore(%arg36 : memref<!tpu.dma_semaphore, #tpu.memory_space<semaphore_mem>>) src(%arg9 : memref<8x1024xf32, #tpu.memory_space<vmem>>) dst(%dma_wait3A_994 : memref<8x1024xf32, #tpu.memory_space<hbm>>)
    %dma_wait3A_995 = arith.constant 1 : i32
    %dma_wait3A_996 = arith.constant 0 : i32
    %dma_wait3A_997 = tpu.memref_slice %arg4[%dma_wait3A_995, %add3A_903, %dma_wait3A_996] : memref<4x2048x1024xf32, #tpu.memory_space<hbm>> -> memref<1x8x1024xf32, #tpu.memory_space<hbm>>
    %dma_wait3A_998 = tpu.memref_squeeze %dma_wait3A_997 : memref<1x8x1024xf32, #tpu.memory_space<hbm>> -> memref<8x1024xf32, #tpu.memory_space<hbm>>
    %dma_wait3A_999 = arith.constant 0 : i32
    %dma_wait3A_1000 = tpu.memref_slice %arg4[%dma_wait3A_995, %add3A_903, %dma_wait3A_999] : memref<4x2048x1024xf32, #tpu.memory_space<hbm>> -> memref<1x8x1024xf32, #tpu.memory_space<hbm>>
    %dma_wait3A_1001 = tpu.memref_squeeze %dma_wait3A_1000 : memref<1x8x1024xf32, #tpu.memory_space<hbm>> -> memref<8x1024xf32, #tpu.memory_space<hbm>>
    tpu.wait_dma2 semaphore(%arg37 : memref<!tpu.dma_semaphore, #tpu.memory_space<semaphore_mem>>) src(%arg10 : memref<8x1024xf32, #tpu.memory_space<vmem>>) dst(%dma_wait3A_1001 : memref<8x1024xf32, #tpu.memory_space<hbm>>)
    %dma_wait3A_1002 = arith.constant 2 : i32
    %dma_wait3A_1003 = arith.constant 0 : i32
    %dma_wait3A_1004 = tpu.memref_slice %arg4[%dma_wait3A_1002, %add3A_903, %dma_wait3A_1003] : memref<4x2048x1024xf32, #tpu.memory_space<hbm>> -> memref<1x8x1024xf32, #tpu.memory_space<hbm>>
    %dma_wait3A_1005 = tpu.memref_squeeze %dma_wait3A_1004 : memref<1x8x1024xf32, #tpu.memory_space<hbm>> -> memref<8x1024xf32, #tpu.memory_space<hbm>>
    %dma_wait3A_1006 = arith.constant 0 : i32
    %dma_wait3A_1007 = tpu.memref_slice %arg4[%dma_wait3A_1002, %add3A_903, %dma_wait3A_1006] : memref<4x2048x1024xf32, #tpu.memory_space<hbm>> -> memref<1x8x1024xf32, #tpu.memory_space<hbm>>
    %dma_wait3A_1008 = tpu.memref_squeeze %dma_wait3A_1007 : memref<1x8x1024xf32, #tpu.memory_space<hbm>> -> memref<8x1024xf32, #tpu.memory_space<hbm>>
    tpu.wait_dma2 semaphore(%arg38 : memref<!tpu.dma_semaphore, #tpu.memory_space<semaphore_mem>>) src(%arg11 : memref<8x1024xf32, #tpu.memory_space<vmem>>) dst(%dma_wait3A_1008 : memref<8x1024xf32, #tpu.memory_space<hbm>>)
    %dma_wait3A_1009 = arith.constant 3 : i32
    %dma_wait3A_1010 = arith.constant 0 : i32
    %dma_wait3A_1011 = tpu.memref_slice %arg4[%dma_wait3A_1009, %add3A_903, %dma_wait3A_1010] : memref<4x2048x1024xf32, #tpu.memory_space<hbm>> -> memref<1x8x1024xf32, #tpu.memory_space<hbm>>
    %dma_wait3A_1012 = tpu.memref_squeeze %dma_wait3A_1011 : memref<1x8x1024xf32, #tpu.memory_space<hbm>> -> memref<8x1024xf32, #tpu.memory_space<hbm>>
    %dma_wait3A_1013 = arith.constant 0 : i32
    %dma_wait3A_1014 = tpu.memref_slice %arg4[%dma_wait3A_1009, %add3A_903, %dma_wait3A_1013] : memref<4x2048x1024xf32, #tpu.memory_space<hbm>> -> memref<1x8x1024xf32, #tpu.memory_space<hbm>>
    %dma_wait3A_1015 = tpu.memref_squeeze %dma_wait3A_1014 : memref<1x8x1024xf32, #tpu.memory_space<hbm>> -> memref<8x1024xf32, #tpu.memory_space<hbm>>
    tpu.wait_dma2 semaphore(%arg39 : memref<!tpu.dma_semaphore, #tpu.memory_space<semaphore_mem>>) src(%arg12 : memref<8x1024xf32, #tpu.memory_space<vmem>>) dst(%dma_wait3A_1015 : memref<8x1024xf32, #tpu.memory_space<hbm>>)
    return
  }
}

</mosaic_0001>

<sc_bundles>
// kernel: kernel.3.cloned.1.call-start
scs
__scs_entry_jumppad:
0x0: {  	(pc) =	sbr.rel $0x88, $3  }
0x1: {  	(tag) =	ssettag $0x0;
	lr =	simm.s32 $0x1  }
0x2: {  	[smem:$0x3F9F] =	sst lr;
	_ =	strace $0xD0000000  }
0x3: {  	_ = 	snop  }
0x4: {  	_ = 	snop  }
0x5: {  	_ = 	snop  }
0x6: {  	_ = 	snop  }
0x7: {  	_ = 	snop  }
__scs_overlays_trampoline_lowered:
0x8: {  	[smem:$0x3FAE] =	sst s0  }
0x9: {  	[smem:$0x3FAF] =	sst s1  }
0xa: {  	[smem:$0x3FB0] =	sst s2  }
0xb: {  	[smem:$0x3FB1] =	sst s3  }
0xc: {  	[smem:$0x3FB2] =	sst s4  }
0xd: {  	[smem:$0x3FB3] =	sst s5  }
0xe: {  	[smem:$0x3FB4] =	sst s6  }
0xf: {  	[smem:$0x3FB5] =	sst s7  }
0x10: {  	[smem:$0x3FB6] =	sst s8  }
0x11: {  	[smem:$0x3FB7] =	sst s9;
	s0 =	simm.s32 @!p0 $0x0  }
0x12: {  	s1 =	sld [smem:$0x3F9D];
	s0 =	simm.s32 @p0 $0x1  }
0x13: {  	[smem:$0x3FB8] =	sst s0;
	s0 =	simm.s32 @!p1 $0x0  }
0x14: {  	s2 =	sld [smem:$0x3F9C];
	s0 =	simm.s32 @p1 $0x1  }
0x15: {  	[smem:$0x3FB9] =	sst s0;
	s0 =	simm.s32 @!p2 $0x0  }
0x16: {  	s3 =	sld [smem:$0x3FDB];
	s0 =	simm.s32 @p2 $0x1  }
0x17: {  	s4 =	simm.s32 $0x1BF5;
	[smem:$0x3FBB] =	sst s0  }
0x18: {  	s0 =	sld [smem:$0x3F9E];
	_ =	swait.ge [sflag:s4], $0x0  }
0x19: {  	s7 =	sld [smem:$0x3F9F]  }
0x1a: {  	s8 =	sadd.s32 $0xFFFFE003, lr  }
0x1b: {  	s9 =	sadd.s32 $0xFFFFFEF7, lr;
	s5 =	simm.s32 $0xFFFFFFFF;
	p2 =	slt.u32 s8, $0xFFFFF086  }
0x1c: {  	p1 =	slt.u32 s9, $0xF7A;
	s5 =	simm.s32 @!p2 $0x0  }
0x1d: {  	s5 =	simm.s32 @p1 $0x1;
	p0 =	seq.s32 s7, s2  }
0x1e: {  	s7 =	smul.u32 @!p0 $0xF7A, s2;
	p2 =	seq.s32 @!p0 s5, $0x0  }
0x1f: {  	s9 =	smul.u32 $0xF7A, s1;
	s8 =	simm.s32 @!p0 $0x1BF5;
	p2 =	por !p2, p0  }
0x20: {  	[sflag:s8] =	ssyncset.s32 @!p0 $0xFFFFF086;
	s6 =	sadd.s32 @!p0 s3, s7;
	s7 =	simm.s32 @!p0 $0x108  }
0x21: {  	s3 =	sadd.s32 s3, s9;
	s6 =	sadd.s32 @!p0 $0x88, s6;
	s7 =	simm.s32 @p2 $0x1082  }
0x22: {  	[simem:s7], [sflag:s8] =	dma.local @!p0 [hbm:s6], $0xF7A  }
0x23: {  	s9 =	sor.u32 $0xD0000000, s2;
	s6 =	simm.s32 $0x108;
	_ =	swait.ge @!p0 [sflag:s8], $0x0  }
0x24: {  	s3 =	sadd.s32 $0x88, s3;
	s6 =	simm.s32 @!p1 $0x1082;
	[sflag:s4] =	ssyncset.s32 $0xFFFFF086  }
0x25: {  	[simem:s6], [sflag:s4] =	dma.local [hbm:s3], $0xF7A  }
0x26: {  	[smem:$0x3F9F] =	sst s1;
	(tag) =	ssettag s2;
	_ =	strace s9  }
0x27: {  	s1 =	sld [smem:$0x3FAF]  }
0x28: {  	s2 =	sld [smem:$0x3FB0]  }
0x29: {  	s4 =	sld [smem:$0x3FB2]  }
0x2a: {  	p0 =	seq.s32 s5, $0x0;
	s5 =	sld [smem:$0x3FB3]  }
0x2b: {  	s6 =	sld [smem:$0x3FB4]  }
0x2c: {  	s7 =	sld [smem:$0x3FB5]  }
0x2d: {  	s3 =	simm.s32 $0x108;
	s8 =	sld [smem:$0x3FB6]  }
0x2e: {  	s3 =	simm.s32 @!p0 $0x1082;
	s9 =	sld [smem:$0x3FB7]  }
0x2f: {  	lr =	sadd.s32 s0, s3;
	s0 =	sld [smem:$0x3FAE]  }
0x30: {  	s3 =	sld [smem:$0x3FB1]  }
0x31: {  	[smem:$0x3FBA] =	sst s10  }
0x32: {  	s10 =	sld [smem:$0x3FB8];
	_ =	sdelay $0x3  }
0x33: {  	p0 =	seq.s32 s10, $0x1;
	s10 =	sld [smem:$0x3FBA];
	_ =	sdelay $0x3  }
0x34: {  	[smem:$0x3FBA] =	sst s10  }
0x35: {  	s10 =	sld [smem:$0x3FB9];
	_ =	sdelay $0x3  }
0x36: {  	p1 =	seq.s32 s10, $0x1;
	s10 =	sld [smem:$0x3FBA];
	_ =	sdelay $0x3  }
0x37: {  	[smem:$0x3FBA] =	sst s10  }
0x38: {  	s10 =	sld [smem:$0x3FBB]  }
0x39: {  	_ = 	snop;
	(pc) =	sbr.ind lr, $3  }
0x3a: {  	_ = 	snop  }
0x3b: {  	_ = 	snop  }
0x3c: {  	p2 =	seq.s32 s10, $0x1;
	s10 =	sld [smem:$0x3FBA]  }
0x3d: {  	_ =	shalt  }
0x3e: {  	_ =	shalt  }
0x3f: {  	_ =	shalt  }
0x40: {  	_ =	shalt  }
0x41: {  	_ =	shalt  }
0x42: {  	_ =	shalt  }
0x43: {  	_ =	shalt  }
0x44: {  	_ =	shalt  }
0x45: {  	_ =	shalt  }
0x46: {  	_ =	shalt  }
0x47: {  	_ =	shalt  }
0x48: {  	_ =	shalt  }
0x49: {  	_ =	shalt  }
0x4a: {  	_ =	shalt  }
0x4b: {  	_ =	shalt  }
0x4c: {  	_ =	shalt  }
0x4d: {  	_ =	shalt  }
0x4e: {  	_ =	shalt  }
0x4f: {  	_ =	shalt  }
0x50: {  	_ =	shalt  }
0x51: {  	_ =	shalt  }
0x52: {  	_ =	shalt  }
0x53: {  	_ =	shalt  }
0x54: {  	_ =	shalt  }
0x55: {  	_ =	shalt  }
0x56: {  	_ =	shalt  }
0x57: {  	_ =	shalt  }
0x58: {  	_ =	shalt  }
0x59: {  	_ =	shalt  }
0x5a: {  	_ =	shalt  }
0x5b: {  	_ =	shalt  }
0x5c: {  	_ =	shalt  }
0x5d: {  	_ =	shalt  }
0x5e: {  	_ =	shalt  }
0x5f: {  	_ =	shalt  }
0x60: {  	_ =	shalt  }
0x61: {  	_ =	shalt  }
0x62: {  	_ =	shalt  }
0x63: {  	_ =	shalt  }
0x64: {  	_ =	shalt  }
0x65: {  	_ =	shalt  }
0x66: {  	_ =	shalt  }
0x67: {  	_ =	shalt  }
0x68: {  	_ =	shalt  }
0x69: {  	_ =	shalt  }
0x6a: {  	_ =	shalt  }
0x6b: {  	_ =	shalt  }
0x6c: {  	_ =	shalt  }
0x6d: {  	_ =	shalt  }
0x6e: {  	_ =	shalt  }
0x6f: {  	_ =	shalt  }
0x70: {  	_ =	shalt  }
0x71: {  	_ =	shalt  }
0x72: {  	_ =	shalt  }
0x73: {  	_ =	shalt  }
0x74: {  	_ =	shalt  }
0x75: {  	_ =	shalt  }
0x76: {  	_ =	shalt  }
0x77: {  	_ =	shalt  }
0x78: {  	_ =	shalt  }
0x79: {  	_ =	shalt  }
0x7a: {  	_ =	shalt  }
0x7b: {  	_ =	shalt  }
0x7c: {  	_ =	shalt  }
0x7d: {  	_ =	shalt  }
0x7e: {  	_ =	shalt  }
0x7f: {  	_ =	shalt  }
0x80: {  	_ =	shalt  }
0x81: {  	_ =	shalt  }
0x82: {  	_ =	shalt  }
0x83: {  	_ =	shalt  }
0x84: {  	_ =	shalt  }
0x85: {  	_ =	shalt  }
0x86: {  	_ =	shalt  }
0x87: {  	_ =	shalt  }
.Lfunc_end0:
.L_simem_size_0:
called_computation_lowered:
.L_overlay_start_0:
0x88: {  	s2 =	sld [smem:$0x3FD9]  }
0x89: {  	s3 =	sld [smem:$0x3FFE];
	_ =	sdelay $0x1  }
0x8a: {  	s1 =	srdreg.scid  }
0x8b: {  	s0 =	sand.u32 $0x1, s1  }
0x8c: {  	s18 =	sshll.u32 s0, $0xA;
	s2 =	sadd.s32 s3, s2  }
0x8d: {  	s2 =	sadd.s32 s2, s18  }
0x8e: {  	[smem:$0x3FC6] =	sst s2  }
0x8f: {  	_ = 	snop  }
0x90: {  	s2 =	sld [smem:$0x3FC9]  }
0x91: {  	s19 =	sld [smem:$0x3FC8]  }
0x92: {  	s4 =	sld [smem:$0x3FD0];
	(tm) =	ssettm $0x1  }
0x93: {  	s5 =	sld [smem:$0x3FFB];
	_ =	sdelay $0x3  }
0x94: {  	_ =	strace s5  }
0x95: {  	s5 =	sld [smem:$0x3FFC];
	_ =	sdelay $0x3  }
0x96: {  	_ =	strace s5  }
0x97: {  	s5 =	sld [smem:$0x3FFD];
	_ =	sdelay $0x3  }
0x98: {  	_ =	strace s5  }
0x99: {  	_ =	strace $0x8FFFFFFF  }
0x9a: {  	s20 =	sld [smem:$0x3FDB];
	_ =	sdelay $0x1  }
0x9b: {  	s6 =	simm.s32 $_scs_section_size  }
0x9c: {  	s7 =	simm.s32 $_size__tile_overlayer_lowered;
	s8 =	simm.s32 $_tile_overlayer_lowered  }
0x9d: {  	s23 =	simm.s32 $0x1BFF;
	s22 =	sshll.u32 s8, $0x1;
	s5 =	sadd.s32 s6, s20  }
0x9e: {  	s9 =	simm.s32 $0x0;
	s21 =	sshll.u32 s7, $0x1;
	s7 =	sadd.s32 s22, s5  }
0x9f: {  	[timem:s9], [sflag:s23] =	dma.local [hbm:s7], s21  }
0xa0: {  	_ =	swait.ge [sflag:s23], s21  }
0xa1: {  	s6 =	ssub.s32 $0x0, s21;
	[sflag:s23] =	ssyncset.done $0x0  }
0xa2: {  	[sflag:s23] =	ssyncadd.s32 s6;
	_ =	sdelay $0x1  }
0xa3: {  	s24 =	simm.s32 $0x1B8B  }
0xa4: {  	_ =	swait.ge [sflag:s24], $0x1  }
0xa5: {  	[sflag:s24] =	ssyncset.done $0x0  }
0xa6: {  	s25 =	simm.s32 $0x1B8E;
	[sflag:s24] =	ssyncadd.s32 $0xFFFFFFFF  }
0xa7: {  	s26 =	simm.s32 $execute0_lowered;
	[smem:$0x3FD2] =	sst s25  }
0xa8: {  	s6 =	sshll.u32 s26, $0x1;
	_ =	strace $0x80000046;
	[dreg:$0x1] =	wrdreg $0xFFFFFFFF  }
0xa9: {  	s28 =	simm.s32 $_size_execute0_lowered;
	s5 =	sadd.s32 s5, s6;
	[dreg:$0x0] =	wrdreg $0x0  }
0xaa: {  	s6 =	sshll.u32 s28, $0x1;
	[dreg:$0x2] =	wrdreg s5  }
0xab: {  	[dreg:$0x3] =	wrdreg s6  }
0xac: {  	[dreg:$0x4] =	wrdreg $0xC0  }
0xad: {  	_ =	task [dreg:s9], $0x5FFFF  }
0xae: {  	[dreg:$0x1] =	wrdreg $0xFFFFFFFF  }
0xaf: {  	[dreg:$0x0] =	wrdreg $0x60  }
0xb0: {  	[dreg:$0x2] =	wrdreg s2  }
0xb1: {  	[dreg:$0x3] =	wrdreg s19  }
0xb2: {  	[dreg:$0x4] =	wrdreg s4  }
0xb3: {  	[dreg:$0x5] =	wrdreg $0x9  }
0xb4: {  	_ =	task.clear_ibuf [dreg:s9], $0x6FFFF;
	_ =	strace $0x90000046  }
0xb5: {  	s29 =	simm.s32 $0x9;
	_ =	strace $0x80000048  }
0xb6: {  	_ =	swait.ge [sflag:s29], $0x1  }
0xb7: {  	[sflag:s29] =	ssyncadd.s32 $0xFFFFFFFF  }
0xb8: {  	_ =	strace $0x90000048  }
0xb9: {  	_ =	sfence  }
0xba: {  	s30 =	sld [smem:$0x0];
	_ =	sdelay $0x2  }
0xbb: {  	s31 =	sshll.u32 s1, $0xD;
	s1 =	sshrl.u32 s1, $0x2  }
0xbc: {  	s3 =	sand.u32 $0x4000, s31;
	s1 =	sadd.s32 s1, s30  }
0xbd: {  	s0 =	sor.u32 s3, s0;
	s1 =	sshll.u32 s1, $0x11  }
0xbe: {  	s0 =	sor.u32 s1, s0  }
0xbf: {  	s0 =	sadd.s32 $0x8F2B, s0  }
0xc0: {  	[sflag:s0] =	ssyncadd.remote.s32 $0x1  }
0xc1: {  	_ =	sfence.sel $0xFFFF  }
0xc2: {  	[dreg:$0x0] =	wrdreg $0xFFFFFFFF;
	(pc) =	sbr.abs _section_cstart, $3  }
0xc3: {  	[dreg:$0x1] =	wrdreg $0xFFFFFFFF  }
0xc4: {  	_ =	task.clear_ibuf [dreg:s9], $0x2FFFF;
	_ =	strace $0x9FFFFFFF  }
0xc5: {  	(tm) =	ssettm $0x7FFFFFFF  }
tec
execute0_lowered:
.L_overlay_start_1:
0x0: {  	(tag) =	ssettag $0x1  }
0x1: {  	s1 =	srdreg.scid  }
0x2: {  	s3 =	rddreg [dreg:$0x0];
	s4 =	stileid.u32;
	s1 =	sand.u32 $0x1, s1  }
0x3: {  	s5 =	rddreg [dreg:$0x1];
	s4 =	sshll.u32 s4, $0xE;
	s6 =	sshll.u32 s1, $0xD  }
0x4: {  	s0 =	rddreg [dreg:$0x2];
	s4 =	sor.u32 s6, s4  }
0x5: {  	s2 =	ssub.s32 $0x2, s1;
	s1 =	simm.s32 $0x0;
	s6 =	sor.u32 $0x40000, s4  }
0x6: {  	[smem:$0x7FF] =	sst s1;
	s29 =	sor.u32 $0x80000, s4;
	s28 =	sadd.s32 s3, s6  }
0x7: {  	s8 =	sor.u32 $0xC0000, s4;
	s9 =	sadd.s32 s3, s29;
	[dreg:$0x4] =	wrdreg s28  }
0x8: {  	s15 =	sor.u32 $0x400, s4;
	s14 =	sadd.s32 s3, s8;
	[dreg:$0x5] =	wrdreg s9  }
0x9: {  	s10 =	sadd.s32 s5, s15;
	[dreg:$0x6] =	wrdreg s14  }
0xa: {  	s17 =	sor.u32 $0x40400, s4;
	s16 =	sadd.s32 s3, s15;
	[dreg:$0x7] =	wrdreg s10  }
0xb: {  	s18 =	sor.u32 $0x80400, s4;
	s11 =	sadd.s32 s3, s17;
	[dreg:$0x8] =	wrdreg s16  }
0xc: {  	s12 =	sor.u32 $0xC0400, s4;
	s13 =	sadd.s32 s3, s18;
	[dreg:$0x9] =	wrdreg s11  }
0xd: {  	s20 =	sor.u32 $0x800, s4;
	s19 =	sadd.s32 s3, s12;
	[dreg:$0xa] =	wrdreg s13  }
0xe: {  	s21 =	sadd.s32 s3, s20;
	[dreg:$0xb] =	wrdreg s19  }
0xf: {  	s6 =	sadd.s32 s0, s6;
	[dreg:$0xd] =	wrdreg s21  }
0x10: {  	s23 =	sadd.s32 s0, s29;
	[dreg:$0xe] =	wrdreg s6  }
0x11: {  	s24 =	sadd.s32 s0, s8;
	[dreg:$0xf] =	wrdreg s23  }
0x12: {  	s25 =	sadd.s32 s0, s15;
	[dreg:$0x10] =	wrdreg s24  }
0x13: {  	s26 =	sadd.s32 s0, s17;
	[dreg:$0x11] =	wrdreg s25  }
0x14: {  	s7 =	sshrl.u32 s2, $0x1;
	s29 =	sadd.s32 s0, s12;
	[dreg:$0x12] =	wrdreg s26  }
0x15: {  	s2 =	ssub.s32 s2, s7;
	s7 =	sadd.s32 s0, s20;
	[dreg:$0x14] =	wrdreg s29  }
0x16: {  	s14 =	sadd.s32 s5, s20;
	[dreg:$0x15] =	wrdreg s7  }
0x17: {  	s22 =	sor.u32 $0x40800, s4;
	s28 =	sadd.s32 s0, s18;
	[dreg:$0xc] =	wrdreg s14  }
0x18: {  	s9 =	sadd.s32 s3, s22;
	[dreg:$0x13] =	wrdreg s28  }
0x19: {  	s8 =	sor.u32 $0x80800, s4;
	s10 =	sadd.s32 s0, s22;
	[dreg:$0x16] =	wrdreg s9  }
0x1a: {  	s11 =	sadd.s32 s3, s8;
	[dreg:$0x17] =	wrdreg s10  }
0x1b: {  	s12 =	sor.u32 $0xC0800, s4;
	s6 =	sadd.s32 s0, s8;
	[dreg:$0x18] =	wrdreg s11  }
0x1c: {  	[dreg:$0x19] =	wrdreg s6;
	s14 =	sadd.s32 s3, s12  }
0x1d: {  	s13 =	sor.u32 $0xC00, s4;
	s6 =	sadd.s32 s0, s12;
	[dreg:$0x1a] =	wrdreg s14  }
0x1e: {  	s15 =	sadd.s32 s5, s13;
	[dreg:$0x1b] =	wrdreg s6  }
0x1f: {  	s16 =	sadd.s32 s3, s13;
	[dreg:$0x1c] =	wrdreg s15  }
0x20: {  	s18 =	sor.u32 $0x40C00, s4;
	s17 =	sadd.s32 s0, s13;
	[dreg:$0x1d] =	wrdreg s16  }
0x21: {  	s20 =	sor.u32 $0x80C00, s4;
	s19 =	sadd.s32 s3, s18;
	[dreg:$0x1e] =	wrdreg s17  }
0x22: {  	s22 =	sor.u32 $0xC0C00, s4;
	s21 =	sadd.s32 s3, s20;
	[dreg:$0x1f] =	wrdreg s19  }
0x23: {  	s24 =	sor.u32 $0x1000, s4;
	s23 =	sadd.s32 s3, s22;
	[smem:$0x7D2] =	sst s21  }
0x24: {  	s25 =	sadd.s32 s5, s24;
	[smem:$0x7D4] =	sst s23  }
0x25: {  	s8 =	sor.u32 $0x81000, s4;
	s26 =	sadd.s32 s3, s24;
	[smem:$0x7D6] =	sst s25  }
0x26: {  	s9 =	sadd.s32 s3, s8;
	[smem:$0x7D7] =	sst s26  }
0x27: {  	s13 =	sadd.s32 s5, s4;
	[smem:$0x7DB] =	sst s9  }
0x28: {  	s28 =	sor.u32 $0x41000, s4;
	s6 =	sadd.s32 s0, s18;
	[smem:$0x7DF] =	sst s13  }
0x29: {  	s29 =	sadd.s32 s3, s28;
	[smem:$0x7D1] =	sst s6  }
0x2a: {  	s10 =	sor.u32 $0xC1000, s4;
	s7 =	sadd.s32 s0, s28;
	[smem:$0x7D9] =	sst s29  }
0x2b: {  	s11 =	sadd.s32 s3, s10;
	[smem:$0x7DA] =	sst s7  }
0x2c: {  	s12 =	sadd.s32 s0, s10;
	[smem:$0x7DD] =	sst s11  }
0x2d: {  	s16 =	sadd.s32 s3, s4;
	[smem:$0x7DE] =	sst s12  }
0x2e: {  	s17 =	sadd.s32 s0, s4;
	[smem:$0x7E3] =	sst s16  }
0x2f: {  	s18 =	sor.u32 $0x41400, s4;
	s6 =	sadd.s32 s0, s20;
	[smem:$0x7E4] =	sst s17  }
0x30: {  	s9 =	sor.u32 $0x81400, s4;
	s19 =	sadd.s32 s3, s18;
	[smem:$0x7D3] =	sst s6  }
0x31: {  	s10 =	sor.u32 $0xC1400, s4;
	s20 =	sadd.s32 s3, s9;
	[smem:$0x7E6] =	sst s19  }
0x32: {  	s13 =	sor.u32 $0xC1800, s4;
	s21 =	sadd.s32 s3, s10;
	[smem:$0x7E7] =	sst s20  }
0x33: {  	s25 =	sadd.s32 s3, s13;
	[smem:$0x7E8] =	sst s21  }
0x34: {  	s18 =	sadd.s32 s0, s18;
	[smem:$0x7EC] =	sst s25  }
0x35: {  	s7 =	sor.u32 $0x1800, s4;
	s6 =	sadd.s32 s0, s22;
	[smem:$0x7F2] =	sst s18  }
0x36: {  	s15 =	sadd.s32 s5, s7;
	[smem:$0x7D5] =	sst s6  }
0x37: {  	s11 =	sor.u32 $0x41800, s4;
	s22 =	sadd.s32 s3, s7;
	[smem:$0x7E1] =	sst s15  }
0x38: {  	s23 =	sadd.s32 s3, s11;
	[smem:$0x7E9] =	sst s22  }
0x39: {  	s19 =	sadd.s32 s0, s9;
	[smem:$0x7EA] =	sst s23  }
0x3a: {  	s30 =	simm.s32 $0x10;
	s20 =	sadd.s32 s0, s10;
	[smem:$0x7F3] =	sst s19  }
0x3b: {  	s31 =	simm.s32 $0x11;
	s21 =	sadd.s32 s0, s7;
	[smem:$0x7F4] =	sst s20  }
0x3c: {  	s12 =	sor.u32 $0x81800, s4;
	s6 =	sadd.s32 s0, s24;
	[smem:$0x7F5] =	sst s21  }
0x3d: {  	s7 =	simm.s32 $0x7;
	s24 =	sadd.s32 s3, s12;
	[smem:$0x7D8] =	sst s6  }
0x3e: {  	s9 =	simm.s32 $0xD;
	s22 =	sadd.s32 s0, s11;
	[smem:$0x7EB] =	sst s24  }
0x3f: {  	s10 =	simm.s32 $0xE;
	s23 =	sadd.s32 s0, s12;
	[smem:$0x7F6] =	sst s22  }
0x40: {  	s15 =	sor.u32 $0x81C00, s4;
	s6 =	sadd.s32 s0, s8;
	[smem:$0x7F7] =	sst s23  }
0x41: {  	s12 =	simm.s32 $0x8000;
	s29 =	sadd.s32 s3, s15;
	[smem:$0x7DC] =	sst s6  }
0x42: {  	s8 =	sor.u32 $0x1C00, s4;
	s24 =	sadd.s32 s0, s13;
	[smem:$0x7EF] =	sst s29  }
0x43: {  	s11 =	simm.s32 $0xF;
	s26 =	sadd.s32 s3, s8;
	[smem:$0x7F8] =	sst s24  }
0x44: {  	s6 =	sor.u32 $0x1400, s4;
	s25 =	sadd.s32 s0, s8;
	[smem:$0x7ED] =	sst s26  }
0x45: {  	s21 =	simm.s32 $0x0;
	s14 =	sadd.s32 s5, s6;
	[smem:$0x7F9] =	sst s25  }
0x46: {  	s13 =	simm.s32 $0xA000;
	s5 =	sadd.s32 s5, s8;
	[smem:$0x7E0] =	sst s14  }
0x47: {  	s29 =	smax.u32 s2, $0x1;
	s16 =	sadd.s32 s3, s6;
	[smem:$0x7E2] =	sst s5  }
0x48: {  	s17 =	sadd.s32 s0, s6;
	s14 =	sor.u32 $0x41C00, s4;
	[smem:$0x7E5] =	sst s16  }
0x49: {  	s4 =	sor.u32 $0xC1C00, s4;
	[smem:$0x7F1] =	sst s17;
	s28 =	sadd.s32 s3, s14  }
0x4a: {  	s2 =	simm.s32 $0x13;
	s3 =	sadd.s32 s3, s4;
	[smem:$0x7EE] =	sst s28  }
0x4b: {  	s6 =	simm.s32 $0x6;
	s26 =	sadd.s32 s0, s14;
	[smem:$0x7F0] =	sst s3  }
0x4c: {  	s8 =	simm.s32 $0x8;
	[smem:$0x7FA] =	sst s26;
	s28 =	sadd.s32 s0, s15  }
0x4d: {  	s14 =	simm.s32 $0xC000;
	s0 =	sadd.s32 s0, s4;
	[smem:$0x7FB] =	sst s28  }
0x4e: {  	s15 =	simm.s32 $0xE000;
	s3 =	simm.s32 $0x14;
	[smem:$0x7FC] =	sst s0  }
0x4f: {  	s0 =	simm.s32 $0x12;
	_ =	strace $0x80000047;
	[smem:$0x7FD] =	sst s29  }
.LBB2_1:
0x50: {  	s4 =	sld [smem:$0x7DF];
	_ =	sdelay $0x1  }
0x51: {  	s5 =	simm.s32 $0x18000  }
0x52: {  	[tilespmem:s5], [sflag:$0x19] =	stream.linear.gather [hbm4b:s4+s1], $0x2000, $0x38;
	[tilespmem:$0x1E000] =	vst v63  }
0x53: {  	s5 =	sld [smem:$0x7E3];
	_ =	sdelay $0x2  }
0x54: {  	[tilespmem:s1], [sflag:$0x1] =	stream.linear.gather [hbm4b:s5+s1], $0x2000, $0x38;
	[tilespmem:$0x1E000] =	vst v63  }
0x55: {  	s16 =	rddreg [dreg:$0x4];
	s17 =	simm.s32 $0x2000  }
0x56: {  	[tilespmem:s17], [sflag:$0x2] =	stream.linear.gather [hbm4b:s16+s1], $0x2000, $0x38;
	[tilespmem:$0x1E000] =	vst v63  }
0x57: {  	s18 =	rddreg [dreg:$0x5];
	s19 =	simm.s32 $0x4000  }
0x58: {  	[tilespmem:s19], [sflag:$0x3] =	stream.linear.gather [hbm4b:s18+s1], $0x2000, $0x38;
	[tilespmem:$0x1E000] =	vst v63  }
0x59: {  	s20 =	rddreg [dreg:$0x6];
	s22 =	simm.s32 $0x6000  }
0x5a: {  	[tilespmem:s22], [sflag:$0x4] =	stream.linear.gather [hbm4b:s20+s1], $0x2000, $0x38;
	[tilespmem:$0x1E000] =	vst v63  }
0x5b: {  	s23 =	rddreg [dreg:$0x7];
	s24 =	simm.s32 $0x1A000  }
0x5c: {  	[tilespmem:s24], [sflag:$0x1A] =	stream.linear.gather [hbm4b:s23+s1], $0x2000, $0x38;
	[tilespmem:$0x1E000] =	vst v63  }
0x5d: {  	s25 =	rddreg [dreg:$0x8]  }
0x5e: {  	[tilespmem:s12], [sflag:$0x5] =	stream.linear.gather [hbm4b:s25+s1], $0x2000, $0x38;
	[tilespmem:$0x1E000] =	vst v63  }
0x5f: {  	s26 =	rddreg [dreg:$0x9]  }
0x60: {  	[tilespmem:s13], [sflag:$0x6] =	stream.linear.gather [hbm4b:s26+s1], $0x2000, $0x38;
	[tilespmem:$0x1E000] =	vst v63  }
0x61: {  	s28 =	rddreg [dreg:$0xa]  }
0x62: {  	[tilespmem:s14], [sflag:$0x7] =	stream.linear.gather [hbm4b:s28+s1], $0x2000, $0x38;
	[tilespmem:$0x1E000] =	vst v63  }
0x63: {  	s29 =	rddreg [dreg:$0xb];
	s5 =	simm.s32 $0x19  }
0x64: {  	[tilespmem:s15], [sflag:$0x8] =	stream.linear.gather [hbm4b:s29+s1], $0x2000, $0x38;
	[tilespmem:$0x1E000] =	vst v63  }
0x65: {  	_ =	swait.ge [sflag:s5], $0x2000  }
0x66: {  	[sflag:s5] =	ssyncset.done $0x0  }
0x67: {  	s12 =	simm.s32 $0x1;
	[sflag:s5] =	ssyncadd.s32 $0xFFFFE000  }
0x68: {  	_ =	swait.ge [sflag:s12], $0x2000  }
0x69: {  	[sflag:s12] =	ssyncset.done $0x0  }
0x6a: {  	s13 =	simm.s32 $0x2;
	[sflag:s12] =	ssyncadd.s32 $0xFFFFE000  }
0x6b: {  	_ =	swait.ge [sflag:s13], $0x2000  }
0x6c: {  	[sflag:s13] =	ssyncset.done $0x0  }
0x6d: {  	s14 =	simm.s32 $0x3;
	[sflag:s13] =	ssyncadd.s32 $0xFFFFE000  }
0x6e: {  	_ =	swait.ge [sflag:s14], $0x2000  }
0x6f: {  	[sflag:s14] =	ssyncset.done $0x0  }
0x70: {  	s15 =	simm.s32 $0x4;
	[sflag:s14] =	ssyncadd.s32 $0xFFFFE000  }
0x71: {  	s16 =	sand.u32 $0x1C00, s1;
	s17 =	sand.u32 $0x380, s1;
	_ =	swait.ge [sflag:s15], $0x2000  }
0x72: {  	s18 =	sand.u32 $0x40, s1;
	s12 =	sor.u32 s17, s16;
	[sflag:s15] =	ssyncset.done $0x0  }
0x73: {  	s12 =	sor.u32 s18, s12;
	[sflag:s15] =	ssyncadd.s32 $0xFFFFE000  }
0x74: {  	v1 =	vld [tilespmem:s12+$0x18030]  }
0x75: {  	v2 =	vld [tilespmem:s12+$0x18000]  }
0x76: {  	v3 =	vld [tilespmem:s12+$0x18010];
	_ =	sdelay $0x1  }
0x77: {  	s19 =	sor.u32 $0x30, s12;
	v0 =	vld [tilespmem:s12+$0x18020]  }
0x78: {  	[tilespmem:s19+$0x0] =	vst.add.f32.msk $0xffff, v1  }
0x79: {  	s26 =	sor.u32 $0x10, s12;
	[tilespmem:s12+$0x0] =	vst.add.f32.msk $0xffff, v2  }
0x7a: {  	s20 =	sor.u32 $0x2030, s12;
	[tilespmem:s26+$0x0] =	vst.add.f32.msk $0xffff, v3  }
0x7b: {  	s24 =	sor.u32 $0x2000, s12;
	[tilespmem:s20+$0x0] =	vst.add.f32.msk $0xffff, v1  }
0x7c: {  	s28 =	sor.u32 $0x2010, s12;
	[tilespmem:s24+$0x0] =	vst.add.f32.msk $0xffff, v2  }
0x7d: {  	s22 =	sor.u32 $0x4030, s12;
	[tilespmem:s28+$0x0] =	vst.add.f32.msk $0xffff, v3  }
0x7e: {  	s14 =	sor.u32 $0x4000, s12;
	[tilespmem:s22+$0x0] =	vst.add.f32.msk $0xffff, v1  }
0x7f: {  	s29 =	sor.u32 $0x4010, s12;
	[tilespmem:s14+$0x0] =	vst.add.f32.msk $0xffff, v2  }
0x80: {  	s23 =	sor.u32 $0x6030, s12;
	s25 =	sor.u32 $0x6000, s12;
	[tilespmem:s29+$0x0] =	vst.add.f32.msk $0xffff, v3  }
0x81: {  	s17 =	sor.u32 $0x6010, s12;
	s16 =	sor.u32 $0x20, s12;
	s13 =	simm.s32 $0x8;
	[tilespmem:s23+$0x0] =	vst.add.f32.msk $0xffff, v1  }
0x82: {  	s15 =	sor.u32 $0x4020, s12;
	s19 =	sor.u32 $0x2020, s12;
	s22 =	simm.s32 $0x0;
	[tilespmem:s25+$0x0] =	vst.add.f32.msk $0xffff, v2  }
0x83: {  	s14 =	simm.s32 $0x0;
	s23 =	sor.u32 $0x6020, s12;
	[tilespmem:s17+$0x0] =	vst.add.f32.msk $0xffff, v3;
	s12 =	simm.s32 $0x200  }
.LBB2_2:
0x84: {  	s17 =	sand.u32 $0x1C00, s12;
	s18 =	sand.u32 $0x380, s13;
	[tilespmem:s16+$0x0] =	vst.add.f32.msk $0xffff, v0;
	s14 =	sadd.s32 $0x40, s14  }
0x85: {  	s16 =	sand.u32 $0x40, s14;
	s17 =	sor.u32 s18, s17;
	[tilespmem:s19+$0x0] =	vst.add.f32.msk $0xffff, v0  }
0x86: {  	s17 =	sor.u32 s16, s17;
	[tilespmem:s15+$0x0] =	vst.add.f32.msk $0xffff, v0  }
0x87: {  	s22 =	sadd.s32 $0x4, s22;
	s18 =	sor.u32 $0x2000, s17;
	s20 =	sor.u32 $0x4000, s17;
	v1 =	vld [tilespmem:s17+$0x18030]  }
0x88: {  	p0 =	slt.u32 s22, $0x1FC;
	s24 =	sor.u32 $0x6000, s17;
	s25 =	sor.u32 $0x10, s17;
	v2 =	vld [tilespmem:s17+$0x18000]  }
0x89: {  	s26 =	sor.u32 $0x2010, s17;
	s28 =	sor.u32 $0x4010, s17;
	s29 =	sor.u32 $0x6010, s17;
	v3 =	vld [tilespmem:s17+$0x18010]  }
0x8a: {  	s16 =	sor.u32 $0x20, s17;
	s19 =	sor.u32 $0x2020, s17;
	s15 =	sor.u32 $0x4020, s17;
	v4 =	vld [tilespmem:s17+$0x18020]  }
0x8b: {  	s4 =	sor.u32 $0x30, s17;
	[tilespmem:s23+$0x0] =	vst.add.f32.msk $0xffff, v0;
	s23 =	sor.u32 $0x6020, s17  }
0x8c: {  	[tilespmem:s4+$0x0] =	vst.add.f32.msk $0xffff, v1;
	s4 =	sor.u32 $0x2030, s17  }
0x8d: {  	[tilespmem:s4+$0x0] =	vst.add.f32.msk $0xffff, v1;
	s4 =	sor.u32 $0x4030, s17  }
0x8e: {  	[tilespmem:s4+$0x0] =	vst.add.f32.msk $0xffff, v1;
	s4 =	sor.u32 $0x6030, s17  }
0x8f: {  	[tilespmem:s4+$0x0] =	vst.add.f32.msk $0xffff, v1;
	v0 =	vmov v4  }
0x90: {  	[tilespmem:s17+$0x0] =	vst.add.f32.msk $0xffff, v2  }
0x91: {  	[tilespmem:s18+$0x0] =	vst.add.f32.msk $0xffff, v2  }
0x92: {  	[tilespmem:s20+$0x0] =	vst.add.f32.msk $0xffff, v2  }
.Ltmp0:
0x93: {  	[tilespmem:s24+$0x0] =	vst.add.f32.msk $0xffff, v2;
	(pc) =	sbr.rel @p0 .LBB2_2-.Ltmp0, $4  }
0x94: {  	[tilespmem:s25+$0x0] =	vst.add.f32.msk $0xffff, v3  }
0x95: {  	[tilespmem:s26+$0x0] =	vst.add.f32.msk $0xffff, v3  }
0x96: {  	[tilespmem:s28+$0x0] =	vst.add.f32.msk $0xffff, v3  }
0x97: {  	s12 =	sadd.s32 $0x200, s12;
	s13 =	sadd.s32 $0x8, s13;
	[tilespmem:s29+$0x0] =	vst.add.f32.msk $0xffff, v3  }
0x98: {  	[tilespmem:s16+$0x0] =	vst.add.f32.msk $0xffff, v0  }
0x99: {  	[tilespmem:s19+$0x0] =	vst.add.f32.msk $0xffff, v0  }
0x9a: {  	[tilespmem:s15+$0x0] =	vst.add.f32.msk $0xffff, v0  }
0x9b: {  	[tilespmem:s23+$0x0] =	vst.add.f32.msk $0xffff, v0  }
0x9c: {  	s4 =	rddreg [dreg:$0xc]  }
0x9d: {  	s22 =	simm.s32 $0x0;
	s5 =	simm.s32 $0x1C000;
	s14 =	rddreg [dreg:$0xd]  }
0x9e: {  	[tilespmem:s5], [sflag:$0x1B] =	stream.linear.gather [hbm4b:s4+s22], $0x2000, $0x38;
	[tilespmem:$0x1E000] =	vst v63  }
0x9f: {  	s15 =	simm.s32 $0x10000;
	s16 =	rddreg [dreg:$0x16]  }
0xa0: {  	[tilespmem:s15], [sflag:$0x9] =	stream.linear.gather [hbm4b:s14+s22], $0x2000, $0x38;
	[tilespmem:$0x1E000] =	vst v63  }
0xa1: {  	s17 =	simm.s32 $0x12000;
	s18 =	rddreg [dreg:$0x18]  }
0xa2: {  	[tilespmem:s17], [sflag:$0xA] =	stream.linear.gather [hbm4b:s16+s22], $0x2000, $0x38;
	[tilespmem:$0x1E000] =	vst v63  }
0xa3: {  	s19 =	simm.s32 $0x14000;
	s20 =	rddreg [dreg:$0x1a]  }
0xa4: {  	[tilespmem:s19], [sflag:$0xB] =	stream.linear.gather [hbm4b:s18+s22], $0x2000, $0x38;
	[tilespmem:$0x1E000] =	vst v63  }
0xa5: {  	s23 =	simm.s32 $0x16000;
	s24 =	sld [smem:$0x7E4]  }
0xa6: {  	[tilespmem:s23], [sflag:$0xC] =	stream.linear.gather [hbm4b:s20+s22], $0x2000, $0x38;
	[tilespmem:$0x1E000] =	vst v63  }
0xa7: {  	_ = 	snop  }
0xa8: {  	[hbm4b:s24+s22] =	stream.linear.scatter [tilespmem:s22], [sflag:$0xD], $0x2000, $0x38;
	[tilespmem:$0x1E000] =	vst v63  }
0xa9: {  	s26 =	simm.s32 $0x2000;
	s25 =	rddreg [dreg:$0xe]  }
0xaa: {  	[hbm4b:s25+s22] =	stream.linear.scatter [tilespmem:s26], [sflag:$0xE], $0x2000, $0x38;
	[tilespmem:$0x1E000] =	vst v63  }
0xab: {  	s29 =	simm.s32 $0x4000;
	s28 =	rddreg [dreg:$0xf]  }
0xac: {  	[hbm4b:s28+s22] =	stream.linear.scatter [tilespmem:s29], [sflag:$0xF], $0x2000, $0x38;
	[tilespmem:$0x1E000] =	vst v63  }
0xad: {  	s13 =	simm.s32 $0x6000;
	s12 =	rddreg [dreg:$0x10];
	s14 =	simm.s32 $0x1A  }
0xae: {  	[hbm4b:s12+s22] =	stream.linear.scatter [tilespmem:s13], [sflag:$0x10], $0x2000, $0x38;
	[tilespmem:$0x1E000] =	vst v63  }
0xaf: {  	_ =	swait.ge [sflag:s14], $0x2000  }
0xb0: {  	[sflag:s14] =	ssyncset.done $0x0  }
0xb1: {  	s15 =	simm.s32 $0x5;
	[sflag:s14] =	ssyncadd.s32 $0xFFFFE000  }
0xb2: {  	_ =	swait.ge [sflag:s15], $0x2000  }
0xb3: {  	[sflag:s15] =	ssyncset.done $0x0  }
0xb4: {  	[sflag:s15] =	ssyncadd.s32 $0xFFFFE000  }
0xb5: {  	_ =	swait.ge [sflag:s6], $0x2000  }
0xb6: {  	[sflag:s6] =	ssyncset.done $0x0  }
0xb7: {  	[sflag:s6] =	ssyncadd.s32 $0xFFFFE000  }
0xb8: {  	_ =	swait.ge [sflag:s7], $0x2000  }
0xb9: {  	[sflag:s7] =	ssyncset.done $0x0  }
0xba: {  	[sflag:s7] =	ssyncadd.s32 $0xFFFFE000  }
0xbb: {  	s16 =	sand.u32 $0x1C00, s22;
	s12 =	sand.u32 $0x380, s22;
	_ =	swait.ge [sflag:s8], $0x2000  }
0xbc: {  	s13 =	sand.u32 $0x40, s22;
	s4 =	sor.u32 s12, s16;
	[sflag:s8] =	ssyncset.done $0x0  }
0xbd: {  	s4 =	sor.u32 s13, s4;
	[sflag:s8] =	ssyncadd.s32 $0xFFFFE000  }
0xbe: {  	v1 =	vld [tilespmem:s4+$0x1A030]  }
0xbf: {  	v2 =	vld [tilespmem:s4+$0x1A000]  }
0xc0: {  	v3 =	vld [tilespmem:s4+$0x1A010];
	_ =	sdelay $0x1  }
0xc1: {  	s17 =	sor.u32 $0x8030, s4;
	v0 =	vld [tilespmem:s4+$0x1A020]  }
0xc2: {  	s13 =	sor.u32 $0x8000, s4;
	[tilespmem:s17+$0x0] =	vst.add.f32.msk $0xffff, v1  }
0xc3: {  	s26 =	sor.u32 $0x8010, s4;
	[tilespmem:s13+$0x0] =	vst.add.f32.msk $0xffff, v2  }
0xc4: {  	s18 =	sor.u32 $0xA030, s4;
	[tilespmem:s26+$0x0] =	vst.add.f32.msk $0xffff, v3  }
0xc5: {  	s23 =	sor.u32 $0xA000, s4;
	[tilespmem:s18+$0x0] =	vst.add.f32.msk $0xffff, v1  }
0xc6: {  	s28 =	sor.u32 $0xA010, s4;
	[tilespmem:s23+$0x0] =	vst.add.f32.msk $0xffff, v2  }
0xc7: {  	s19 =	sor.u32 $0xC030, s4;
	[tilespmem:s28+$0x0] =	vst.add.f32.msk $0xffff, v3  }
0xc8: {  	s24 =	sor.u32 $0xC000, s4;
	[tilespmem:s19+$0x0] =	vst.add.f32.msk $0xffff, v1  }
0xc9: {  	s29 =	sor.u32 $0xC010, s4;
	[tilespmem:s24+$0x0] =	vst.add.f32.msk $0xffff, v2  }
0xca: {  	s20 =	sor.u32 $0xE030, s4;
	[tilespmem:s29+$0x0] =	vst.add.f32.msk $0xffff, v3  }
0xcb: {  	s25 =	sor.u32 $0xE000, s4;
	s14 =	sor.u32 $0xE010, s4;
	s16 =	sor.u32 $0x8020, s4;
	[tilespmem:s20+$0x0] =	vst.add.f32.msk $0xffff, v1  }
0xcc: {  	s12 =	sor.u32 $0xE020, s4;
	s15 =	sor.u32 $0xC020, s4;
	s13 =	simm.s32 $0x200;
	[tilespmem:s25+$0x0] =	vst.add.f32.msk $0xffff, v2  }
0xcd: {  	s23 =	simm.s32 $0x0;
	s19 =	sor.u32 $0xA020, s4;
	[tilespmem:s14+$0x0] =	vst.add.f32.msk $0xffff, v3;
	s14 =	simm.s32 $0x8  }
.LBB2_4:
0xce: {  	s4 =	sand.u32 $0x1C00, s13;
	s17 =	sand.u32 $0x380, s14;
	[tilespmem:s16+$0x0] =	vst.add.f32.msk $0xffff, v0;
	s22 =	sadd.s32 $0x40, s22  }
0xcf: {  	s16 =	sand.u32 $0x40, s22;
	s4 =	sor.u32 s17, s4;
	[tilespmem:s19+$0x0] =	vst.add.f32.msk $0xffff, v0  }
0xd0: {  	s4 =	sor.u32 s16, s4;
	[tilespmem:s15+$0x0] =	vst.add.f32.msk $0xffff, v0  }
0xd1: {  	s23 =	sadd.s32 $0x4, s23;
	s17 =	sor.u32 $0x8000, s4;
	s18 =	sor.u32 $0xA000, s4;
	v1 =	vld [tilespmem:s4+$0x1A030]  }
0xd2: {  	p0 =	slt.u32 s23, $0x1FC;
	s20 =	sor.u32 $0xC000, s4;
	s24 =	sor.u32 $0xE000, s4;
	v2 =	vld [tilespmem:s4+$0x1A000]  }
0xd3: {  	s25 =	sor.u32 $0x8010, s4;
	s26 =	sor.u32 $0xA010, s4;
	s28 =	sor.u32 $0xC010, s4;
	v3 =	vld [tilespmem:s4+$0x1A010]  }
0xd4: {  	s29 =	sor.u32 $0xE010, s4;
	s16 =	sor.u32 $0x8020, s4;
	s19 =	sor.u32 $0xA020, s4;
	v4 =	vld [tilespmem:s4+$0x1A020]  }
0xd5: {  	s15 =	sor.u32 $0xC020, s4;
	s5 =	sor.u32 $0x8030, s4;
	[tilespmem:s12+$0x0] =	vst.add.f32.msk $0xffff, v0;
	s12 =	sor.u32 $0xE020, s4  }
0xd6: {  	[tilespmem:s5+$0x0] =	vst.add.f32.msk $0xffff, v1;
	s5 =	sor.u32 $0xA030, s4  }
0xd7: {  	[tilespmem:s5+$0x0] =	vst.add.f32.msk $0xffff, v1;
	s5 =	sor.u32 $0xC030, s4  }
0xd8: {  	s4 =	sor.u32 $0xE030, s4;
	[tilespmem:s5+$0x0] =	vst.add.f32.msk $0xffff, v1  }
0xd9: {  	[tilespmem:s4+$0x0] =	vst.add.f32.msk $0xffff, v1;
	v0 =	vmov v4  }
0xda: {  	[tilespmem:s17+$0x0] =	vst.add.f32.msk $0xffff, v2  }
0xdb: {  	[tilespmem:s18+$0x0] =	vst.add.f32.msk $0xffff, v2  }
0xdc: {  	[tilespmem:s20+$0x0] =	vst.add.f32.msk $0xffff, v2  }
.Ltmp1:
0xdd: {  	[tilespmem:s24+$0x0] =	vst.add.f32.msk $0xffff, v2;
	(pc) =	sbr.rel @p0 .LBB2_4-.Ltmp1, $4  }
0xde: {  	[tilespmem:s25+$0x0] =	vst.add.f32.msk $0xffff, v3  }
0xdf: {  	[tilespmem:s26+$0x0] =	vst.add.f32.msk $0xffff, v3  }
0xe0: {  	[tilespmem:s28+$0x0] =	vst.add.f32.msk $0xffff, v3  }
0xe1: {  	s13 =	sadd.s32 $0x200, s13;
	s14 =	sadd.s32 $0x8, s14;
	[tilespmem:s29+$0x0] =	vst.add.f32.msk $0xffff, v3  }
0xe2: {  	[tilespmem:s16+$0x0] =	vst.add.f32.msk $0xffff, v0  }
0xe3: {  	[tilespmem:s19+$0x0] =	vst.add.f32.msk $0xffff, v0  }
0xe4: {  	[tilespmem:s15+$0x0] =	vst.add.f32.msk $0xffff, v0  }
0xe5: {  	[tilespmem:s12+$0x0] =	vst.add.f32.msk $0xffff, v0  }
0xe6: {  	_ =	swait.ge [sflag:s9], $0x2000  }
0xe7: {  	[sflag:s9] =	ssyncset.done $0x0  }
0xe8: {  	[sflag:s9] =	ssyncadd.s32 $0xFFFFE000  }
0xe9: {  	_ =	swait.ge [sflag:s10], $0x2000  }
0xea: {  	[sflag:s10] =	ssyncset.done $0x0  }
0xeb: {  	[sflag:s10] =	ssyncadd.s32 $0xFFFFE000  }
0xec: {  	_ =	swait.ge [sflag:s11], $0x2000  }
0xed: {  	[sflag:s11] =	ssyncset.done $0x0  }
0xee: {  	[sflag:s11] =	ssyncadd.s32 $0xFFFFE000  }
0xef: {  	_ =	swait.ge [sflag:s30], $0x2000  }
0xf0: {  	s22 =	simm.s32 $0x0;
	[sflag:s30] =	ssyncset.done $0x0;
	s4 =	rddreg [dreg:$0x1c]  }
0xf1: {  	s5 =	simm.s32 $0x18000;
	s26 =	rddreg [dreg:$0x1d];
	[sflag:s30] =	ssyncadd.s32 $0xFFFFE000  }
0xf2: {  	[tilespmem:s5], [sflag:$0x19] =	stream.linear.gather [hbm4b:s4+s22], $0x2000, $0x38;
	[tilespmem:$0x1E000] =	vst v63  }
0xf3: {  	s28 =	rddreg [dreg:$0x1f]  }
0xf4: {  	[tilespmem:s22], [sflag:$0x1] =	stream.linear.gather [hbm4b:s26+s22], $0x2000, $0x38;
	[tilespmem:$0x1E000] =	vst v63  }
0xf5: {  	s29 =	simm.s32 $0x2000;
	s12 =	sld [smem:$0x7D2]  }
0xf6: {  	[tilespmem:s29], [sflag:$0x2] =	stream.linear.gather [hbm4b:s28+s22], $0x2000, $0x38;
	[tilespmem:$0x1E000] =	vst v63  }
0xf7: {  	s13 =	simm.s32 $0x4000;
	s14 =	sld [smem:$0x7D4]  }
0xf8: {  	[tilespmem:s13], [sflag:$0x3] =	stream.linear.gather [hbm4b:s12+s22], $0x2000, $0x38;
	[tilespmem:$0x1E000] =	vst v63  }
0xf9: {  	s15 =	simm.s32 $0x6000  }
0xfa: {  	[tilespmem:s15], [sflag:$0x4] =	stream.linear.gather [hbm4b:s14+s22], $0x2000, $0x38;
	[tilespmem:$0x1E000] =	vst v63  }
0xfb: {  	s17 =	simm.s32 $0x8000;
	s16 =	rddreg [dreg:$0x11]  }
0xfc: {  	[hbm4b:s16+s22] =	stream.linear.scatter [tilespmem:s17], [sflag:$0x11], $0x2000, $0x38;
	[tilespmem:$0x1E000] =	vst v63  }
0xfd: {  	s19 =	simm.s32 $0xA000;
	s18 =	rddreg [dreg:$0x12]  }
0xfe: {  	[hbm4b:s18+s22] =	stream.linear.scatter [tilespmem:s19], [sflag:$0x12], $0x2000, $0x38;
	[tilespmem:$0x1E000] =	vst v63  }
0xff: {  	s23 =	simm.s32 $0xC000;
	s20 =	rddreg [dreg:$0x13]  }
0x100: {  	[hbm4b:s20+s22] =	stream.linear.scatter [tilespmem:s23], [sflag:$0x13], $0x2000, $0x38;
	[tilespmem:$0x1E000] =	vst v63  }
0x101: {  	s25 =	simm.s32 $0xE000;
	s24 =	rddreg [dreg:$0x14];
	s26 =	simm.s32 $0x1B  }
0x102: {  	[hbm4b:s24+s22] =	stream.linear.scatter [tilespmem:s25], [sflag:$0x14], $0x2000, $0x38;
	[tilespmem:$0x1E000] =	vst v63  }
0x103: {  	_ =	swait.ge [sflag:s26], $0x2000  }
0x104: {  	[sflag:s26] =	ssyncset.done $0x0  }
0x105: {  	s28 =	simm.s32 $0x9;
	[sflag:s26] =	ssyncadd.s32 $0xFFFFE000  }
0x106: {  	_ =	swait.ge [sflag:s28], $0x2000  }
0x107: {  	[sflag:s28] =	ssyncset.done $0x0  }
0x108: {  	s29 =	simm.s32 $0xA;
	[sflag:s28] =	ssyncadd.s32 $0xFFFFE000  }
0x109: {  	_ =	swait.ge [sflag:s29], $0x2000  }
0x10a: {  	[sflag:s29] =	ssyncset.done $0x0  }
0x10b: {  	s5 =	simm.s32 $0xB;
	[sflag:s29] =	ssyncadd.s32 $0xFFFFE000  }
0x10c: {  	_ =	swait.ge [sflag:s5], $0x2000  }
0x10d: {  	[sflag:s5] =	ssyncset.done $0x0  }
0x10e: {  	s13 =	simm.s32 $0xC;
	[sflag:s5] =	ssyncadd.s32 $0xFFFFE000  }
0x10f: {  	s12 =	sand.u32 $0x1C00, s22;
	s14 =	sand.u32 $0x380, s22;
	_ =	swait.ge [sflag:s13], $0x2000  }
0x110: {  	s15 =	sand.u32 $0x40, s22;
	s4 =	sor.u32 s14, s12;
	[sflag:s13] =	ssyncset.done $0x0  }
0x111: {  	s4 =	sor.u32 s15, s4;
	[sflag:s13] =	ssyncadd.s32 $0xFFFFE000  }
0x112: {  	v1 =	vld [tilespmem:s4+$0x1C030]  }
0x113: {  	v2 =	vld [tilespmem:s4+$0x1C000]  }
0x114: {  	v3 =	vld [tilespmem:s4+$0x1C010];
	_ =	sdelay $0x1  }
0x115: {  	s16 =	sor.u32 $0x10030, s4;
	v0 =	vld [tilespmem:s4+$0x1C020]  }
0x116: {  	s12 =	sor.u32 $0x10000, s4;
	[tilespmem:s16+$0x0] =	vst.add.f32.msk $0xffff, v1  }
0x117: {  	s25 =	sor.u32 $0x10010, s4;
	[tilespmem:s12+$0x0] =	vst.add.f32.msk $0xffff, v2  }
0x118: {  	s17 =	sor.u32 $0x12030, s4;
	[tilespmem:s25+$0x0] =	vst.add.f32.msk $0xffff, v3  }
0x119: {  	s20 =	sor.u32 $0x12000, s4;
	[tilespmem:s17+$0x0] =	vst.add.f32.msk $0xffff, v1  }
0x11a: {  	s26 =	sor.u32 $0x12010, s4;
	[tilespmem:s20+$0x0] =	vst.add.f32.msk $0xffff, v2  }
0x11b: {  	s18 =	sor.u32 $0x14030, s4;
	[tilespmem:s26+$0x0] =	vst.add.f32.msk $0xffff, v3  }
0x11c: {  	s23 =	sor.u32 $0x14000, s4;
	[tilespmem:s18+$0x0] =	vst.add.f32.msk $0xffff, v1  }
0x11d: {  	s28 =	sor.u32 $0x14010, s4;
	[tilespmem:s23+$0x0] =	vst.add.f32.msk $0xffff, v2  }
0x11e: {  	s19 =	sor.u32 $0x16030, s4;
	[tilespmem:s28+$0x0] =	vst.add.f32.msk $0xffff, v3  }
0x11f: {  	s14 =	simm.s32 $0x8;
	s15 =	sor.u32 $0x14020, s4;
	s24 =	sor.u32 $0x16000, s4;
	[tilespmem:s19+$0x0] =	vst.add.f32.msk $0xffff, v1  }
0x120: {  	s29 =	sor.u32 $0x16010, s4;
	s13 =	simm.s32 $0x200;
	s16 =	sor.u32 $0x10020, s4;
	[tilespmem:s24+$0x0] =	vst.add.f32.msk $0xffff, v2  }
0x121: {  	s12 =	sor.u32 $0x16020, s4;
	s23 =	simm.s32 $0x0;
	s19 =	sor.u32 $0x12020, s4;
	[tilespmem:s29+$0x0] =	vst.add.f32.msk $0xffff, v3  }
.LBB2_6:
0x122: {  	s4 =	sand.u32 $0x1C00, s13;
	s5 =	sand.u32 $0x380, s14;
	[tilespmem:s16+$0x0] =	vst.add.f32.msk $0xffff, v0;
	s22 =	sadd.s32 $0x40, s22  }
0x123: {  	s16 =	sand.u32 $0x40, s22;
	s4 =	sor.u32 s5, s4;
	[tilespmem:s19+$0x0] =	vst.add.f32.msk $0xffff, v0  }
0x124: {  	s4 =	sor.u32 s16, s4;
	[tilespmem:s15+$0x0] =	vst.add.f32.msk $0xffff, v0  }
0x125: {  	s23 =	sadd.s32 $0x4, s23;
	s5 =	sor.u32 $0x10000, s4;
	s17 =	sor.u32 $0x12000, s4;
	v1 =	vld [tilespmem:s4+$0x1C030]  }
0x126: {  	p0 =	slt.u32 s23, $0x1FC;
	s18 =	sor.u32 $0x14000, s4;
	s20 =	sor.u32 $0x16000, s4;
	v2 =	vld [tilespmem:s4+$0x1C000]  }
0x127: {  	s24 =	sor.u32 $0x10010, s4;
	s25 =	sor.u32 $0x12010, s4;
	s26 =	sor.u32 $0x14010, s4;
	v3 =	vld [tilespmem:s4+$0x1C010]  }
0x128: {  	s28 =	sor.u32 $0x16010, s4;
	s16 =	sor.u32 $0x10020, s4;
	s19 =	sor.u32 $0x12020, s4;
	v4 =	vld [tilespmem:s4+$0x1C020]  }
0x129: {  	s15 =	sor.u32 $0x14020, s4;
	s29 =	sor.u32 $0x10030, s4;
	[tilespmem:s12+$0x0] =	vst.add.f32.msk $0xffff, v0;
	s12 =	sor.u32 $0x16020, s4  }
0x12a: {  	[tilespmem:s29+$0x0] =	vst.add.f32.msk $0xffff, v1;
	s29 =	sor.u32 $0x12030, s4  }
0x12b: {  	[tilespmem:s29+$0x0] =	vst.add.f32.msk $0xffff, v1;
	s29 =	sor.u32 $0x14030, s4  }
0x12c: {  	s4 =	sor.u32 $0x16030, s4;
	[tilespmem:s29+$0x0] =	vst.add.f32.msk $0xffff, v1  }
0x12d: {  	[tilespmem:s4+$0x0] =	vst.add.f32.msk $0xffff, v1;
	v0 =	vmov v4  }
0x12e: {  	[tilespmem:s5+$0x0] =	vst.add.f32.msk $0xffff, v2  }
0x12f: {  	[tilespmem:s17+$0x0] =	vst.add.f32.msk $0xffff, v2  }
0x130: {  	[tilespmem:s18+$0x0] =	vst.add.f32.msk $0xffff, v2  }
.Ltmp2:
0x131: {  	[tilespmem:s20+$0x0] =	vst.add.f32.msk $0xffff, v2;
	(pc) =	sbr.rel @p0 .LBB2_6-.Ltmp2, $4  }
0x132: {  	[tilespmem:s24+$0x0] =	vst.add.f32.msk $0xffff, v3  }
0x133: {  	[tilespmem:s25+$0x0] =	vst.add.f32.msk $0xffff, v3  }
0x134: {  	[tilespmem:s26+$0x0] =	vst.add.f32.msk $0xffff, v3  }
0x135: {  	s13 =	sadd.s32 $0x200, s13;
	s14 =	sadd.s32 $0x8, s14;
	[tilespmem:s28+$0x0] =	vst.add.f32.msk $0xffff, v3  }
0x136: {  	[tilespmem:s16+$0x0] =	vst.add.f32.msk $0xffff, v0  }
0x137: {  	[tilespmem:s19+$0x0] =	vst.add.f32.msk $0xffff, v0  }
0x138: {  	[tilespmem:s15+$0x0] =	vst.add.f32.msk $0xffff, v0  }
0x139: {  	[tilespmem:s12+$0x0] =	vst.add.f32.msk $0xffff, v0  }
0x13a: {  	_ =	swait.ge [sflag:s31], $0x2000  }
0x13b: {  	[sflag:s31] =	ssyncset.done $0x0  }
0x13c: {  	[sflag:s31] =	ssyncadd.s32 $0xFFFFE000  }
0x13d: {  	_ =	swait.ge [sflag:s0], $0x2000  }
0x13e: {  	[sflag:s0] =	ssyncset.done $0x0  }
0x13f: {  	[sflag:s0] =	ssyncadd.s32 $0xFFFFE000  }
0x140: {  	_ =	swait.ge [sflag:s2], $0x2000  }
0x141: {  	[sflag:s2] =	ssyncset.done $0x0  }
0x142: {  	[sflag:s2] =	ssyncadd.s32 $0xFFFFE000  }
0x143: {  	_ =	swait.ge [sflag:s3], $0x2000  }
0x144: {  	s4 =	sld [smem:$0x7D6]  }
0x145: {  	s22 =	simm.s32 $0x0;
	[sflag:s3] =	ssyncset.done $0x0  }
0x146: {  	s5 =	simm.s32 $0x1A000;
	s28 =	sld [smem:$0x7D7];
	[sflag:s3] =	ssyncadd.s32 $0xFFFFE000  }
0x147: {  	[tilespmem:s5], [sflag:$0x1A] =	stream.linear.gather [hbm4b:s4+s22], $0x2000, $0x38;
	[tilespmem:$0x1E000] =	vst v63  }
0x148: {  	s29 =	simm.s32 $0x8000;
	s12 =	sld [smem:$0x7D9]  }
0x149: {  	[tilespmem:s29], [sflag:$0x5] =	stream.linear.gather [hbm4b:s28+s22], $0x2000, $0x38;
	[tilespmem:$0x1E000] =	vst v63  }
0x14a: {  	s13 =	simm.s32 $0xA000;
	s14 =	sld [smem:$0x7DB]  }
0x14b: {  	[tilespmem:s13], [sflag:$0x6] =	stream.linear.gather [hbm4b:s12+s22], $0x2000, $0x38;
	[tilespmem:$0x1E000] =	vst v63  }
0x14c: {  	s15 =	simm.s32 $0xC000;
	s16 =	sld [smem:$0x7DD]  }
0x14d: {  	[tilespmem:s15], [sflag:$0x7] =	stream.linear.gather [hbm4b:s14+s22], $0x2000, $0x38;
	[tilespmem:$0x1E000] =	vst v63  }
0x14e: {  	s17 =	simm.s32 $0xE000  }
0x14f: {  	[tilespmem:s17], [sflag:$0x8] =	stream.linear.gather [hbm4b:s16+s22], $0x2000, $0x38;
	[tilespmem:$0x1E000] =	vst v63  }
0x150: {  	s19 =	simm.s32 $0x10000;
	s18 =	rddreg [dreg:$0x15]  }
0x151: {  	[hbm4b:s18+s22] =	stream.linear.scatter [tilespmem:s19], [sflag:$0x15], $0x2000, $0x38;
	[tilespmem:$0x1E000] =	vst v63  }
0x152: {  	s23 =	simm.s32 $0x12000;
	s20 =	rddreg [dreg:$0x17]  }
0x153: {  	[hbm4b:s20+s22] =	stream.linear.scatter [tilespmem:s23], [sflag:$0x16], $0x2000, $0x38;
	[tilespmem:$0x1E000] =	vst v63  }
0x154: {  	s25 =	simm.s32 $0x14000;
	s24 =	rddreg [dreg:$0x19]  }
0x155: {  	[hbm4b:s24+s22] =	stream.linear.scatter [tilespmem:s25], [sflag:$0x17], $0x2000, $0x38;
	[tilespmem:$0x1E000] =	vst v63  }
0x156: {  	s26 =	rddreg [dreg:$0x1b];
	s28 =	simm.s32 $0x16000;
	s29 =	simm.s32 $0x19  }
0x157: {  	[hbm4b:s26+s22] =	stream.linear.scatter [tilespmem:s28], [sflag:$0x18], $0x2000, $0x38;
	[tilespmem:$0x1E000] =	vst v63  }
0x158: {  	_ =	swait.ge [sflag:s29], $0x2000  }
0x159: {  	[sflag:s29] =	ssyncset.done $0x0  }
0x15a: {  	s5 =	simm.s32 $0x1;
	[sflag:s29] =	ssyncadd.s32 $0xFFFFE000  }
0x15b: {  	_ =	swait.ge [sflag:s5], $0x2000  }
0x15c: {  	[sflag:s5] =	ssyncset.done $0x0  }
0x15d: {  	s12 =	simm.s32 $0x2;
	[sflag:s5] =	ssyncadd.s32 $0xFFFFE000  }
0x15e: {  	_ =	swait.ge [sflag:s12], $0x2000  }
0x15f: {  	[sflag:s12] =	ssyncset.done $0x0  }
0x160: {  	s13 =	simm.s32 $0x3;
	[sflag:s12] =	ssyncadd.s32 $0xFFFFE000  }
0x161: {  	_ =	swait.ge [sflag:s13], $0x2000  }
0x162: {  	[sflag:s13] =	ssyncset.done $0x0  }
0x163: {  	[sflag:s13] =	ssyncadd.s32 $0xFFFFE000;
	s13 =	simm.s32 $0x4  }
0x164: {  	s14 =	sand.u32 $0x1C00, s22;
	s15 =	sand.u32 $0x380, s22;
	_ =	swait.ge [sflag:s13], $0x2000  }
0x165: {  	s4 =	sor.u32 s15, s14;
	s16 =	sand.u32 $0x40, s22;
	[sflag:s13] =	ssyncset.done $0x0  }
0x166: {  	s4 =	sor.u32 s16, s4;
	[sflag:s13] =	ssyncadd.s32 $0xFFFFE000  }
0x167: {  	v1 =	vld [tilespmem:s4+$0x18030]  }
0x168: {  	v2 =	vld [tilespmem:s4+$0x18000]  }
0x169: {  	v3 =	vld [tilespmem:s4+$0x18010];
	_ =	sdelay $0x1  }
0x16a: {  	s17 =	sor.u32 $0x30, s4;
	v0 =	vld [tilespmem:s4+$0x18020]  }
0x16b: {  	[tilespmem:s17+$0x0] =	vst.add.f32.msk $0xffff, v1  }
0x16c: {  	s25 =	sor.u32 $0x10, s4;
	[tilespmem:s4+$0x0] =	vst.add.f32.msk $0xffff, v2  }
0x16d: {  	s18 =	sor.u32 $0x2030, s4;
	[tilespmem:s25+$0x0] =	vst.add.f32.msk $0xffff, v3  }
0x16e: {  	s23 =	sor.u32 $0x2000, s4;
	[tilespmem:s18+$0x0] =	vst.add.f32.msk $0xffff, v1  }
0x16f: {  	s26 =	sor.u32 $0x2010, s4;
	[tilespmem:s23+$0x0] =	vst.add.f32.msk $0xffff, v2  }
0x170: {  	s19 =	sor.u32 $0x4030, s4;
	[tilespmem:s26+$0x0] =	vst.add.f32.msk $0xffff, v3  }
0x171: {  	s12 =	sor.u32 $0x4000, s4;
	[tilespmem:s19+$0x0] =	vst.add.f32.msk $0xffff, v1  }
0x172: {  	s28 =	sor.u32 $0x4010, s4;
	[tilespmem:s12+$0x0] =	vst.add.f32.msk $0xffff, v2  }
0x173: {  	s20 =	sor.u32 $0x6030, s4;
	[tilespmem:s28+$0x0] =	vst.add.f32.msk $0xffff, v3  }
0x174: {  	s14 =	simm.s32 $0x8;
	s16 =	sor.u32 $0x20, s4;
	s24 =	sor.u32 $0x6000, s4;
	[tilespmem:s20+$0x0] =	vst.add.f32.msk $0xffff, v1  }
0x175: {  	s15 =	sor.u32 $0x4020, s4;
	s29 =	sor.u32 $0x6010, s4;
	s13 =	simm.s32 $0x200;
	[tilespmem:s24+$0x0] =	vst.add.f32.msk $0xffff, v2  }
0x176: {  	s23 =	simm.s32 $0x0;
	s19 =	sor.u32 $0x2020, s4;
	s12 =	sor.u32 $0x6020, s4;
	[tilespmem:s29+$0x0] =	vst.add.f32.msk $0xffff, v3  }
.LBB2_8:
0x177: {  	s4 =	sand.u32 $0x1C00, s13;
	s5 =	sand.u32 $0x380, s14;
	[tilespmem:s16+$0x0] =	vst.add.f32.msk $0xffff, v0;
	s22 =	sadd.s32 $0x40, s22  }
0x178: {  	s16 =	sand.u32 $0x40, s22;
	s4 =	sor.u32 s5, s4;
	[tilespmem:s19+$0x0] =	vst.add.f32.msk $0xffff, v0  }
0x179: {  	s4 =	sor.u32 s16, s4;
	[tilespmem:s15+$0x0] =	vst.add.f32.msk $0xffff, v0  }
0x17a: {  	s23 =	sadd.s32 $0x4, s23;
	s5 =	sor.u32 $0x2000, s4;
	s17 =	sor.u32 $0x4000, s4;
	v1 =	vld [tilespmem:s4+$0x18030]  }
0x17b: {  	p0 =	slt.u32 s23, $0x1FC;
	s18 =	sor.u32 $0x6000, s4;
	s20 =	sor.u32 $0x10, s4;
	v2 =	vld [tilespmem:s4+$0x18000]  }
0x17c: {  	s24 =	sor.u32 $0x2010, s4;
	s25 =	sor.u32 $0x4010, s4;
	s26 =	sor.u32 $0x6010, s4;
	v3 =	vld [tilespmem:s4+$0x18010]  }
0x17d: {  	s16 =	sor.u32 $0x20, s4;
	s19 =	sor.u32 $0x2020, s4;
	s15 =	sor.u32 $0x4020, s4;
	v4 =	vld [tilespmem:s4+$0x18020]  }
0x17e: {  	s28 =	sor.u32 $0x30, s4;
	[tilespmem:s12+$0x0] =	vst.add.f32.msk $0xffff, v0;
	s12 =	sor.u32 $0x6020, s4  }
0x17f: {  	[tilespmem:s28+$0x0] =	vst.add.f32.msk $0xffff, v1;
	s28 =	sor.u32 $0x2030, s4  }
0x180: {  	[tilespmem:s28+$0x0] =	vst.add.f32.msk $0xffff, v1;
	s28 =	sor.u32 $0x4030, s4  }
0x181: {  	[tilespmem:s28+$0x0] =	vst.add.f32.msk $0xffff, v1;
	s28 =	sor.u32 $0x6030, s4  }
0x182: {  	[tilespmem:s28+$0x0] =	vst.add.f32.msk $0xffff, v1;
	v0 =	vmov v4  }
0x183: {  	[tilespmem:s4+$0x0] =	vst.add.f32.msk $0xffff, v2  }
0x184: {  	[tilespmem:s5+$0x0] =	vst.add.f32.msk $0xffff, v2  }
0x185: {  	[tilespmem:s17+$0x0] =	vst.add.f32.msk $0xffff, v2  }
.Ltmp3:
0x186: {  	[tilespmem:s18+$0x0] =	vst.add.f32.msk $0xffff, v2;
	(pc) =	sbr.rel @p0 .LBB2_8-.Ltmp3, $4  }
0x187: {  	[tilespmem:s20+$0x0] =	vst.add.f32.msk $0xffff, v3  }
0x188: {  	[tilespmem:s24+$0x0] =	vst.add.f32.msk $0xffff, v3  }
0x189: {  	[tilespmem:s25+$0x0] =	vst.add.f32.msk $0xffff, v3  }
0x18a: {  	s13 =	sadd.s32 $0x200, s13;
	s14 =	sadd.s32 $0x8, s14;
	[tilespmem:s26+$0x0] =	vst.add.f32.msk $0xffff, v3  }
0x18b: {  	[tilespmem:s16+$0x0] =	vst.add.f32.msk $0xffff, v0  }
0x18c: {  	[tilespmem:s19+$0x0] =	vst.add.f32.msk $0xffff, v0  }
0x18d: {  	[tilespmem:s15+$0x0] =	vst.add.f32.msk $0xffff, v0  }
0x18e: {  	s4 =	simm.s32 $0x15;
	[tilespmem:s12+$0x0] =	vst.add.f32.msk $0xffff, v0  }
0x18f: {  	_ =	swait.ge [sflag:s4], $0x2000  }
0x190: {  	[sflag:s4] =	ssyncset.done $0x0  }
0x191: {  	s25 =	simm.s32 $0x16;
	[sflag:s4] =	ssyncadd.s32 $0xFFFFE000  }
0x192: {  	_ =	swait.ge [sflag:s25], $0x2000  }
0x193: {  	[sflag:s25] =	ssyncset.done $0x0  }
0x194: {  	s26 =	simm.s32 $0x17;
	[sflag:s25] =	ssyncadd.s32 $0xFFFFE000  }
0x195: {  	_ =	swait.ge [sflag:s26], $0x2000  }
0x196: {  	[sflag:s26] =	ssyncset.done $0x0  }
0x197: {  	s28 =	simm.s32 $0x18;
	[sflag:s26] =	ssyncadd.s32 $0xFFFFE000  }
0x198: {  	_ =	swait.ge [sflag:s28], $0x2000  }
0x199: {  	s29 =	sld [smem:$0x7E0]  }
0x19a: {  	s22 =	simm.s32 $0x0;
	[sflag:s28] =	ssyncset.done $0x0  }
0x19b: {  	s5 =	simm.s32 $0x1C000;
	s12 =	sld [smem:$0x7E5];
	[sflag:s28] =	ssyncadd.s32 $0xFFFFE000  }
0x19c: {  	[tilespmem:s5], [sflag:$0x1B] =	stream.linear.gather [hbm4b:s29+s22], $0x2000, $0x38;
	[tilespmem:$0x1E000] =	vst v63  }
0x19d: {  	s13 =	simm.s32 $0x10000;
	s14 =	sld [smem:$0x7E6]  }
0x19e: {  	[tilespmem:s13], [sflag:$0x9] =	stream.linear.gather [hbm4b:s12+s22], $0x2000, $0x38;
	[tilespmem:$0x1E000] =	vst v63  }
0x19f: {  	s15 =	simm.s32 $0x12000;
	s16 =	sld [smem:$0x7E7]  }
0x1a0: {  	[tilespmem:s15], [sflag:$0xA] =	stream.linear.gather [hbm4b:s14+s22], $0x2000, $0x38;
	[tilespmem:$0x1E000] =	vst v63  }
0x1a1: {  	s17 =	simm.s32 $0x14000;
	s18 =	sld [smem:$0x7E8]  }
0x1a2: {  	[tilespmem:s17], [sflag:$0xB] =	stream.linear.gather [hbm4b:s16+s22], $0x2000, $0x38;
	[tilespmem:$0x1E000] =	vst v63  }
0x1a3: {  	s19 =	simm.s32 $0x16000;
	s20 =	rddreg [dreg:$0x1e]  }
0x1a4: {  	[tilespmem:s19], [sflag:$0xC] =	stream.linear.gather [hbm4b:s18+s22], $0x2000, $0x38;
	[tilespmem:$0x1E000] =	vst v63  }
0x1a5: {  	s23 =	sld [smem:$0x7D1]  }
0x1a6: {  	[hbm4b:s20+s22] =	stream.linear.scatter [tilespmem:s22], [sflag:$0xD], $0x2000, $0x38;
	[tilespmem:$0x1E000] =	vst v63  }
0x1a7: {  	s24 =	simm.s32 $0x2000;
	s25 =	sld [smem:$0x7D3]  }
0x1a8: {  	[hbm4b:s23+s22] =	stream.linear.scatter [tilespmem:s24], [sflag:$0xE], $0x2000, $0x38;
	[tilespmem:$0x1E000] =	vst v63  }
0x1a9: {  	s26 =	simm.s32 $0x4000;
	s28 =	sld [smem:$0x7D5]  }
0x1aa: {  	[hbm4b:s25+s22] =	stream.linear.scatter [tilespmem:s26], [sflag:$0xF], $0x2000, $0x38;
	[tilespmem:$0x1E000] =	vst v63  }
0x1ab: {  	s29 =	simm.s32 $0x6000;
	s12 =	simm.s32 $0x1A  }
0x1ac: {  	[hbm4b:s28+s22] =	stream.linear.scatter [tilespmem:s29], [sflag:$0x10], $0x2000, $0x38;
	[tilespmem:$0x1E000] =	vst v63  }
0x1ad: {  	_ =	swait.ge [sflag:s12], $0x2000  }
0x1ae: {  	[sflag:s12] =	ssyncset.done $0x0  }
0x1af: {  	s13 =	simm.s32 $0x5;
	[sflag:s12] =	ssyncadd.s32 $0xFFFFE000  }
0x1b0: {  	_ =	swait.ge [sflag:s13], $0x2000  }
0x1b1: {  	[sflag:s13] =	ssyncset.done $0x0  }
0x1b2: {  	[sflag:s13] =	ssyncadd.s32 $0xFFFFE000  }
0x1b3: {  	_ =	swait.ge [sflag:s6], $0x2000  }
0x1b4: {  	[sflag:s6] =	ssyncset.done $0x0  }
0x1b5: {  	[sflag:s6] =	ssyncadd.s32 $0xFFFFE000  }
0x1b6: {  	_ =	swait.ge [sflag:s7], $0x2000  }
0x1b7: {  	[sflag:s7] =	ssyncset.done $0x0  }
0x1b8: {  	[sflag:s7] =	ssyncadd.s32 $0xFFFFE000  }
0x1b9: {  	s14 =	sand.u32 $0x1C00, s22;
	s15 =	sand.u32 $0x380, s22;
	_ =	swait.ge [sflag:s8], $0x2000  }
0x1ba: {  	s4 =	sor.u32 s15, s14;
	s16 =	sand.u32 $0x40, s22;
	[sflag:s8] =	ssyncset.done $0x0  }
0x1bb: {  	s4 =	sor.u32 s16, s4;
	[sflag:s8] =	ssyncadd.s32 $0xFFFFE000  }
0x1bc: {  	v1 =	vld [tilespmem:s4+$0x1A030]  }
0x1bd: {  	v2 =	vld [tilespmem:s4+$0x1A000]  }
0x1be: {  	v3 =	vld [tilespmem:s4+$0x1A010];
	_ =	sdelay $0x1  }
0x1bf: {  	s17 =	sor.u32 $0x8030, s4;
	v0 =	vld [tilespmem:s4+$0x1A020]  }
0x1c0: {  	s12 =	sor.u32 $0x8000, s4;
	[tilespmem:s17+$0x0] =	vst.add.f32.msk $0xffff, v1  }
0x1c1: {  	s26 =	sor.u32 $0x8010, s4;
	[tilespmem:s12+$0x0] =	vst.add.f32.msk $0xffff, v2  }
0x1c2: {  	s18 =	sor.u32 $0xA030, s4;
	[tilespmem:s26+$0x0] =	vst.add.f32.msk $0xffff, v3  }
0x1c3: {  	s23 =	sor.u32 $0xA000, s4;
	[tilespmem:s18+$0x0] =	vst.add.f32.msk $0xffff, v1  }
0x1c4: {  	s28 =	sor.u32 $0xA010, s4;
	[tilespmem:s23+$0x0] =	vst.add.f32.msk $0xffff, v2  }
0x1c5: {  	s19 =	sor.u32 $0xC030, s4;
	[tilespmem:s28+$0x0] =	vst.add.f32.msk $0xffff, v3  }
0x1c6: {  	s24 =	sor.u32 $0xC000, s4;
	[tilespmem:s19+$0x0] =	vst.add.f32.msk $0xffff, v1  }
0x1c7: {  	s29 =	sor.u32 $0xC010, s4;
	[tilespmem:s24+$0x0] =	vst.add.f32.msk $0xffff, v2  }
0x1c8: {  	s20 =	sor.u32 $0xE030, s4;
	[tilespmem:s29+$0x0] =	vst.add.f32.msk $0xffff, v3  }
0x1c9: {  	s14 =	simm.s32 $0x8;
	s16 =	sor.u32 $0x8020, s4;
	s25 =	sor.u32 $0xE000, s4;
	[tilespmem:s20+$0x0] =	vst.add.f32.msk $0xffff, v1  }
0x1ca: {  	s15 =	sor.u32 $0xC020, s4;
	s13 =	sor.u32 $0xE010, s4;
	s12 =	sor.u32 $0xE020, s4;
	[tilespmem:s25+$0x0] =	vst.add.f32.msk $0xffff, v2  }
0x1cb: {  	s23 =	simm.s32 $0x0;
	s19 =	sor.u32 $0xA020, s4;
	[tilespmem:s13+$0x0] =	vst.add.f32.msk $0xffff, v3;
	s13 =	simm.s32 $0x200  }
.LBB2_10:
0x1cc: {  	s4 =	sand.u32 $0x1C00, s13;
	s5 =	sand.u32 $0x380, s14;
	[tilespmem:s16+$0x0] =	vst.add.f32.msk $0xffff, v0;
	s22 =	sadd.s32 $0x40, s22  }
0x1cd: {  	s16 =	sand.u32 $0x40, s22;
	s4 =	sor.u32 s5, s4;
	[tilespmem:s19+$0x0] =	vst.add.f32.msk $0xffff, v0  }
0x1ce: {  	s4 =	sor.u32 s16, s4;
	[tilespmem:s15+$0x0] =	vst.add.f32.msk $0xffff, v0  }
0x1cf: {  	s23 =	sadd.s32 $0x4, s23;
	s5 =	sor.u32 $0x8000, s4;
	s17 =	sor.u32 $0xA000, s4;
	v1 =	vld [tilespmem:s4+$0x1A030]  }
0x1d0: {  	p0 =	slt.u32 s23, $0x1FC;
	s18 =	sor.u32 $0xC000, s4;
	s20 =	sor.u32 $0xE000, s4;
	v2 =	vld [tilespmem:s4+$0x1A000]  }
0x1d1: {  	s24 =	sor.u32 $0x8010, s4;
	s25 =	sor.u32 $0xA010, s4;
	s26 =	sor.u32 $0xC010, s4;
	v3 =	vld [tilespmem:s4+$0x1A010]  }
0x1d2: {  	s28 =	sor.u32 $0xE010, s4;
	s16 =	sor.u32 $0x8020, s4;
	s19 =	sor.u32 $0xA020, s4;
	v4 =	vld [tilespmem:s4+$0x1A020]  }
0x1d3: {  	s15 =	sor.u32 $0xC020, s4;
	s29 =	sor.u32 $0x8030, s4;
	[tilespmem:s12+$0x0] =	vst.add.f32.msk $0xffff, v0;
	s12 =	sor.u32 $0xE020, s4  }
0x1d4: {  	[tilespmem:s29+$0x0] =	vst.add.f32.msk $0xffff, v1;
	s29 =	sor.u32 $0xA030, s4  }
0x1d5: {  	[tilespmem:s29+$0x0] =	vst.add.f32.msk $0xffff, v1;
	s29 =	sor.u32 $0xC030, s4  }
0x1d6: {  	s4 =	sor.u32 $0xE030, s4;
	[tilespmem:s29+$0x0] =	vst.add.f32.msk $0xffff, v1  }
0x1d7: {  	[tilespmem:s4+$0x0] =	vst.add.f32.msk $0xffff, v1;
	v0 =	vmov v4  }
0x1d8: {  	[tilespmem:s5+$0x0] =	vst.add.f32.msk $0xffff, v2  }
0x1d9: {  	[tilespmem:s17+$0x0] =	vst.add.f32.msk $0xffff, v2  }
0x1da: {  	[tilespmem:s18+$0x0] =	vst.add.f32.msk $0xffff, v2  }
.Ltmp4:
0x1db: {  	[tilespmem:s20+$0x0] =	vst.add.f32.msk $0xffff, v2;
	(pc) =	sbr.rel @p0 .LBB2_10-.Ltmp4, $4  }
0x1dc: {  	[tilespmem:s24+$0x0] =	vst.add.f32.msk $0xffff, v3  }
0x1dd: {  	[tilespmem:s25+$0x0] =	vst.add.f32.msk $0xffff, v3  }
0x1de: {  	[tilespmem:s26+$0x0] =	vst.add.f32.msk $0xffff, v3  }
0x1df: {  	s13 =	sadd.s32 $0x200, s13;
	s14 =	sadd.s32 $0x8, s14;
	[tilespmem:s28+$0x0] =	vst.add.f32.msk $0xffff, v3  }
0x1e0: {  	[tilespmem:s16+$0x0] =	vst.add.f32.msk $0xffff, v0  }
0x1e1: {  	[tilespmem:s19+$0x0] =	vst.add.f32.msk $0xffff, v0  }
0x1e2: {  	[tilespmem:s15+$0x0] =	vst.add.f32.msk $0xffff, v0  }
0x1e3: {  	[tilespmem:s12+$0x0] =	vst.add.f32.msk $0xffff, v0  }
0x1e4: {  	_ =	swait.ge [sflag:s9], $0x2000  }
0x1e5: {  	[sflag:s9] =	ssyncset.done $0x0  }
0x1e6: {  	[sflag:s9] =	ssyncadd.s32 $0xFFFFE000  }
0x1e7: {  	_ =	swait.ge [sflag:s10], $0x2000  }
0x1e8: {  	[sflag:s10] =	ssyncset.done $0x0  }
0x1e9: {  	[sflag:s10] =	ssyncadd.s32 $0xFFFFE000  }
0x1ea: {  	_ =	swait.ge [sflag:s11], $0x2000  }
0x1eb: {  	[sflag:s11] =	ssyncset.done $0x0  }
0x1ec: {  	[sflag:s11] =	ssyncadd.s32 $0xFFFFE000  }
0x1ed: {  	_ =	swait.ge [sflag:s30], $0x2000  }
0x1ee: {  	s4 =	sld [smem:$0x7E1]  }
0x1ef: {  	s22 =	simm.s32 $0x0;
	[sflag:s30] =	ssyncset.done $0x0  }
0x1f0: {  	s5 =	simm.s32 $0x18000;
	s26 =	sld [smem:$0x7E9];
	[sflag:s30] =	ssyncadd.s32 $0xFFFFE000  }
0x1f1: {  	[tilespmem:s5], [sflag:$0x19] =	stream.linear.gather [hbm4b:s4+s22], $0x2000, $0x38;
	[tilespmem:$0x1E000] =	vst v63  }
0x1f2: {  	s28 =	sld [smem:$0x7EA]  }
0x1f3: {  	[tilespmem:s22], [sflag:$0x1] =	stream.linear.gather [hbm4b:s26+s22], $0x2000, $0x38;
	[tilespmem:$0x1E000] =	vst v63  }
0x1f4: {  	s29 =	simm.s32 $0x2000;
	s12 =	sld [smem:$0x7EB]  }
0x1f5: {  	[tilespmem:s29], [sflag:$0x2] =	stream.linear.gather [hbm4b:s28+s22], $0x2000, $0x38;
	[tilespmem:$0x1E000] =	vst v63  }
0x1f6: {  	s13 =	simm.s32 $0x4000;
	s14 =	sld [smem:$0x7EC]  }
0x1f7: {  	[tilespmem:s13], [sflag:$0x3] =	stream.linear.gather [hbm4b:s12+s22], $0x2000, $0x38;
	[tilespmem:$0x1E000] =	vst v63  }
0x1f8: {  	s15 =	simm.s32 $0x6000;
	s16 =	sld [smem:$0x7D8]  }
0x1f9: {  	[tilespmem:s15], [sflag:$0x4] =	stream.linear.gather [hbm4b:s14+s22], $0x2000, $0x38;
	[tilespmem:$0x1E000] =	vst v63  }
0x1fa: {  	s17 =	simm.s32 $0x8000;
	s18 =	sld [smem:$0x7DA]  }
0x1fb: {  	[hbm4b:s16+s22] =	stream.linear.scatter [tilespmem:s17], [sflag:$0x11], $0x2000, $0x38;
	[tilespmem:$0x1E000] =	vst v63  }
0x1fc: {  	s19 =	simm.s32 $0xA000;
	s20 =	sld [smem:$0x7DC]  }
0x1fd: {  	[hbm4b:s18+s22] =	stream.linear.scatter [tilespmem:s19], [sflag:$0x12], $0x2000, $0x38;
	[tilespmem:$0x1E000] =	vst v63  }
0x1fe: {  	s23 =	simm.s32 $0xC000;
	s24 =	sld [smem:$0x7DE]  }
0x1ff: {  	[hbm4b:s20+s22] =	stream.linear.scatter [tilespmem:s23], [sflag:$0x13], $0x2000, $0x38;
	[tilespmem:$0x1E000] =	vst v63  }
0x200: {  	s25 =	simm.s32 $0xE000;
	s26 =	simm.s32 $0x1B  }
0x201: {  	[hbm4b:s24+s22] =	stream.linear.scatter [tilespmem:s25], [sflag:$0x14], $0x2000, $0x38;
	[tilespmem:$0x1E000] =	vst v63  }
0x202: {  	_ =	swait.ge [sflag:s26], $0x2000  }
0x203: {  	[sflag:s26] =	ssyncset.done $0x0  }
0x204: {  	s28 =	simm.s32 $0x9;
	[sflag:s26] =	ssyncadd.s32 $0xFFFFE000  }
0x205: {  	_ =	swait.ge [sflag:s28], $0x2000  }
0x206: {  	[sflag:s28] =	ssyncset.done $0x0  }
0x207: {  	s29 =	simm.s32 $0xA;
	[sflag:s28] =	ssyncadd.s32 $0xFFFFE000  }
0x208: {  	_ =	swait.ge [sflag:s29], $0x2000  }
0x209: {  	[sflag:s29] =	ssyncset.done $0x0  }
0x20a: {  	s5 =	simm.s32 $0xB;
	[sflag:s29] =	ssyncadd.s32 $0xFFFFE000  }
0x20b: {  	_ =	swait.ge [sflag:s5], $0x2000  }
0x20c: {  	[sflag:s5] =	ssyncset.done $0x0  }
0x20d: {  	s13 =	simm.s32 $0xC;
	[sflag:s5] =	ssyncadd.s32 $0xFFFFE000  }
0x20e: {  	s12 =	sand.u32 $0x1C00, s22;
	s14 =	sand.u32 $0x380, s22;
	_ =	swait.ge [sflag:s13], $0x2000  }
0x20f: {  	s15 =	sand.u32 $0x40, s22;
	s4 =	sor.u32 s14, s12;
	[sflag:s13] =	ssyncset.done $0x0  }
0x210: {  	s4 =	sor.u32 s15, s4;
	[sflag:s13] =	ssyncadd.s32 $0xFFFFE000  }
0x211: {  	v1 =	vld [tilespmem:s4+$0x1C030]  }
0x212: {  	v2 =	vld [tilespmem:s4+$0x1C000]  }
0x213: {  	v3 =	vld [tilespmem:s4+$0x1C010];
	_ =	sdelay $0x1  }
0x214: {  	s16 =	sor.u32 $0x10030, s4;
	v0 =	vld [tilespmem:s4+$0x1C020]  }
0x215: {  	s12 =	sor.u32 $0x10000, s4;
	[tilespmem:s16+$0x0] =	vst.add.f32.msk $0xffff, v1  }
0x216: {  	s25 =	sor.u32 $0x10010, s4;
	[tilespmem:s12+$0x0] =	vst.add.f32.msk $0xffff, v2  }
0x217: {  	s17 =	sor.u32 $0x12030, s4;
	[tilespmem:s25+$0x0] =	vst.add.f32.msk $0xffff, v3  }
0x218: {  	s20 =	sor.u32 $0x12000, s4;
	[tilespmem:s17+$0x0] =	vst.add.f32.msk $0xffff, v1  }
0x219: {  	s26 =	sor.u32 $0x12010, s4;
	[tilespmem:s20+$0x0] =	vst.add.f32.msk $0xffff, v2  }
0x21a: {  	s18 =	sor.u32 $0x14030, s4;
	[tilespmem:s26+$0x0] =	vst.add.f32.msk $0xffff, v3  }
0x21b: {  	s23 =	sor.u32 $0x14000, s4;
	[tilespmem:s18+$0x0] =	vst.add.f32.msk $0xffff, v1  }
0x21c: {  	s28 =	sor.u32 $0x14010, s4;
	[tilespmem:s23+$0x0] =	vst.add.f32.msk $0xffff, v2  }
0x21d: {  	s19 =	sor.u32 $0x16030, s4;
	[tilespmem:s28+$0x0] =	vst.add.f32.msk $0xffff, v3  }
0x21e: {  	s14 =	simm.s32 $0x8;
	s15 =	sor.u32 $0x14020, s4;
	s24 =	sor.u32 $0x16000, s4;
	[tilespmem:s19+$0x0] =	vst.add.f32.msk $0xffff, v1  }
0x21f: {  	s29 =	sor.u32 $0x16010, s4;
	s13 =	simm.s32 $0x200;
	s16 =	sor.u32 $0x10020, s4;
	[tilespmem:s24+$0x0] =	vst.add.f32.msk $0xffff, v2  }
0x220: {  	s12 =	sor.u32 $0x16020, s4;
	s23 =	simm.s32 $0x0;
	s19 =	sor.u32 $0x12020, s4;
	[tilespmem:s29+$0x0] =	vst.add.f32.msk $0xffff, v3  }
.LBB2_12:
0x221: {  	s4 =	sand.u32 $0x1C00, s13;
	s5 =	sand.u32 $0x380, s14;
	[tilespmem:s16+$0x0] =	vst.add.f32.msk $0xffff, v0;
	s22 =	sadd.s32 $0x40, s22  }
0x222: {  	s16 =	sand.u32 $0x40, s22;
	s4 =	sor.u32 s5, s4;
	[tilespmem:s19+$0x0] =	vst.add.f32.msk $0xffff, v0  }
0x223: {  	s4 =	sor.u32 s16, s4;
	[tilespmem:s15+$0x0] =	vst.add.f32.msk $0xffff, v0  }
0x224: {  	s23 =	sadd.s32 $0x4, s23;
	s5 =	sor.u32 $0x10000, s4;
	s17 =	sor.u32 $0x12000, s4;
	v1 =	vld [tilespmem:s4+$0x1C030]  }
0x225: {  	p0 =	slt.u32 s23, $0x1FC;
	s18 =	sor.u32 $0x14000, s4;
	s20 =	sor.u32 $0x16000, s4;
	v2 =	vld [tilespmem:s4+$0x1C000]  }
0x226: {  	s24 =	sor.u32 $0x10010, s4;
	s25 =	sor.u32 $0x12010, s4;
	s26 =	sor.u32 $0x14010, s4;
	v3 =	vld [tilespmem:s4+$0x1C010]  }
0x227: {  	s28 =	sor.u32 $0x16010, s4;
	s16 =	sor.u32 $0x10020, s4;
	s19 =	sor.u32 $0x12020, s4;
	v4 =	vld [tilespmem:s4+$0x1C020]  }
0x228: {  	s15 =	sor.u32 $0x14020, s4;
	s29 =	sor.u32 $0x10030, s4;
	[tilespmem:s12+$0x0] =	vst.add.f32.msk $0xffff, v0;
	s12 =	sor.u32 $0x16020, s4  }
0x229: {  	[tilespmem:s29+$0x0] =	vst.add.f32.msk $0xffff, v1;
	s29 =	sor.u32 $0x12030, s4  }
0x22a: {  	[tilespmem:s29+$0x0] =	vst.add.f32.msk $0xffff, v1;
	s29 =	sor.u32 $0x14030, s4  }
0x22b: {  	s4 =	sor.u32 $0x16030, s4;
	[tilespmem:s29+$0x0] =	vst.add.f32.msk $0xffff, v1  }
0x22c: {  	[tilespmem:s4+$0x0] =	vst.add.f32.msk $0xffff, v1;
	v0 =	vmov v4  }
0x22d: {  	[tilespmem:s5+$0x0] =	vst.add.f32.msk $0xffff, v2  }
0x22e: {  	[tilespmem:s17+$0x0] =	vst.add.f32.msk $0xffff, v2  }
0x22f: {  	[tilespmem:s18+$0x0] =	vst.add.f32.msk $0xffff, v2  }
.Ltmp5:
0x230: {  	[tilespmem:s20+$0x0] =	vst.add.f32.msk $0xffff, v2;
	(pc) =	sbr.rel @p0 .LBB2_12-.Ltmp5, $4  }
0x231: {  	[tilespmem:s24+$0x0] =	vst.add.f32.msk $0xffff, v3  }
0x232: {  	[tilespmem:s25+$0x0] =	vst.add.f32.msk $0xffff, v3  }
0x233: {  	[tilespmem:s26+$0x0] =	vst.add.f32.msk $0xffff, v3  }
0x234: {  	s13 =	sadd.s32 $0x200, s13;
	s14 =	sadd.s32 $0x8, s14;
	[tilespmem:s28+$0x0] =	vst.add.f32.msk $0xffff, v3  }
0x235: {  	[tilespmem:s16+$0x0] =	vst.add.f32.msk $0xffff, v0  }
0x236: {  	[tilespmem:s19+$0x0] =	vst.add.f32.msk $0xffff, v0  }
0x237: {  	[tilespmem:s15+$0x0] =	vst.add.f32.msk $0xffff, v0  }
0x238: {  	[tilespmem:s12+$0x0] =	vst.add.f32.msk $0xffff, v0  }
0x239: {  	_ =	swait.ge [sflag:s31], $0x2000  }
0x23a: {  	[sflag:s31] =	ssyncset.done $0x0  }
0x23b: {  	[sflag:s31] =	ssyncadd.s32 $0xFFFFE000  }
0x23c: {  	_ =	swait.ge [sflag:s0], $0x2000  }
0x23d: {  	[sflag:s0] =	ssyncset.done $0x0  }
0x23e: {  	[sflag:s0] =	ssyncadd.s32 $0xFFFFE000  }
0x23f: {  	_ =	swait.ge [sflag:s2], $0x2000  }
0x240: {  	[sflag:s2] =	ssyncset.done $0x0  }
0x241: {  	[sflag:s2] =	ssyncadd.s32 $0xFFFFE000  }
0x242: {  	_ =	swait.ge [sflag:s3], $0x2000  }
0x243: {  	s4 =	sld [smem:$0x7E2]  }
0x244: {  	s22 =	simm.s32 $0x0;
	[sflag:s3] =	ssyncset.done $0x0  }
0x245: {  	s5 =	simm.s32 $0x1A000;
	s28 =	sld [smem:$0x7ED];
	[sflag:s3] =	ssyncadd.s32 $0xFFFFE000  }
0x246: {  	[tilespmem:s5], [sflag:$0x1A] =	stream.linear.gather [hbm4b:s4+s22], $0x2000, $0x38;
	[tilespmem:$0x1E000] =	vst v63  }
0x247: {  	s29 =	simm.s32 $0x8000;
	s12 =	sld [smem:$0x7EE]  }
0x248: {  	[tilespmem:s29], [sflag:$0x5] =	stream.linear.gather [hbm4b:s28+s22], $0x2000, $0x38;
	[tilespmem:$0x1E000] =	vst v63  }
0x249: {  	s13 =	simm.s32 $0xA000;
	s14 =	sld [smem:$0x7EF]  }
0x24a: {  	[tilespmem:s13], [sflag:$0x6] =	stream.linear.gather [hbm4b:s12+s22], $0x2000, $0x38;
	[tilespmem:$0x1E000] =	vst v63  }
0x24b: {  	s15 =	simm.s32 $0xC000;
	s16 =	sld [smem:$0x7F0]  }
0x24c: {  	[tilespmem:s15], [sflag:$0x7] =	stream.linear.gather [hbm4b:s14+s22], $0x2000, $0x38;
	[tilespmem:$0x1E000] =	vst v63  }
0x24d: {  	s17 =	simm.s32 $0xE000;
	s18 =	sld [smem:$0x7F1]  }
0x24e: {  	[tilespmem:s17], [sflag:$0x8] =	stream.linear.gather [hbm4b:s16+s22], $0x2000, $0x38;
	[tilespmem:$0x1E000] =	vst v63  }
0x24f: {  	s19 =	simm.s32 $0x10000;
	s20 =	sld [smem:$0x7F2]  }
0x250: {  	[hbm4b:s18+s22] =	stream.linear.scatter [tilespmem:s19], [sflag:$0x15], $0x2000, $0x38;
	[tilespmem:$0x1E000] =	vst v63  }
0x251: {  	s23 =	simm.s32 $0x12000;
	s24 =	sld [smem:$0x7F3]  }
0x252: {  	[hbm4b:s20+s22] =	stream.linear.scatter [tilespmem:s23], [sflag:$0x16], $0x2000, $0x38;
	[tilespmem:$0x1E000] =	vst v63  }
0x253: {  	s25 =	simm.s32 $0x14000;
	s26 =	sld [smem:$0x7F4]  }
0x254: {  	[hbm4b:s24+s22] =	stream.linear.scatter [tilespmem:s25], [sflag:$0x17], $0x2000, $0x38;
	[tilespmem:$0x1E000] =	vst v63  }
0x255: {  	s28 =	simm.s32 $0x16000;
	s29 =	simm.s32 $0x19  }
0x256: {  	[hbm4b:s26+s22] =	stream.linear.scatter [tilespmem:s28], [sflag:$0x18], $0x2000, $0x38;
	[tilespmem:$0x1E000] =	vst v63  }
0x257: {  	_ =	swait.ge [sflag:s29], $0x2000  }
0x258: {  	[sflag:s29] =	ssyncset.done $0x0  }
0x259: {  	s5 =	simm.s32 $0x1;
	[sflag:s29] =	ssyncadd.s32 $0xFFFFE000  }
0x25a: {  	_ =	swait.ge [sflag:s5], $0x2000  }
0x25b: {  	[sflag:s5] =	ssyncset.done $0x0  }
0x25c: {  	s12 =	simm.s32 $0x2;
	[sflag:s5] =	ssyncadd.s32 $0xFFFFE000  }
0x25d: {  	_ =	swait.ge [sflag:s12], $0x2000  }
0x25e: {  	[sflag:s12] =	ssyncset.done $0x0  }
0x25f: {  	s13 =	simm.s32 $0x3;
	[sflag:s12] =	ssyncadd.s32 $0xFFFFE000  }
0x260: {  	_ =	swait.ge [sflag:s13], $0x2000  }
0x261: {  	[sflag:s13] =	ssyncset.done $0x0  }
0x262: {  	[sflag:s13] =	ssyncadd.s32 $0xFFFFE000;
	s13 =	simm.s32 $0x4  }
0x263: {  	s14 =	sand.u32 $0x1C00, s22;
	s15 =	sand.u32 $0x380, s22;
	_ =	swait.ge [sflag:s13], $0x2000  }
0x264: {  	s4 =	sor.u32 s15, s14;
	s16 =	sand.u32 $0x40, s22;
	[sflag:s13] =	ssyncset.done $0x0  }
0x265: {  	s4 =	sor.u32 s16, s4;
	[sflag:s13] =	ssyncadd.s32 $0xFFFFE000  }
0x266: {  	v1 =	vld [tilespmem:s4+$0x18030]  }
0x267: {  	v2 =	vld [tilespmem:s4+$0x18000]  }
0x268: {  	v3 =	vld [tilespmem:s4+$0x18010];
	_ =	sdelay $0x1  }
0x269: {  	s17 =	sor.u32 $0x30, s4;
	v0 =	vld [tilespmem:s4+$0x18020]  }
0x26a: {  	[tilespmem:s17+$0x0] =	vst.add.f32.msk $0xffff, v1  }
0x26b: {  	s25 =	sor.u32 $0x10, s4;
	[tilespmem:s4+$0x0] =	vst.add.f32.msk $0xffff, v2  }
0x26c: {  	s18 =	sor.u32 $0x2030, s4;
	[tilespmem:s25+$0x0] =	vst.add.f32.msk $0xffff, v3  }
0x26d: {  	s23 =	sor.u32 $0x2000, s4;
	[tilespmem:s18+$0x0] =	vst.add.f32.msk $0xffff, v1  }
0x26e: {  	s26 =	sor.u32 $0x2010, s4;
	[tilespmem:s23+$0x0] =	vst.add.f32.msk $0xffff, v2  }
0x26f: {  	s19 =	sor.u32 $0x4030, s4;
	[tilespmem:s26+$0x0] =	vst.add.f32.msk $0xffff, v3  }
0x270: {  	s12 =	sor.u32 $0x4000, s4;
	[tilespmem:s19+$0x0] =	vst.add.f32.msk $0xffff, v1  }
0x271: {  	s28 =	sor.u32 $0x4010, s4;
	[tilespmem:s12+$0x0] =	vst.add.f32.msk $0xffff, v2  }
0x272: {  	s20 =	sor.u32 $0x6030, s4;
	[tilespmem:s28+$0x0] =	vst.add.f32.msk $0xffff, v3  }
0x273: {  	s14 =	simm.s32 $0x8;
	s16 =	sor.u32 $0x20, s4;
	s24 =	sor.u32 $0x6000, s4;
	[tilespmem:s20+$0x0] =	vst.add.f32.msk $0xffff, v1  }
0x274: {  	s15 =	sor.u32 $0x4020, s4;
	s29 =	sor.u32 $0x6010, s4;
	s13 =	simm.s32 $0x200;
	[tilespmem:s24+$0x0] =	vst.add.f32.msk $0xffff, v2  }
0x275: {  	s23 =	simm.s32 $0x0;
	s19 =	sor.u32 $0x2020, s4;
	s12 =	sor.u32 $0x6020, s4;
	[tilespmem:s29+$0x0] =	vst.add.f32.msk $0xffff, v3  }
.LBB2_14:
0x276: {  	s4 =	sand.u32 $0x1C00, s13;
	s5 =	sand.u32 $0x380, s14;
	[tilespmem:s16+$0x0] =	vst.add.f32.msk $0xffff, v0;
	s22 =	sadd.s32 $0x40, s22  }
0x277: {  	s16 =	sand.u32 $0x40, s22;
	s4 =	sor.u32 s5, s4;
	[tilespmem:s19+$0x0] =	vst.add.f32.msk $0xffff, v0  }
0x278: {  	s4 =	sor.u32 s16, s4;
	[tilespmem:s15+$0x0] =	vst.add.f32.msk $0xffff, v0  }
0x279: {  	s23 =	sadd.s32 $0x4, s23;
	s5 =	sor.u32 $0x2000, s4;
	s17 =	sor.u32 $0x4000, s4;
	v1 =	vld [tilespmem:s4+$0x18030]  }
0x27a: {  	p0 =	slt.u32 s23, $0x1FC;
	s18 =	sor.u32 $0x6000, s4;
	s20 =	sor.u32 $0x10, s4;
	v2 =	vld [tilespmem:s4+$0x18000]  }
0x27b: {  	s24 =	sor.u32 $0x2010, s4;
	s25 =	sor.u32 $0x4010, s4;
	s26 =	sor.u32 $0x6010, s4;
	v3 =	vld [tilespmem:s4+$0x18010]  }
0x27c: {  	s16 =	sor.u32 $0x20, s4;
	s19 =	sor.u32 $0x2020, s4;
	s15 =	sor.u32 $0x4020, s4;
	v4 =	vld [tilespmem:s4+$0x18020]  }
0x27d: {  	s28 =	sor.u32 $0x30, s4;
	[tilespmem:s12+$0x0] =	vst.add.f32.msk $0xffff, v0;
	s12 =	sor.u32 $0x6020, s4  }
0x27e: {  	[tilespmem:s28+$0x0] =	vst.add.f32.msk $0xffff, v1;
	s28 =	sor.u32 $0x2030, s4  }
0x27f: {  	[tilespmem:s28+$0x0] =	vst.add.f32.msk $0xffff, v1;
	s28 =	sor.u32 $0x4030, s4  }
0x280: {  	[tilespmem:s28+$0x0] =	vst.add.f32.msk $0xffff, v1;
	s28 =	sor.u32 $0x6030, s4  }
0x281: {  	[tilespmem:s28+$0x0] =	vst.add.f32.msk $0xffff, v1;
	v0 =	vmov v4  }
0x282: {  	[tilespmem:s4+$0x0] =	vst.add.f32.msk $0xffff, v2  }
0x283: {  	[tilespmem:s5+$0x0] =	vst.add.f32.msk $0xffff, v2  }
0x284: {  	[tilespmem:s17+$0x0] =	vst.add.f32.msk $0xffff, v2  }
.Ltmp6:
0x285: {  	[tilespmem:s18+$0x0] =	vst.add.f32.msk $0xffff, v2;
	(pc) =	sbr.rel @p0 .LBB2_14-.Ltmp6, $4  }
0x286: {  	[tilespmem:s20+$0x0] =	vst.add.f32.msk $0xffff, v3  }
0x287: {  	[tilespmem:s24+$0x0] =	vst.add.f32.msk $0xffff, v3  }
0x288: {  	[tilespmem:s25+$0x0] =	vst.add.f32.msk $0xffff, v3  }
0x289: {  	s13 =	sadd.s32 $0x200, s13;
	s14 =	sadd.s32 $0x8, s14;
	[tilespmem:s26+$0x0] =	vst.add.f32.msk $0xffff, v3  }
0x28a: {  	[tilespmem:s16+$0x0] =	vst.add.f32.msk $0xffff, v0  }
0x28b: {  	[tilespmem:s19+$0x0] =	vst.add.f32.msk $0xffff, v0  }
0x28c: {  	[tilespmem:s15+$0x0] =	vst.add.f32.msk $0xffff, v0  }
0x28d: {  	[tilespmem:s12+$0x0] =	vst.add.f32.msk $0xffff, v0  }
0x28e: {  	s4 =	sld [smem:$0x7F5];
	_ =	sdelay $0x1  }
0x28f: {  	s22 =	simm.s32 $0x0;
	s24 =	sld [smem:$0x7F6]  }
0x290: {  	[hbm4b:s4+s22] =	stream.linear.scatter [tilespmem:s22], [sflag:$0xD], $0x2000, $0x38;
	[tilespmem:$0x1E000] =	vst v63  }
0x291: {  	s5 =	simm.s32 $0x2000;
	s25 =	sld [smem:$0x7F7]  }
0x292: {  	[hbm4b:s24+s22] =	stream.linear.scatter [tilespmem:s5], [sflag:$0xE], $0x2000, $0x38;
	[tilespmem:$0x1E000] =	vst v63  }
0x293: {  	s26 =	simm.s32 $0x4000;
	s28 =	sld [smem:$0x7F8]  }
0x294: {  	[hbm4b:s25+s22] =	stream.linear.scatter [tilespmem:s26], [sflag:$0xF], $0x2000, $0x38;
	[tilespmem:$0x1E000] =	vst v63  }
0x295: {  	s29 =	simm.s32 $0x6000;
	s12 =	simm.s32 $0x1A  }
0x296: {  	[hbm4b:s28+s22] =	stream.linear.scatter [tilespmem:s29], [sflag:$0x10], $0x2000, $0x38;
	[tilespmem:$0x1E000] =	vst v63  }
0x297: {  	_ =	swait.ge [sflag:s12], $0x2000  }
0x298: {  	[sflag:s12] =	ssyncset.done $0x0  }
0x299: {  	s13 =	simm.s32 $0x5;
	[sflag:s12] =	ssyncadd.s32 $0xFFFFE000  }
0x29a: {  	_ =	swait.ge [sflag:s13], $0x2000  }
0x29b: {  	[sflag:s13] =	ssyncset.done $0x0  }
0x29c: {  	[sflag:s13] =	ssyncadd.s32 $0xFFFFE000  }
0x29d: {  	_ =	swait.ge [sflag:s6], $0x2000  }
0x29e: {  	[sflag:s6] =	ssyncset.done $0x0  }
0x29f: {  	[sflag:s6] =	ssyncadd.s32 $0xFFFFE000  }
0x2a0: {  	_ =	swait.ge [sflag:s7], $0x2000  }
0x2a1: {  	[sflag:s7] =	ssyncset.done $0x0  }
0x2a2: {  	[sflag:s7] =	ssyncadd.s32 $0xFFFFE000  }
0x2a3: {  	s14 =	sand.u32 $0x1C00, s22;
	s15 =	sand.u32 $0x380, s22;
	_ =	swait.ge [sflag:s8], $0x2000  }
0x2a4: {  	s16 =	sand.u32 $0x40, s22;
	s4 =	sor.u32 s15, s14;
	[sflag:s8] =	ssyncset.done $0x0  }
0x2a5: {  	s4 =	sor.u32 s16, s4;
	[sflag:s8] =	ssyncadd.s32 $0xFFFFE000  }
0x2a6: {  	v1 =	vld [tilespmem:s4+$0x1A030]  }
0x2a7: {  	v2 =	vld [tilespmem:s4+$0x1A000]  }
0x2a8: {  	v3 =	vld [tilespmem:s4+$0x1A010];
	_ =	sdelay $0x1  }
0x2a9: {  	s17 =	sor.u32 $0x8030, s4;
	v0 =	vld [tilespmem:s4+$0x1A020]  }
0x2aa: {  	s12 =	sor.u32 $0x8000, s4;
	[tilespmem:s17+$0x0] =	vst.add.f32.msk $0xffff, v1  }
0x2ab: {  	s26 =	sor.u32 $0x8010, s4;
	[tilespmem:s12+$0x0] =	vst.add.f32.msk $0xffff, v2  }
0x2ac: {  	s18 =	sor.u32 $0xA030, s4;
	[tilespmem:s26+$0x0] =	vst.add.f32.msk $0xffff, v3  }
0x2ad: {  	s23 =	sor.u32 $0xA000, s4;
	[tilespmem:s18+$0x0] =	vst.add.f32.msk $0xffff, v1  }
0x2ae: {  	s28 =	sor.u32 $0xA010, s4;
	[tilespmem:s23+$0x0] =	vst.add.f32.msk $0xffff, v2  }
0x2af: {  	s19 =	sor.u32 $0xC030, s4;
	[tilespmem:s28+$0x0] =	vst.add.f32.msk $0xffff, v3  }
0x2b0: {  	s24 =	sor.u32 $0xC000, s4;
	[tilespmem:s19+$0x0] =	vst.add.f32.msk $0xffff, v1  }
0x2b1: {  	s29 =	sor.u32 $0xC010, s4;
	[tilespmem:s24+$0x0] =	vst.add.f32.msk $0xffff, v2  }
0x2b2: {  	s20 =	sor.u32 $0xE030, s4;
	[tilespmem:s29+$0x0] =	vst.add.f32.msk $0xffff, v3  }
0x2b3: {  	s14 =	simm.s32 $0x8;
	s16 =	sor.u32 $0x8020, s4;
	s25 =	sor.u32 $0xE000, s4;
	[tilespmem:s20+$0x0] =	vst.add.f32.msk $0xffff, v1  }
0x2b4: {  	s15 =	sor.u32 $0xC020, s4;
	s13 =	sor.u32 $0xE010, s4;
	s12 =	sor.u32 $0xE020, s4;
	[tilespmem:s25+$0x0] =	vst.add.f32.msk $0xffff, v2  }
0x2b5: {  	s23 =	simm.s32 $0x0;
	s19 =	sor.u32 $0xA020, s4;
	[tilespmem:s13+$0x0] =	vst.add.f32.msk $0xffff, v3;
	s13 =	simm.s32 $0x200  }
.LBB2_16:
0x2b6: {  	s4 =	sand.u32 $0x1C00, s13;
	s5 =	sand.u32 $0x380, s14;
	[tilespmem:s16+$0x0] =	vst.add.f32.msk $0xffff, v0;
	s22 =	sadd.s32 $0x40, s22  }
0x2b7: {  	s16 =	sand.u32 $0x40, s22;
	s4 =	sor.u32 s5, s4;
	[tilespmem:s19+$0x0] =	vst.add.f32.msk $0xffff, v0  }
0x2b8: {  	s4 =	sor.u32 s16, s4;
	[tilespmem:s15+$0x0] =	vst.add.f32.msk $0xffff, v0  }
0x2b9: {  	s23 =	sadd.s32 $0x4, s23;
	s5 =	sor.u32 $0x8000, s4;
	s17 =	sor.u32 $0xA000, s4;
	v1 =	vld [tilespmem:s4+$0x1A030]  }
0x2ba: {  	p0 =	slt.u32 s23, $0x1FC;
	s18 =	sor.u32 $0xC000, s4;
	s20 =	sor.u32 $0xE000, s4;
	v2 =	vld [tilespmem:s4+$0x1A000]  }
0x2bb: {  	s24 =	sor.u32 $0x8010, s4;
	s25 =	sor.u32 $0xA010, s4;
	s26 =	sor.u32 $0xC010, s4;
	v3 =	vld [tilespmem:s4+$0x1A010]  }
0x2bc: {  	s28 =	sor.u32 $0xE010, s4;
	s16 =	sor.u32 $0x8020, s4;
	s19 =	sor.u32 $0xA020, s4;
	v4 =	vld [tilespmem:s4+$0x1A020]  }
0x2bd: {  	s15 =	sor.u32 $0xC020, s4;
	s29 =	sor.u32 $0x8030, s4;
	[tilespmem:s12+$0x0] =	vst.add.f32.msk $0xffff, v0;
	s12 =	sor.u32 $0xE020, s4  }
0x2be: {  	[tilespmem:s29+$0x0] =	vst.add.f32.msk $0xffff, v1;
	s29 =	sor.u32 $0xA030, s4  }
0x2bf: {  	[tilespmem:s29+$0x0] =	vst.add.f32.msk $0xffff, v1;
	s29 =	sor.u32 $0xC030, s4  }
0x2c0: {  	s4 =	sor.u32 $0xE030, s4;
	[tilespmem:s29+$0x0] =	vst.add.f32.msk $0xffff, v1  }
0x2c1: {  	[tilespmem:s4+$0x0] =	vst.add.f32.msk $0xffff, v1;
	v0 =	vmov v4  }
0x2c2: {  	[tilespmem:s5+$0x0] =	vst.add.f32.msk $0xffff, v2  }
0x2c3: {  	[tilespmem:s17+$0x0] =	vst.add.f32.msk $0xffff, v2  }
0x2c4: {  	[tilespmem:s18+$0x0] =	vst.add.f32.msk $0xffff, v2  }
.Ltmp7:
0x2c5: {  	[tilespmem:s20+$0x0] =	vst.add.f32.msk $0xffff, v2;
	(pc) =	sbr.rel @p0 .LBB2_16-.Ltmp7, $4  }
0x2c6: {  	[tilespmem:s24+$0x0] =	vst.add.f32.msk $0xffff, v3  }
0x2c7: {  	[tilespmem:s25+$0x0] =	vst.add.f32.msk $0xffff, v3  }
0x2c8: {  	[tilespmem:s26+$0x0] =	vst.add.f32.msk $0xffff, v3  }
0x2c9: {  	s13 =	sadd.s32 $0x200, s13;
	s14 =	sadd.s32 $0x8, s14;
	[tilespmem:s28+$0x0] =	vst.add.f32.msk $0xffff, v3  }
0x2ca: {  	[tilespmem:s16+$0x0] =	vst.add.f32.msk $0xffff, v0  }
0x2cb: {  	[tilespmem:s19+$0x0] =	vst.add.f32.msk $0xffff, v0  }
0x2cc: {  	[tilespmem:s15+$0x0] =	vst.add.f32.msk $0xffff, v0  }
0x2cd: {  	[tilespmem:s12+$0x0] =	vst.add.f32.msk $0xffff, v0  }
0x2ce: {  	s4 =	sld [smem:$0x7F9];
	_ =	sdelay $0x1  }
0x2cf: {  	s12 =	simm.s32 $0x8000;
	s20 =	sld [smem:$0x7FA]  }
0x2d0: {  	[hbm4b:s4+s1] =	stream.linear.scatter [tilespmem:s12], [sflag:$0x11], $0x2000, $0x38;
	[tilespmem:$0x1E000] =	vst v63  }
0x2d1: {  	s13 =	simm.s32 $0xA000;
	s22 =	sld [smem:$0x7FB]  }
0x2d2: {  	[hbm4b:s20+s1] =	stream.linear.scatter [tilespmem:s13], [sflag:$0x12], $0x2000, $0x38;
	[tilespmem:$0x1E000] =	vst v63  }
0x2d3: {  	s14 =	simm.s32 $0xC000;
	s23 =	sld [smem:$0x7FC]  }
0x2d4: {  	[hbm4b:s22+s1] =	stream.linear.scatter [tilespmem:s14], [sflag:$0x13], $0x2000, $0x38;
	[tilespmem:$0x1E000] =	vst v63  }
0x2d5: {  	s24 =	simm.s32 $0x15;
	s15 =	simm.s32 $0xE000  }
0x2d6: {  	[hbm4b:s23+s1] =	stream.linear.scatter [tilespmem:s15], [sflag:$0x14], $0x2000, $0x38;
	[tilespmem:$0x1E000] =	vst v63  }
0x2d7: {  	_ =	swait.ge [sflag:s24], $0x2000  }
0x2d8: {  	[sflag:s24] =	ssyncset.done $0x0  }
0x2d9: {  	s25 =	simm.s32 $0x16;
	[sflag:s24] =	ssyncadd.s32 $0xFFFFE000  }
0x2da: {  	_ =	swait.ge [sflag:s25], $0x2000  }
0x2db: {  	[sflag:s25] =	ssyncset.done $0x0  }
0x2dc: {  	s26 =	simm.s32 $0x17;
	[sflag:s25] =	ssyncadd.s32 $0xFFFFE000  }
0x2dd: {  	_ =	swait.ge [sflag:s26], $0x2000  }
0x2de: {  	[sflag:s26] =	ssyncset.done $0x0  }
0x2df: {  	s28 =	simm.s32 $0x18;
	[sflag:s26] =	ssyncadd.s32 $0xFFFFE000  }
0x2e0: {  	_ =	swait.ge [sflag:s28], $0x2000  }
0x2e1: {  	[sflag:s28] =	ssyncset.done $0x0  }
0x2e2: {  	[sflag:s28] =	ssyncadd.s32 $0xFFFFE000  }
0x2e3: {  	_ =	swait.ge [sflag:s9], $0x2000  }
0x2e4: {  	[sflag:s9] =	ssyncset.done $0x0  }
0x2e5: {  	[sflag:s9] =	ssyncadd.s32 $0xFFFFE000  }
0x2e6: {  	_ =	swait.ge [sflag:s10], $0x2000  }
0x2e7: {  	[sflag:s10] =	ssyncset.done $0x0  }
0x2e8: {  	[sflag:s10] =	ssyncadd.s32 $0xFFFFE000  }
0x2e9: {  	_ =	swait.ge [sflag:s11], $0x2000  }
0x2ea: {  	[sflag:s11] =	ssyncset.done $0x0  }
0x2eb: {  	[sflag:s11] =	ssyncadd.s32 $0xFFFFE000  }
0x2ec: {  	_ =	swait.ge [sflag:s30], $0x2000  }
0x2ed: {  	[sflag:s30] =	ssyncset.done $0x0  }
0x2ee: {  	[sflag:s30] =	ssyncadd.s32 $0xFFFFE000  }
0x2ef: {  	_ =	swait.ge [sflag:s31], $0x2000  }
0x2f0: {  	[sflag:s31] =	ssyncset.done $0x0  }
0x2f1: {  	[sflag:s31] =	ssyncadd.s32 $0xFFFFE000  }
0x2f2: {  	_ =	swait.ge [sflag:s0], $0x2000  }
0x2f3: {  	[sflag:s0] =	ssyncset.done $0x0  }
0x2f4: {  	[sflag:s0] =	ssyncadd.s32 $0xFFFFE000  }
0x2f5: {  	_ =	swait.ge [sflag:s2], $0x2000  }
0x2f6: {  	[sflag:s2] =	ssyncset.done $0x0  }
0x2f7: {  	[sflag:s2] =	ssyncadd.s32 $0xFFFFE000  }
0x2f8: {  	_ =	swait.ge [sflag:s3], $0x2000  }
0x2f9: {  	s29 =	sld [smem:$0x7FD];
	_ =	sdelay $0x1  }
0x2fa: {  	s21 =	sadd.s32 $0x1, s21  }
0x2fb: {  	p0 =	sne.s32 s21, s29  }
.Ltmp8:
0x2fc: {  	_ = 	snop;
	(pc) =	sbr.rel @p0 .LBB2_1-.Ltmp8, $3  }
0x2fd: {  	_ =	sdelay $0x1  }
0x2fe: {  	[sflag:s3] =	ssyncset.done $0x0  }
0x2ff: {  	[sflag:s3] =	ssyncadd.s32 $0xFFFFE000  }
0x300: {  	_ =	sfence.sel $0x180000  }
0x301: {  	[bflag:$0x0] =	sbarrier.arrive $0xFFFF  }
0x302: {  	_ =	strace $0x90000047  }
0x303: {  	s0 =	stileid.u32;
	[bflag:$0x2] =	sbarrier.arrive $0xFFFF  }
0x304: {  	p0 =	sne.s32 s0, $0x0;
	s0 =	rddreg [dreg:$0x3]  }
0x305: {  	s0 =	sadd.s32 @!p0 $0x100000, s0  }
0x306: {  	[sflag:s0] =	ssyncadd.tile.s32 @!p0 $0x1;
	_ =	shalt  }
.Lfunc_end2:
_tile_overlayer_lowered:
.L_overlay_start_2:
0x307: {  	(tag) =	ssettag $0x2  }
0x308: {  	s0 =	rddreg [dreg:$0x0];
	s2 =	stileid.u32  }
0x309: {  	s1 =	rddreg [dreg:$0x1];
	p0 =	sne.s32 s2, $0x0  }
0x30a: {  	s3 =	rddreg [dreg:$0x2];
	[bflag:$0x3] =	sbarrier.arrive $0xFFFF;
	s2 =	simm.s32 @!p0 $0x1C1C  }
0x30b: {  	[timem:s3], [sflag:s2] =	dma.local @!p0 [hbm:s0], s1  }
0x30c: {  	s0 =	simm.s32 @!p0 $0x1C  }
0x30d: {  	_ =	swait.ge @!p0 [sflag:s0], s1  }
0x30e: {  	s1 =	ssub.s32 @!p0 $0x0, s1;
	[sflag:s0] =	ssyncset.done @!p0 $0x0  }
0x30f: {  	[sflag:s0] =	ssyncadd.s32 @!p0 s1  }
0x310: {  	[bflag:$0x3] =	sbarrier.arrive $0xFFFF  }
0x311: {  	_ =	shalt  }

</sc_bundles>
